<compile_context>
chip_gen: v7x
topology: tpu7x:2x2x1
jax: 0.10.2.dev20260603
libtpu: 0.0.44.dev20260713+nightly
codegen_flags: <defaults>
</compile_context>

<pallas_src>
import functools

import jax
import jax.numpy as jnp
from jax import lax
from jax.experimental import pallas as pl
from jax.experimental.pallas import tpu as pltpu
from jax.experimental.pallas import tpu_sc as plsc

NC = 2
NS = 16
NW = NC * NS
CB = 128


@functools.cache
def _make_gather(V, D, BATCH, SEQ):
    assert BATCH % (NW * CB) == 0 and D % 8 == 0
    BW = BATCH // NW
    NJ = BW // CB
    n_chunks = SEQ * NJ
    assert n_chunks % 2 == 0
    mesh = plsc.VectorSubcoreMesh(core_axis_name="c", subcore_axis_name="s")

    @functools.partial(
        pl.kernel,
        out_type=jax.ShapeDtypeStruct((SEQ, D // 8, BATCH // CB, 8, CB),
                                      jnp.float32),
        mesh=mesh,
        scratch_types=[
            pltpu.VMEM((SEQ, BW), jnp.int32),
            pltpu.VMEM((4, CB, D), jnp.float32),
            pltpu.VMEM((2, D // 8, 8, CB + 1), jnp.float32),
            pltpu.SemaphoreType.DMA,
            pltpu.SemaphoreType.DMA,
            pltpu.SemaphoreType.DMA,
            pltpu.SemaphoreType.DMA,
            pltpu.SemaphoreType.DMA,
            pltpu.SemaphoreType.DMA,
        ],
        compiler_params=pltpu.CompilerParams(
            use_tc_tiling_on_sc=False, needs_layout_passes=False),
    )
    def gather_kernel(table_hbm, xt_hbm, out_hbm, idx_v, rows_v, tbuf,
                      sem_g0, sem_g1, sem_g2, sem_g3, sem_s0, sem_s1):
        wid = lax.axis_index("s") * NC + lax.axis_index("c")
        wb0 = wid * BW
        wbt0 = wid * NJ
        sem_g = (sem_g0, sem_g1, sem_g2, sem_g3)
        sem_s = (sem_s0, sem_s1)

        pltpu.sync_copy(xt_hbm.at[:, pl.ds(wb0, BW)], idx_v)

        iota = lax.iota(jnp.int32, 16)
        bidx = [iota + 16 * g for g in range(CB // 16)]

        def split(c):
            s = c // NJ
            j = c - s * NJ
            return s, j

        def gather_desc(c, buf):
            s, j = split(c)
            return pltpu.make_async_copy(
                table_hbm.at[idx_v.at[s, pl.ds(j * CB, CB)]],
                rows_v.at[buf],
                sem_g[buf],
            )

        def fire(c, buf):
            s, j = split(c)
            pltpu.async_copy(
                table_hbm.at[idx_v.at[s, pl.ds(j * CB, CB)]],
                rows_v.at[buf],
                sem_g[buf],
            )

        def store_desc(c, buf):
            s, j = split(c)
            return pltpu.make_async_copy(
                tbuf.at[buf].at[:, :, pl.ds(0, CB)],
                out_hbm.at[s, :, wbt0 + j],
                sem_s[buf],
            )

        dhi = [(16 * k + iota) // 8 for k in range(D // 16)]
        dlo = iota % 8

        zeros16 = jnp.zeros((16,), dtype=jnp.int32)

        def transpose(buf, tbi):
            rows = rows_v.at[buf]
            tb = tbuf.at[tbi]

            @plsc.parallel_loop(0, CB, unroll=8)
            def _(b):
                bvec = zeros16 + b
                for k in range(D // 16):
                    v = rows[b, pl.ds(16 * k, 16)]
                    plsc.store_scatter(tb, [dhi[k], dlo, bvec], v)

        fire(0, 0)
        fire(1, 1)
        fire(2, 2)

        @pl.loop(0, n_chunks, step=4)
        def _(c0):
            for r in range(4):
                c = c0 + r
                u = r
                t = r % 2

                @pl.when(c + 3 < n_chunks)
                def _():
                    fire(c + 3, (r + 3) % 4)

                gather_desc(c, u).wait()

                @pl.when(c >= 2)
                def _():
                    store_desc(c - 2, t).wait()

                transpose(u, t)

                s, j = split(c)
                pltpu.async_copy(
                    tbuf.at[t].at[:, :, pl.ds(0, CB)],
                    out_hbm.at[s, :, wbt0 + j], sem_s[t])

        store_desc(n_chunks - 2, 0).wait()
        store_desc(n_chunks - 1, 1).wait()

    return gather_kernel


def kernel(X, emb):
    batch, seq = X.shape
    D = emb.shape[1]
    Xt = X.T.astype(jnp.int32)
    out5 = _make_gather(emb.shape[0], D, batch, seq)(emb, Xt)
    return out5.transpose(2, 4, 0, 1, 3).reshape(batch, seq, D)

# --- scband reference (transcript-rebuilt; emitter-appended) ---
"""Pipeline reference for scband-token-embedding-67619965108464 (READ-ONLY COPY).

The authoritative reference and input builder live on the scoring server;
editing this copy changes nothing except your own understanding.
"""

import jax, jax.numpy as jnp
import numpy as np

VOCAB = 1000000
DIM = 64
BATCH = 16384
SEQ = 50


def setup_inputs(seed: int = 0) -> dict:
    key = jax.random.key(seed)
    k_idx, k_emb = jax.random.split(key)
    X = jax.random.randint(k_idx, (BATCH, SEQ), 0, VOCAB, dtype=jnp.int64 if jax.config.jax_enable_x64 else jnp.int32)
    emb = jax.random.normal(k_emb, (VOCAB, DIM), dtype=jnp.float32)
    return {"X": X, "emb": emb}


def reference(X, emb):
    # nn.Embedding forward == row gather from the embedding table
    return jnp.take(emb, X, axis=0)

if __name__ == "__main__":
    import jax
    _d = setup_inputs()
    print(jax.jit(kernel)(*tuple(_d.values())))

</pallas_src>

<mosaic_0001>
#map = affine_map<(d0, d1) -> (0, 0)>
#map1 = affine_map<(d0, d1) -> (0, 0, 0, 0, 0)>
module attributes {stable_mosaic.version = 14 : i64} {
  func.func @gather_kernel(%arg0: i32, %arg1: i32, %arg2: memref<1000000x64xf32, #tpu.memory_space<hbm>>, %arg3: memref<50x16384xi32, #tpu.memory_space<hbm>>, %arg4: memref<50x8x128x8x128xf32, #tpu.memory_space<hbm>>, %arg5: memref<50x512xi32, #tpu.memory_space<vmem>>, %arg6: memref<4x128x64xf32, #tpu.memory_space<vmem>>, %arg7: memref<2x8x8x129xf32, #tpu.memory_space<vmem>>, %arg8: memref<!tpu.dma_semaphore, #tpu.memory_space<semaphore_mem>>, %arg9: memref<!tpu.dma_semaphore, #tpu.memory_space<semaphore_mem>>, %arg10: memref<!tpu.dma_semaphore, #tpu.memory_space<semaphore_mem>>, %arg11: memref<!tpu.dma_semaphore, #tpu.memory_space<semaphore_mem>>, %arg12: memref<!tpu.dma_semaphore, #tpu.memory_space<semaphore_mem>>, %arg13: memref<!tpu.dma_semaphore, #tpu.memory_space<semaphore_mem>>) attributes {dimension_semantics = [#tpu.dimension_semantics<core_parallel>, #tpu.dimension_semantics<subcore_parallel>], iteration_bounds = array<i64: 2, 16>, scalar_prefetch = 0 : i64, scratch_operands = 9 : i64, tpu.core_type = #tpu.core_type<sc_vector_subcore>, window_params = [{transform_indices = #map}, {transform_indices = #map}, {transform_indices = #map1}]} {
    %mul3A = arith.constant 2 : i32
    %mul3A_0 = arith.muli %arg1, %mul3A : i32
    %add3A = arith.addi %mul3A_0, %arg0 : i32
    %mul3A_1 = arith.constant 512 : i32
    %mul3A_2 = arith.muli %add3A, %mul3A_1 : i32
    %mul3A_3 = arith.constant 4 : i32
    %mul3A_4 = arith.muli %add3A, %mul3A_3 : i32
    "tpu.region"() ({
      %run_scoped3A = tpu.sem_alloc : memref<!tpu.dma_semaphore, #tpu.memory_space<semaphore_mem>>
      %dma_start3A_280 = arith.constant 0 : i32
      %dma_start3A_281 = tpu.memref_slice %arg3[%dma_start3A_280, %mul3A_2] : memref<50x16384xi32, #tpu.memory_space<hbm>> -> memref<50x512xi32, #tpu.memory_space<hbm>>
      %dma_start3A_282 = arith.constant 0 : i32
      %dma_start3A_283 = tpu.memref_slice %arg3[%dma_start3A_282, %mul3A_2] : memref<50x16384xi32, #tpu.memory_space<hbm>> -> memref<50x512xi32, #tpu.memory_space<hbm>>
      tpu.enqueue_dma source(%dma_start3A_283 : memref<50x512xi32, #tpu.memory_space<hbm>>) target(%arg5 : memref<50x512xi32, #tpu.memory_space<vmem>>) target_semaphore(%run_scoped3A : memref<!tpu.dma_semaphore, #tpu.memory_space<semaphore_mem>>)
      %dma_wait3A_284 = arith.constant 0 : i32
      %dma_wait3A_285 = tpu.memref_slice %arg3[%dma_wait3A_284, %mul3A_2] : memref<50x16384xi32, #tpu.memory_space<hbm>> -> memref<50x512xi32, #tpu.memory_space<hbm>>
      %dma_wait3A_286 = arith.constant 0 : i32
      %dma_wait3A_287 = tpu.memref_slice %arg3[%dma_wait3A_286, %mul3A_2] : memref<50x16384xi32, #tpu.memory_space<hbm>> -> memref<50x512xi32, #tpu.memory_space<hbm>>
      tpu.wait_dma2 semaphore(%run_scoped3A : memref<!tpu.dma_semaphore, #tpu.memory_space<semaphore_mem>>) src(%dma_wait3A_287 : memref<50x512xi32, #tpu.memory_space<hbm>>) dst(%arg5 : memref<50x512xi32, #tpu.memory_space<vmem>>)
      tpu.yield
    }) : () -> ()
    %iota3A = tpu.iota {dimensions = array<i32: 0>} : vector<16xi32>
    %add3A_5 = arith.constant 0 : i32
    %add3A_6 = vector.broadcast %add3A_5 : i32 to vector<16xi32>
    %add3A_7 = arith.addi %iota3A, %add3A_6 : vector<16xi32>
    %add3A_8 = arith.constant 16 : i32
    %add3A_9 = vector.broadcast %add3A_8 : i32 to vector<16xi32>
    %add3A_10 = arith.addi %iota3A, %add3A_9 : vector<16xi32>
    %add3A_11 = arith.constant 32 : i32
    %add3A_12 = vector.broadcast %add3A_11 : i32 to vector<16xi32>
    %add3A_13 = arith.addi %iota3A, %add3A_12 : vector<16xi32>
    %add3A_14 = arith.constant 48 : i32
    %add3A_15 = vector.broadcast %add3A_14 : i32 to vector<16xi32>
    %add3A_16 = arith.addi %iota3A, %add3A_15 : vector<16xi32>
    %add3A_17 = arith.constant 64 : i32
    %add3A_18 = vector.broadcast %add3A_17 : i32 to vector<16xi32>
    %add3A_19 = arith.addi %iota3A, %add3A_18 : vector<16xi32>
    %add3A_20 = arith.constant 80 : i32
    %add3A_21 = vector.broadcast %add3A_20 : i32 to vector<16xi32>
    %add3A_22 = arith.addi %iota3A, %add3A_21 : vector<16xi32>
    %add3A_23 = arith.constant 96 : i32
    %add3A_24 = vector.broadcast %add3A_23 : i32 to vector<16xi32>
    %add3A_25 = arith.addi %iota3A, %add3A_24 : vector<16xi32>
    %add3A_26 = arith.constant 112 : i32
    %add3A_27 = vector.broadcast %add3A_26 : i32 to vector<16xi32>
    %add3A_28 = arith.addi %iota3A, %add3A_27 : vector<16xi32>
    %add3A_29 = arith.constant 0 : i32
    %add3A_30 = vector.broadcast %add3A_29 : i32 to vector<16xi32>
    %add3A_31 = arith.addi %add3A_30, %iota3A : vector<16xi32>
    %jit3A = arith.constant 8 : i32
    %div3A = vector.broadcast %jit3A : i32 to vector<16xi32>
    %div3A_32 = arith.divsi %add3A_31, %div3A : vector<16xi32>
    %sign3A = arith.constant 0 : i32
    %sign3A_33 = vector.broadcast %sign3A : i32 to vector<16xi32>
    %sign3A_34 = arith.cmpi sgt, %add3A_31, %sign3A_33 : vector<16xi32>
    %sign3A_35 = arith.extui %sign3A_34 : vector<16xi1> to vector<16xi32>
    %sign3A_36 = arith.constant 0 : i32
    %sign3A_37 = vector.broadcast %sign3A_36 : i32 to vector<16xi32>
    %sign3A_38 = arith.cmpi slt, %add3A_31, %sign3A_37 : vector<16xi32>
    %sign3A_39 = arith.extui %sign3A_38 : vector<16xi1> to vector<16xi32>
    %sign3A_40 = arith.subi %sign3A_35, %sign3A_39 : vector<16xi32>
    %sign3A_41 = arith.constant 0 : i32
    %sign3A_42 = arith.cmpi sgt, %jit3A, %sign3A_41 : i32
    %sign3A_43 = arith.extui %sign3A_42 : i1 to i32
    %sign3A_44 = arith.constant 0 : i32
    %sign3A_45 = arith.cmpi slt, %jit3A, %sign3A_44 : i32
    %sign3A_46 = arith.extui %sign3A_45 : i1 to i32
    %sign3A_47 = arith.subi %sign3A_43, %sign3A_46 : i32
    %ne3A = vector.broadcast %sign3A_47 : i32 to vector<16xi32>
    %ne3A_48 = arith.cmpi ne, %sign3A_40, %ne3A : vector<16xi32>
    %rem3A = vector.broadcast %jit3A : i32 to vector<16xi32>
    %rem3A_49 = arith.remsi %add3A_31, %rem3A : vector<16xi32>
    %ne3A_50 = arith.constant 0 : i32
    %ne3A_51 = vector.broadcast %ne3A_50 : i32 to vector<16xi32>
    %ne3A_52 = arith.cmpi ne, %rem3A_49, %ne3A_51 : vector<16xi32>
    %and3A = arith.andi %ne3A_48, %ne3A_52 : vector<16xi1>
    %sub3A = arith.constant 1 : i32
    %sub3A_53 = vector.broadcast %sub3A : i32 to vector<16xi32>
    %sub3A_54 = arith.subi %div3A_32, %sub3A_53 : vector<16xi32>
    %select_n3A = arith.select %and3A, %sub3A_54, %div3A_32 : vector<16xi1>, vector<16xi32>
    %add3A_55 = arith.constant 16 : i32
    %add3A_56 = vector.broadcast %add3A_55 : i32 to vector<16xi32>
    %add3A_57 = arith.addi %add3A_56, %iota3A : vector<16xi32>
    %jit3A_58 = arith.constant 8 : i32
    %div3A_59 = vector.broadcast %jit3A_58 : i32 to vector<16xi32>
    %div3A_60 = arith.divsi %add3A_57, %div3A_59 : vector<16xi32>
    %sign3A_61 = arith.constant 0 : i32
    %sign3A_62 = vector.broadcast %sign3A_61 : i32 to vector<16xi32>
    %sign3A_63 = arith.cmpi sgt, %add3A_57, %sign3A_62 : vector<16xi32>
    %sign3A_64 = arith.extui %sign3A_63 : vector<16xi1> to vector<16xi32>
    %sign3A_65 = arith.constant 0 : i32
    %sign3A_66 = vector.broadcast %sign3A_65 : i32 to vector<16xi32>
    %sign3A_67 = arith.cmpi slt, %add3A_57, %sign3A_66 : vector<16xi32>
    %sign3A_68 = arith.extui %sign3A_67 : vector<16xi1> to vector<16xi32>
    %sign3A_69 = arith.subi %sign3A_64, %sign3A_68 : vector<16xi32>
    %sign3A_70 = arith.constant 0 : i32
    %sign3A_71 = arith.cmpi sgt, %jit3A_58, %sign3A_70 : i32
    %sign3A_72 = arith.extui %sign3A_71 : i1 to i32
    %sign3A_73 = arith.constant 0 : i32
    %sign3A_74 = arith.cmpi slt, %jit3A_58, %sign3A_73 : i32
    %sign3A_75 = arith.extui %sign3A_74 : i1 to i32
    %sign3A_76 = arith.subi %sign3A_72, %sign3A_75 : i32
    %ne3A_77 = vector.broadcast %sign3A_76 : i32 to vector<16xi32>
    %ne3A_78 = arith.cmpi ne, %sign3A_69, %ne3A_77 : vector<16xi32>
    %rem3A_79 = vector.broadcast %jit3A_58 : i32 to vector<16xi32>
    %rem3A_80 = arith.remsi %add3A_57, %rem3A_79 : vector<16xi32>
    %ne3A_81 = arith.constant 0 : i32
    %ne3A_82 = vector.broadcast %ne3A_81 : i32 to vector<16xi32>
    %ne3A_83 = arith.cmpi ne, %rem3A_80, %ne3A_82 : vector<16xi32>
    %and3A_84 = arith.andi %ne3A_78, %ne3A_83 : vector<16xi1>
    %sub3A_85 = arith.constant 1 : i32
    %sub3A_86 = vector.broadcast %sub3A_85 : i32 to vector<16xi32>
    %sub3A_87 = arith.subi %div3A_60, %sub3A_86 : vector<16xi32>
    %select_n3A_88 = arith.select %and3A_84, %sub3A_87, %div3A_60 : vector<16xi1>, vector<16xi32>
    %add3A_89 = arith.constant 32 : i32
    %add3A_90 = vector.broadcast %add3A_89 : i32 to vector<16xi32>
    %add3A_91 = arith.addi %add3A_90, %iota3A : vector<16xi32>
    %jit3A_92 = arith.constant 8 : i32
    %div3A_93 = vector.broadcast %jit3A_92 : i32 to vector<16xi32>
    %div3A_94 = arith.divsi %add3A_91, %div3A_93 : vector<16xi32>
    %sign3A_95 = arith.constant 0 : i32
    %sign3A_96 = vector.broadcast %sign3A_95 : i32 to vector<16xi32>
    %sign3A_97 = arith.cmpi sgt, %add3A_91, %sign3A_96 : vector<16xi32>
    %sign3A_98 = arith.extui %sign3A_97 : vector<16xi1> to vector<16xi32>
    %sign3A_99 = arith.constant 0 : i32
    %sign3A_100 = vector.broadcast %sign3A_99 : i32 to vector<16xi32>
    %sign3A_101 = arith.cmpi slt, %add3A_91, %sign3A_100 : vector<16xi32>
    %sign3A_102 = arith.extui %sign3A_101 : vector<16xi1> to vector<16xi32>
    %sign3A_103 = arith.subi %sign3A_98, %sign3A_102 : vector<16xi32>
    %sign3A_104 = arith.constant 0 : i32
    %sign3A_105 = arith.cmpi sgt, %jit3A_92, %sign3A_104 : i32
    %sign3A_106 = arith.extui %sign3A_105 : i1 to i32
    %sign3A_107 = arith.constant 0 : i32
    %sign3A_108 = arith.cmpi slt, %jit3A_92, %sign3A_107 : i32
    %sign3A_109 = arith.extui %sign3A_108 : i1 to i32
    %sign3A_110 = arith.subi %sign3A_106, %sign3A_109 : i32
    %ne3A_111 = vector.broadcast %sign3A_110 : i32 to vector<16xi32>
    %ne3A_112 = arith.cmpi ne, %sign3A_103, %ne3A_111 : vector<16xi32>
    %rem3A_113 = vector.broadcast %jit3A_92 : i32 to vector<16xi32>
    %rem3A_114 = arith.remsi %add3A_91, %rem3A_113 : vector<16xi32>
    %ne3A_115 = arith.constant 0 : i32
    %ne3A_116 = vector.broadcast %ne3A_115 : i32 to vector<16xi32>
    %ne3A_117 = arith.cmpi ne, %rem3A_114, %ne3A_116 : vector<16xi32>
    %and3A_118 = arith.andi %ne3A_112, %ne3A_117 : vector<16xi1>
    %sub3A_119 = arith.constant 1 : i32
    %sub3A_120 = vector.broadcast %sub3A_119 : i32 to vector<16xi32>
    %sub3A_121 = arith.subi %div3A_94, %sub3A_120 : vector<16xi32>
    %select_n3A_122 = arith.select %and3A_118, %sub3A_121, %div3A_94 : vector<16xi1>, vector<16xi32>
    %add3A_123 = arith.constant 48 : i32
    %add3A_124 = vector.broadcast %add3A_123 : i32 to vector<16xi32>
    %add3A_125 = arith.addi %add3A_124, %iota3A : vector<16xi32>
    %jit3A_126 = arith.constant 8 : i32
    %div3A_127 = vector.broadcast %jit3A_126 : i32 to vector<16xi32>
    %div3A_128 = arith.divsi %add3A_125, %div3A_127 : vector<16xi32>
    %sign3A_129 = arith.constant 0 : i32
    %sign3A_130 = vector.broadcast %sign3A_129 : i32 to vector<16xi32>
    %sign3A_131 = arith.cmpi sgt, %add3A_125, %sign3A_130 : vector<16xi32>
    %sign3A_132 = arith.extui %sign3A_131 : vector<16xi1> to vector<16xi32>
    %sign3A_133 = arith.constant 0 : i32
    %sign3A_134 = vector.broadcast %sign3A_133 : i32 to vector<16xi32>
    %sign3A_135 = arith.cmpi slt, %add3A_125, %sign3A_134 : vector<16xi32>
    %sign3A_136 = arith.extui %sign3A_135 : vector<16xi1> to vector<16xi32>
    %sign3A_137 = arith.subi %sign3A_132, %sign3A_136 : vector<16xi32>
    %sign3A_138 = arith.constant 0 : i32
    %sign3A_139 = arith.cmpi sgt, %jit3A_126, %sign3A_138 : i32
    %sign3A_140 = arith.extui %sign3A_139 : i1 to i32
    %sign3A_141 = arith.constant 0 : i32
    %sign3A_142 = arith.cmpi slt, %jit3A_126, %sign3A_141 : i32
    %sign3A_143 = arith.extui %sign3A_142 : i1 to i32
    %sign3A_144 = arith.subi %sign3A_140, %sign3A_143 : i32
    %ne3A_145 = vector.broadcast %sign3A_144 : i32 to vector<16xi32>
    %ne3A_146 = arith.cmpi ne, %sign3A_137, %ne3A_145 : vector<16xi32>
    %rem3A_147 = vector.broadcast %jit3A_126 : i32 to vector<16xi32>
    %rem3A_148 = arith.remsi %add3A_125, %rem3A_147 : vector<16xi32>
    %ne3A_149 = arith.constant 0 : i32
    %ne3A_150 = vector.broadcast %ne3A_149 : i32 to vector<16xi32>
    %ne3A_151 = arith.cmpi ne, %rem3A_148, %ne3A_150 : vector<16xi32>
    %and3A_152 = arith.andi %ne3A_146, %ne3A_151 : vector<16xi1>
    %sub3A_153 = arith.constant 1 : i32
    %sub3A_154 = vector.broadcast %sub3A_153 : i32 to vector<16xi32>
    %sub3A_155 = arith.subi %div3A_128, %sub3A_154 : vector<16xi32>
    %select_n3A_156 = arith.select %and3A_152, %sub3A_155, %div3A_128 : vector<16xi1>, vector<16xi32>
    %jit3A_157 = arith.constant 8 : i32
    %eq3A = arith.constant 0 : i32
    %eq3A_158 = arith.cmpi eq, %jit3A_157, %eq3A : i32
    %jit3A_159 = arith.constant 1 : i32
    %select_n3A_160 = arith.select %eq3A_158, %jit3A_159, %jit3A_157 : i32
    %rem3A_161 = vector.broadcast %select_n3A_160 : i32 to vector<16xi32>
    %rem3A_162 = arith.remsi %iota3A, %rem3A_161 : vector<16xi32>
    %ne3A_163 = arith.constant 0 : i32
    %ne3A_164 = vector.broadcast %ne3A_163 : i32 to vector<16xi32>
    %ne3A_165 = arith.cmpi ne, %rem3A_162, %ne3A_164 : vector<16xi32>
    %lt3A = arith.constant 0 : i32
    %lt3A_166 = vector.broadcast %lt3A : i32 to vector<16xi32>
    %lt3A_167 = arith.cmpi slt, %rem3A_162, %lt3A_166 : vector<16xi32>
    %lt3A_168 = arith.constant 0 : i32
    %lt3A_169 = arith.cmpi slt, %select_n3A_160, %lt3A_168 : i32
    %ne3A_170 = vector.broadcast %lt3A_169 : i1 to vector<16xi1>
    %ne3A_171 = vector.broadcast %ne3A_170 : vector<16xi1> to vector<16xi1>
    %ne3A_172 = arith.xori %lt3A_167, %ne3A_171 : vector<16xi1>
    %and3A_173 = arith.andi %ne3A_172, %ne3A_165 : vector<16xi1>
    %add3A_174 = vector.broadcast %select_n3A_160 : i32 to vector<16xi32>
    %add3A_175 = arith.addi %rem3A_162, %add3A_174 : vector<16xi32>
    %select_n3A_176 = arith.select %and3A_173, %add3A_175, %rem3A_162 : vector<16xi1>, vector<16xi32>
    %broadcast_in_dim3A = arith.constant 0 : i32
    %broadcast_in_dim3A_177 = vector.broadcast %broadcast_in_dim3A : i32 to vector<16xi32>
    %dma_start3A = arith.constant 0 : i32
    %dma_start3A_178 = arith.constant 0 : i32
    %dma_start3A_179 = arith.constant 0 : i32
    %dma_start3A_180 = arith.constant 0 : i32
    %dma_start3A_181 = tpu.memref_slice %arg6[%dma_start3A_178, %dma_start3A_179, %dma_start3A_180] : memref<4x128x64xf32, #tpu.memory_space<vmem>> -> memref<1x128x64xf32, #tpu.memory_space<vmem>>
    %dma_start3A_182 = tpu.memref_squeeze %dma_start3A_181 : memref<1x128x64xf32, #tpu.memory_space<vmem>> -> memref<128x64xf32, #tpu.memory_space<vmem>>
    %dma_start3A_183 = arith.constant 0 : i32
    %dma_start3A_184 = tpu.memref_slice %arg5[%dma_start3A, %dma_start3A_183] : memref<50x512xi32, #tpu.memory_space<vmem>> -> memref<1x128xi32, #tpu.memory_space<vmem>>
    %dma_start3A_185 = tpu.memref_squeeze %dma_start3A_184 : memref<1x128xi32, #tpu.memory_space<vmem>> -> memref<128xi32, #tpu.memory_space<vmem>>
    %dma_start3A_186 = arith.constant 0 : i32
    %dma_start3A_187 = arith.constant 0 : i32
    %dma_start3A_188 = tpu.memref_slice %arg2[%dma_start3A_186, %dma_start3A_187] : memref<1000000x64xf32, #tpu.memory_space<hbm>> -> memref<1000000x64xf32, #tpu.memory_space<hbm>>
    tpu.enqueue_indirect_dma source(%dma_start3A_188 : memref<1000000x64xf32, #tpu.memory_space<hbm>>) target(%dma_start3A_182 : memref<128x64xf32, #tpu.memory_space<vmem>>) offsets(%dma_start3A_185 : memref<128xi32, #tpu.memory_space<vmem>>) semaphore(%arg8 : memref<!tpu.dma_semaphore, #tpu.memory_space<semaphore_mem>>)
    %dma_start3A_189 = arith.constant 0 : i32
    %dma_start3A_190 = arith.constant 1 : i32
    %dma_start3A_191 = arith.constant 0 : i32
    %dma_start3A_192 = arith.constant 0 : i32
    %dma_start3A_193 = tpu.memref_slice %arg6[%dma_start3A_190, %dma_start3A_191, %dma_start3A_192] : memref<4x128x64xf32, #tpu.memory_space<vmem>> -> memref<1x128x64xf32, #tpu.memory_space<vmem>>
    %dma_start3A_194 = tpu.memref_squeeze %dma_start3A_193 : memref<1x128x64xf32, #tpu.memory_space<vmem>> -> memref<128x64xf32, #tpu.memory_space<vmem>>
    %dma_start3A_195 = arith.constant 128 : i32
    %dma_start3A_196 = tpu.memref_slice %arg5[%dma_start3A_189, %dma_start3A_195] : memref<50x512xi32, #tpu.memory_space<vmem>> -> memref<1x128xi32, #tpu.memory_space<vmem>>
    %dma_start3A_197 = tpu.memref_squeeze %dma_start3A_196 : memref<1x128xi32, #tpu.memory_space<vmem>> -> memref<128xi32, #tpu.memory_space<vmem>>
    %dma_start3A_198 = arith.constant 0 : i32
    %dma_start3A_199 = arith.constant 0 : i32
    %dma_start3A_200 = tpu.memref_slice %arg2[%dma_start3A_198, %dma_start3A_199] : memref<1000000x64xf32, #tpu.memory_space<hbm>> -> memref<1000000x64xf32, #tpu.memory_space<hbm>>
    tpu.enqueue_indirect_dma source(%dma_start3A_200 : memref<1000000x64xf32, #tpu.memory_space<hbm>>) target(%dma_start3A_194 : memref<128x64xf32, #tpu.memory_space<vmem>>) offsets(%dma_start3A_197 : memref<128xi32, #tpu.memory_space<vmem>>) semaphore(%arg9 : memref<!tpu.dma_semaphore, #tpu.memory_space<semaphore_mem>>)
    %dma_start3A_201 = arith.constant 0 : i32
    %dma_start3A_202 = arith.constant 2 : i32
    %dma_start3A_203 = arith.constant 0 : i32
    %dma_start3A_204 = arith.constant 0 : i32
    %dma_start3A_205 = tpu.memref_slice %arg6[%dma_start3A_202, %dma_start3A_203, %dma_start3A_204] : memref<4x128x64xf32, #tpu.memory_space<vmem>> -> memref<1x128x64xf32, #tpu.memory_space<vmem>>
    %dma_start3A_206 = tpu.memref_squeeze %dma_start3A_205 : memref<1x128x64xf32, #tpu.memory_space<vmem>> -> memref<128x64xf32, #tpu.memory_space<vmem>>
    %dma_start3A_207 = arith.constant 256 : i32
    %dma_start3A_208 = tpu.memref_slice %arg5[%dma_start3A_201, %dma_start3A_207] : memref<50x512xi32, #tpu.memory_space<vmem>> -> memref<1x128xi32, #tpu.memory_space<vmem>>
    %dma_start3A_209 = tpu.memref_squeeze %dma_start3A_208 : memref<1x128xi32, #tpu.memory_space<vmem>> -> memref<128xi32, #tpu.memory_space<vmem>>
    %dma_start3A_210 = arith.constant 0 : i32
    %dma_start3A_211 = arith.constant 0 : i32
    %dma_start3A_212 = tpu.memref_slice %arg2[%dma_start3A_210, %dma_start3A_211] : memref<1000000x64xf32, #tpu.memory_space<hbm>> -> memref<1000000x64xf32, #tpu.memory_space<hbm>>
    tpu.enqueue_indirect_dma source(%dma_start3A_212 : memref<1000000x64xf32, #tpu.memory_space<hbm>>) target(%dma_start3A_206 : memref<128x64xf32, #tpu.memory_space<vmem>>) offsets(%dma_start3A_209 : memref<128xi32, #tpu.memory_space<vmem>>) semaphore(%arg10 : memref<!tpu.dma_semaphore, #tpu.memory_space<semaphore_mem>>)
    %scan3A = arith.constant 0 : i32
    %scan3A_213 = arith.constant 50 : i32
    %scan3A_214 = arith.addi %scan3A, %scan3A_213 : i32
    %scan3A_215 = arith.constant 1 : i32
    scf.for %scan3A_280 = %scan3A to %scan3A_214 step %scan3A_215  : i32 {
      %mul3A_281 = arith.constant 4 : i32
      %mul3A_282 = arith.muli %scan3A_280, %mul3A_281 : i32
      %add3A_283 = arith.constant 0 : i32
      %add3A_284 = arith.addi %add3A_283, %mul3A_282 : i32
      %add3A_285 = arith.constant 0 : i32
      %add3A_286 = arith.addi %add3A_284, %add3A_285 : i32
      %add3A_287 = arith.constant 3 : i32
      %add3A_288 = arith.addi %add3A_286, %add3A_287 : i32
      %lt3A_289 = arith.constant 200 : i32
      %lt3A_290 = arith.cmpi slt, %add3A_288, %lt3A_289 : i32
      %convert_element_type3A = arith.extui %lt3A_290 : i1 to i32
      %cond3A = arith.constant 0 : i32
      %cond3A_291 = arith.cmpi ne, %convert_element_type3A, %cond3A : i32
      scf.if %cond3A_291 {
        %add3A_741 = arith.constant 3 : i32
        %add3A_742 = arith.addi %add3A_286, %add3A_741 : i32
        %jit3A_743 = arith.constant 4 : i32
        %div3A_744 = arith.divsi %add3A_742, %jit3A_743 : i32
        %sign3A_745 = arith.constant 0 : i32
        %sign3A_746 = arith.cmpi sgt, %add3A_742, %sign3A_745 : i32
        %sign3A_747 = arith.extui %sign3A_746 : i1 to i32
        %sign3A_748 = arith.constant 0 : i32
        %sign3A_749 = arith.cmpi slt, %add3A_742, %sign3A_748 : i32
        %sign3A_750 = arith.extui %sign3A_749 : i1 to i32
        %sign3A_751 = arith.subi %sign3A_747, %sign3A_750 : i32
        %sign3A_752 = arith.constant 0 : i32
        %sign3A_753 = arith.cmpi sgt, %jit3A_743, %sign3A_752 : i32
        %sign3A_754 = arith.extui %sign3A_753 : i1 to i32
        %sign3A_755 = arith.constant 0 : i32
        %sign3A_756 = arith.cmpi slt, %jit3A_743, %sign3A_755 : i32
        %sign3A_757 = arith.extui %sign3A_756 : i1 to i32
        %sign3A_758 = arith.subi %sign3A_754, %sign3A_757 : i32
        %ne3A_759 = arith.cmpi ne, %sign3A_751, %sign3A_758 : i32
        %rem3A_760 = arith.remsi %add3A_742, %jit3A_743 : i32
        %ne3A_761 = arith.constant 0 : i32
        %ne3A_762 = arith.cmpi ne, %rem3A_760, %ne3A_761 : i32
        %and3A_763 = arith.andi %ne3A_759, %ne3A_762 : i1
        %sub3A_764 = arith.constant 1 : i32
        %sub3A_765 = arith.subi %div3A_744, %sub3A_764 : i32
        %select_n3A_766 = arith.select %and3A_763, %sub3A_765, %div3A_744 : i32
        %mul3A_767 = arith.constant 4 : i32
        %mul3A_768 = arith.muli %select_n3A_766, %mul3A_767 : i32
        %sub3A_769 = arith.subi %add3A_742, %mul3A_768 : i32
        %mul3A_770 = arith.constant 128 : i32
        %mul3A_771 = arith.muli %sub3A_769, %mul3A_770 : i32
        %dma_start3A_772 = arith.constant 3 : i32
        %dma_start3A_773 = arith.constant 0 : i32
        %dma_start3A_774 = arith.constant 0 : i32
        %dma_start3A_775 = tpu.memref_slice %arg6[%dma_start3A_772, %dma_start3A_773, %dma_start3A_774] : memref<4x128x64xf32, #tpu.memory_space<vmem>> -> memref<1x128x64xf32, #tpu.memory_space<vmem>>
        %dma_start3A_776 = tpu.memref_squeeze %dma_start3A_775 : memref<1x128x64xf32, #tpu.memory_space<vmem>> -> memref<128x64xf32, #tpu.memory_space<vmem>>
        %dma_start3A_777 = tpu.memref_slice %arg5[%select_n3A_766, %mul3A_771] : memref<50x512xi32, #tpu.memory_space<vmem>> -> memref<1x128xi32, #tpu.memory_space<vmem>>
        %dma_start3A_778 = tpu.memref_squeeze %dma_start3A_777 : memref<1x128xi32, #tpu.memory_space<vmem>> -> memref<128xi32, #tpu.memory_space<vmem>>
        %dma_start3A_779 = arith.constant 0 : i32
        %dma_start3A_780 = arith.constant 0 : i32
        %dma_start3A_781 = tpu.memref_slice %arg2[%dma_start3A_779, %dma_start3A_780] : memref<1000000x64xf32, #tpu.memory_space<hbm>> -> memref<1000000x64xf32, #tpu.memory_space<hbm>>
        tpu.enqueue_indirect_dma source(%dma_start3A_781 : memref<1000000x64xf32, #tpu.memory_space<hbm>>) target(%dma_start3A_776 : memref<128x64xf32, #tpu.memory_space<vmem>>) offsets(%dma_start3A_778 : memref<128xi32, #tpu.memory_space<vmem>>) semaphore(%arg11 : memref<!tpu.dma_semaphore, #tpu.memory_space<semaphore_mem>>)
      } else {
      }
      %jit3A_292 = arith.constant 4 : i32
      %div3A_293 = arith.divsi %add3A_286, %jit3A_292 : i32
      %sign3A_294 = arith.constant 0 : i32
      %sign3A_295 = arith.cmpi sgt, %add3A_286, %sign3A_294 : i32
      %sign3A_296 = arith.extui %sign3A_295 : i1 to i32
      %sign3A_297 = arith.constant 0 : i32
      %sign3A_298 = arith.cmpi slt, %add3A_286, %sign3A_297 : i32
      %sign3A_299 = arith.extui %sign3A_298 : i1 to i32
      %sign3A_300 = arith.subi %sign3A_296, %sign3A_299 : i32
      %sign3A_301 = arith.constant 0 : i32
      %sign3A_302 = arith.cmpi sgt, %jit3A_292, %sign3A_301 : i32
      %sign3A_303 = arith.extui %sign3A_302 : i1 to i32
      %sign3A_304 = arith.constant 0 : i32
      %sign3A_305 = arith.cmpi slt, %jit3A_292, %sign3A_304 : i32
      %sign3A_306 = arith.extui %sign3A_305 : i1 to i32
      %sign3A_307 = arith.subi %sign3A_303, %sign3A_306 : i32
      %ne3A_308 = arith.cmpi ne, %sign3A_300, %sign3A_307 : i32
      %rem3A_309 = arith.remsi %add3A_286, %jit3A_292 : i32
      %ne3A_310 = arith.constant 0 : i32
      %ne3A_311 = arith.cmpi ne, %rem3A_309, %ne3A_310 : i32
      %and3A_312 = arith.andi %ne3A_308, %ne3A_311 : i1
      %sub3A_313 = arith.constant 1 : i32
      %sub3A_314 = arith.subi %div3A_293, %sub3A_313 : i32
      %select_n3A_315 = arith.select %and3A_312, %sub3A_314, %div3A_293 : i32
      %mul3A_316 = arith.constant 4 : i32
      %mul3A_317 = arith.muli %select_n3A_315, %mul3A_316 : i32
      %sub3A_318 = arith.subi %add3A_286, %mul3A_317 : i32
      %mul3A_319 = arith.constant 128 : i32
      %mul3A_320 = arith.muli %sub3A_318, %mul3A_319 : i32
      %dma_wait3A_321 = arith.constant 0 : i32
      %dma_wait3A_322 = arith.constant 0 : i32
      %dma_wait3A_323 = arith.constant 0 : i32
      %dma_wait3A_324 = tpu.memref_slice %arg6[%dma_wait3A_321, %dma_wait3A_322, %dma_wait3A_323] : memref<4x128x64xf32, #tpu.memory_space<vmem>> -> memref<1x128x64xf32, #tpu.memory_space<vmem>>
      %dma_wait3A_325 = tpu.memref_squeeze %dma_wait3A_324 : memref<1x128x64xf32, #tpu.memory_space<vmem>> -> memref<128x64xf32, #tpu.memory_space<vmem>>
      %dma_wait3A_326 = tpu.memref_slice %arg5[%select_n3A_315, %mul3A_320] : memref<50x512xi32, #tpu.memory_space<vmem>> -> memref<1x128xi32, #tpu.memory_space<vmem>>
      %dma_wait3A_327 = tpu.memref_squeeze %dma_wait3A_326 : memref<1x128xi32, #tpu.memory_space<vmem>> -> memref<128xi32, #tpu.memory_space<vmem>>
      %dma_wait3A_328 = arith.constant 0 : i32
      %dma_wait3A_329 = arith.constant 0 : i32
      %dma_wait3A_330 = tpu.memref_slice %arg2[%dma_wait3A_328, %dma_wait3A_329] : memref<1000000x64xf32, #tpu.memory_space<hbm>> -> memref<1000000x64xf32, #tpu.memory_space<hbm>>
      tpu.wait_indirect_dma semaphore(%arg8 : memref<!tpu.dma_semaphore, #tpu.memory_space<semaphore_mem>>) src(%dma_wait3A_330 : memref<1000000x64xf32, #tpu.memory_space<hbm>>) dst(%dma_wait3A_325 : memref<128x64xf32, #tpu.memory_space<vmem>>)
      %ge3A = arith.constant 2 : i32
      %ge3A_331 = arith.cmpi sge, %add3A_286, %ge3A : i32
      %convert_element_type3A_332 = arith.extui %ge3A_331 : i1 to i32
      %cond3A_333 = arith.constant 0 : i32
      %cond3A_334 = arith.cmpi ne, %convert_element_type3A_332, %cond3A_333 : i32
      scf.if %cond3A_334 {
        %sub3A_741 = arith.constant 2 : i32
        %sub3A_742 = arith.subi %add3A_286, %sub3A_741 : i32
        %jit3A_743 = arith.constant 4 : i32
        %div3A_744 = arith.divsi %sub3A_742, %jit3A_743 : i32
        %sign3A_745 = arith.constant 0 : i32
        %sign3A_746 = arith.cmpi sgt, %sub3A_742, %sign3A_745 : i32
        %sign3A_747 = arith.extui %sign3A_746 : i1 to i32
        %sign3A_748 = arith.constant 0 : i32
        %sign3A_749 = arith.cmpi slt, %sub3A_742, %sign3A_748 : i32
        %sign3A_750 = arith.extui %sign3A_749 : i1 to i32
        %sign3A_751 = arith.subi %sign3A_747, %sign3A_750 : i32
        %sign3A_752 = arith.constant 0 : i32
        %sign3A_753 = arith.cmpi sgt, %jit3A_743, %sign3A_752 : i32
        %sign3A_754 = arith.extui %sign3A_753 : i1 to i32
        %sign3A_755 = arith.constant 0 : i32
        %sign3A_756 = arith.cmpi slt, %jit3A_743, %sign3A_755 : i32
        %sign3A_757 = arith.extui %sign3A_756 : i1 to i32
        %sign3A_758 = arith.subi %sign3A_754, %sign3A_757 : i32
        %ne3A_759 = arith.cmpi ne, %sign3A_751, %sign3A_758 : i32
        %rem3A_760 = arith.remsi %sub3A_742, %jit3A_743 : i32
        %ne3A_761 = arith.constant 0 : i32
        %ne3A_762 = arith.cmpi ne, %rem3A_760, %ne3A_761 : i32
        %and3A_763 = arith.andi %ne3A_759, %ne3A_762 : i1
        %sub3A_764 = arith.constant 1 : i32
        %sub3A_765 = arith.subi %div3A_744, %sub3A_764 : i32
        %select_n3A_766 = arith.select %and3A_763, %sub3A_765, %div3A_744 : i32
        %mul3A_767 = arith.constant 4 : i32
        %mul3A_768 = arith.muli %select_n3A_766, %mul3A_767 : i32
        %sub3A_769 = arith.subi %sub3A_742, %mul3A_768 : i32
        %add3A_770 = arith.addi %mul3A_4, %sub3A_769 : i32
        %dma_wait3A_771 = arith.constant 0 : i32
        %dma_wait3A_772 = arith.constant 0 : i32
        %dma_wait3A_773 = arith.constant 0 : i32
        %dma_wait3A_774 = arith.constant 0 : i32
        %dma_wait3A_775 = tpu.memref_slice %arg7[%dma_wait3A_771, %dma_wait3A_772, %dma_wait3A_773, %dma_wait3A_774] : memref<2x8x8x129xf32, #tpu.memory_space<vmem>> -> memref<1x8x8x129xf32, #tpu.memory_space<vmem>>
        %dma_wait3A_776 = tpu.memref_squeeze %dma_wait3A_775 : memref<1x8x8x129xf32, #tpu.memory_space<vmem>> -> memref<8x8x129xf32, #tpu.memory_space<vmem>>
        %dma_wait3A_777 = arith.constant 0 : i32
        %dma_wait3A_778 = arith.constant 0 : i32
        %dma_wait3A_779 = arith.constant 0 : i32
        %dma_wait3A_780 = tpu.memref_slice %dma_wait3A_776[%dma_wait3A_777, %dma_wait3A_778, %dma_wait3A_779] : memref<8x8x129xf32, #tpu.memory_space<vmem>> -> memref<8x8x128xf32, #tpu.memory_space<vmem>>
        %dma_wait3A_781 = arith.constant 0 : i32
        %dma_wait3A_782 = arith.constant 0 : i32
        %dma_wait3A_783 = arith.constant 0 : i32
        %dma_wait3A_784 = tpu.memref_slice %arg4[%select_n3A_766, %dma_wait3A_781, %add3A_770, %dma_wait3A_782, %dma_wait3A_783] : memref<50x8x128x8x128xf32, #tpu.memory_space<hbm>> -> memref<1x8x1x8x128xf32, #tpu.memory_space<hbm>>
        %dma_wait3A_785 = tpu.memref_squeeze %dma_wait3A_784 : memref<1x8x1x8x128xf32, #tpu.memory_space<hbm>> -> memref<8x8x128xf32, #tpu.memory_space<hbm>>
        %dma_wait3A_786 = arith.constant 0 : i32
        %dma_wait3A_787 = arith.constant 0 : i32
        %dma_wait3A_788 = arith.constant 0 : i32
        %dma_wait3A_789 = tpu.memref_slice %arg4[%select_n3A_766, %dma_wait3A_786, %add3A_770, %dma_wait3A_787, %dma_wait3A_788] : memref<50x8x128x8x128xf32, #tpu.memory_space<hbm>> -> memref<1x8x1x8x128xf32, #tpu.memory_space<hbm>>
        %dma_wait3A_790 = tpu.memref_squeeze %dma_wait3A_789 : memref<1x8x1x8x128xf32, #tpu.memory_space<hbm>> -> memref<8x8x128xf32, #tpu.memory_space<hbm>>
        %dma_wait3A_791 = arith.constant 0 : i32
        %dma_wait3A_792 = arith.constant 0 : i32
        %dma_wait3A_793 = arith.constant 0 : i32
        %dma_wait3A_794 = tpu.memref_slice %arg7[%dma_wait3A_771, %dma_wait3A_791, %dma_wait3A_792, %dma_wait3A_793] : memref<2x8x8x129xf32, #tpu.memory_space<vmem>> -> memref<1x8x8x129xf32, #tpu.memory_space<vmem>>
        %dma_wait3A_795 = tpu.memref_squeeze %dma_wait3A_794 : memref<1x8x8x129xf32, #tpu.memory_space<vmem>> -> memref<8x8x129xf32, #tpu.memory_space<vmem>>
        %dma_wait3A_796 = arith.constant 0 : i32
        %dma_wait3A_797 = arith.constant 0 : i32
        %dma_wait3A_798 = arith.constant 0 : i32
        %dma_wait3A_799 = tpu.memref_slice %dma_wait3A_795[%dma_wait3A_796, %dma_wait3A_797, %dma_wait3A_798] : memref<8x8x129xf32, #tpu.memory_space<vmem>> -> memref<8x8x128xf32, #tpu.memory_space<vmem>>
        tpu.wait_dma2 semaphore(%arg12 : memref<!tpu.dma_semaphore, #tpu.memory_space<semaphore_mem>>) src(%dma_wait3A_799 : memref<8x8x128xf32, #tpu.memory_space<vmem>>) dst(%dma_wait3A_790 : memref<8x8x128xf32, #tpu.memory_space<hbm>>)
      } else {
      }
      %parallel_loop3A = arith.constant 0 : i32
      %parallel_loop3A_335 = arith.constant 128 : i32
      %parallel_loop3A_336 = arith.constant 1 : i32
      %parallel_loop3A_337 = arith.constant 0 : i32
      %parallel_loop3A_338 = arith.constant 0 : i32
      scf.for %parallel_loop3A_741 = %parallel_loop3A to %parallel_loop3A_335 step %parallel_loop3A_336  : i32 {
        %parallel_loop3A_742 = vector.broadcast %parallel_loop3A_741 : i32 to vector<16xi32>
        %parallel_loop3A_743 = arith.addi %broadcast_in_dim3A_177, %parallel_loop3A_742 : vector<16xi32>
        %parallel_loop3A_744 = arith.constant 0 : i32
        %parallel_loop3A_745 = arith.constant 0 : i32
        %parallel_loop3A_746 = tpu.memref_slice %arg6[%parallel_loop3A_337, %parallel_loop3A_744, %parallel_loop3A_745] : memref<4x128x64xf32, #tpu.memory_space<vmem>> -> memref<1x128x64xf32, #tpu.memory_space<vmem>>
        %parallel_loop3A_747 = tpu.memref_squeeze %parallel_loop3A_746 : memref<1x128x64xf32, #tpu.memory_space<vmem>> -> memref<128x64xf32, #tpu.memory_space<vmem>>
        %parallel_loop3A_748 = arith.index_cast %parallel_loop3A_741 : i32 to index
        %parallel_loop3A_749 = arith.constant 0 : index
        %parallel_loop3A_750 = tpu.vector_load %parallel_loop3A_747[%parallel_loop3A_748, %parallel_loop3A_749] {strides = array<i32>} : memref<128x64xf32, #tpu.memory_space<vmem>>, vector<16xf32>,
        %parallel_loop3A_751 = arith.constant 0 : i32
        %parallel_loop3A_752 = arith.constant 0 : i32
        %parallel_loop3A_753 = arith.constant 0 : i32
        %parallel_loop3A_754 = tpu.memref_slice %arg7[%parallel_loop3A_338, %parallel_loop3A_751, %parallel_loop3A_752, %parallel_loop3A_753] : memref<2x8x8x129xf32, #tpu.memory_space<vmem>> -> memref<1x8x8x129xf32, #tpu.memory_space<vmem>>
        %parallel_loop3A_755 = tpu.memref_squeeze %parallel_loop3A_754 : memref<1x8x8x129xf32, #tpu.memory_space<vmem>> -> memref<8x8x129xf32, #tpu.memory_space<vmem>>
        tpu.vector_store_idx %parallel_loop3A_755[%select_n3A, %select_n3A_176, %parallel_loop3A_743], %parallel_loop3A_750 : memref<8x8x129xf32, #tpu.memory_space<vmem>>[vector<16xi32>, vector<16xi32>, vector<16xi32>], vector<16xf32>,
        %parallel_loop3A_756 = arith.constant 0 : i32
        %parallel_loop3A_757 = arith.constant 0 : i32
        %parallel_loop3A_758 = tpu.memref_slice %arg6[%parallel_loop3A_337, %parallel_loop3A_756, %parallel_loop3A_757] : memref<4x128x64xf32, #tpu.memory_space<vmem>> -> memref<1x128x64xf32, #tpu.memory_space<vmem>>
        %parallel_loop3A_759 = tpu.memref_squeeze %parallel_loop3A_758 : memref<1x128x64xf32, #tpu.memory_space<vmem>> -> memref<128x64xf32, #tpu.memory_space<vmem>>
        %parallel_loop3A_760 = arith.index_cast %parallel_loop3A_741 : i32 to index
        %parallel_loop3A_761 = arith.constant 16 : index
        %parallel_loop3A_762 = tpu.vector_load %parallel_loop3A_759[%parallel_loop3A_760, %parallel_loop3A_761] {strides = array<i32>} : memref<128x64xf32, #tpu.memory_space<vmem>>, vector<16xf32>,
        %parallel_loop3A_763 = arith.constant 0 : i32
        %parallel_loop3A_764 = arith.constant 0 : i32
        %parallel_loop3A_765 = arith.constant 0 : i32
        %parallel_loop3A_766 = tpu.memref_slice %arg7[%parallel_loop3A_338, %parallel_loop3A_763, %parallel_loop3A_764, %parallel_loop3A_765] : memref<2x8x8x129xf32, #tpu.memory_space<vmem>> -> memref<1x8x8x129xf32, #tpu.memory_space<vmem>>
        %parallel_loop3A_767 = tpu.memref_squeeze %parallel_loop3A_766 : memref<1x8x8x129xf32, #tpu.memory_space<vmem>> -> memref<8x8x129xf32, #tpu.memory_space<vmem>>
        tpu.vector_store_idx %parallel_loop3A_767[%select_n3A_88, %select_n3A_176, %parallel_loop3A_743], %parallel_loop3A_762 : memref<8x8x129xf32, #tpu.memory_space<vmem>>[vector<16xi32>, vector<16xi32>, vector<16xi32>], vector<16xf32>,
        %parallel_loop3A_768 = arith.constant 0 : i32
        %parallel_loop3A_769 = arith.constant 0 : i32
        %parallel_loop3A_770 = tpu.memref_slice %arg6[%parallel_loop3A_337, %parallel_loop3A_768, %parallel_loop3A_769] : memref<4x128x64xf32, #tpu.memory_space<vmem>> -> memref<1x128x64xf32, #tpu.memory_space<vmem>>
        %parallel_loop3A_771 = tpu.memref_squeeze %parallel_loop3A_770 : memref<1x128x64xf32, #tpu.memory_space<vmem>> -> memref<128x64xf32, #tpu.memory_space<vmem>>
        %parallel_loop3A_772 = arith.index_cast %parallel_loop3A_741 : i32 to index
        %parallel_loop3A_773 = arith.constant 32 : index
        %parallel_loop3A_774 = tpu.vector_load %parallel_loop3A_771[%parallel_loop3A_772, %parallel_loop3A_773] {strides = array<i32>} : memref<128x64xf32, #tpu.memory_space<vmem>>, vector<16xf32>,
        %parallel_loop3A_775 = arith.constant 0 : i32
        %parallel_loop3A_776 = arith.constant 0 : i32
        %parallel_loop3A_777 = arith.constant 0 : i32
        %parallel_loop3A_778 = tpu.memref_slice %arg7[%parallel_loop3A_338, %parallel_loop3A_775, %parallel_loop3A_776, %parallel_loop3A_777] : memref<2x8x8x129xf32, #tpu.memory_space<vmem>> -> memref<1x8x8x129xf32, #tpu.memory_space<vmem>>
        %parallel_loop3A_779 = tpu.memref_squeeze %parallel_loop3A_778 : memref<1x8x8x129xf32, #tpu.memory_space<vmem>> -> memref<8x8x129xf32, #tpu.memory_space<vmem>>
        tpu.vector_store_idx %parallel_loop3A_779[%select_n3A_122, %select_n3A_176, %parallel_loop3A_743], %parallel_loop3A_774 : memref<8x8x129xf32, #tpu.memory_space<vmem>>[vector<16xi32>, vector<16xi32>, vector<16xi32>], vector<16xf32>,
        %parallel_loop3A_780 = arith.constant 0 : i32
        %parallel_loop3A_781 = arith.constant 0 : i32
        %parallel_loop3A_782 = tpu.memref_slice %arg6[%parallel_loop3A_337, %parallel_loop3A_780, %parallel_loop3A_781] : memref<4x128x64xf32, #tpu.memory_space<vmem>> -> memref<1x128x64xf32, #tpu.memory_space<vmem>>
        %parallel_loop3A_783 = tpu.memref_squeeze %parallel_loop3A_782 : memref<1x128x64xf32, #tpu.memory_space<vmem>> -> memref<128x64xf32, #tpu.memory_space<vmem>>
        %parallel_loop3A_784 = arith.index_cast %parallel_loop3A_741 : i32 to index
        %parallel_loop3A_785 = arith.constant 48 : index
        %parallel_loop3A_786 = tpu.vector_load %parallel_loop3A_783[%parallel_loop3A_784, %parallel_loop3A_785] {strides = array<i32>} : memref<128x64xf32, #tpu.memory_space<vmem>>, vector<16xf32>,
        %parallel_loop3A_787 = arith.constant 0 : i32
        %parallel_loop3A_788 = arith.constant 0 : i32
        %parallel_loop3A_789 = arith.constant 0 : i32
        %parallel_loop3A_790 = tpu.memref_slice %arg7[%parallel_loop3A_338, %parallel_loop3A_787, %parallel_loop3A_788, %parallel_loop3A_789] : memref<2x8x8x129xf32, #tpu.memory_space<vmem>> -> memref<1x8x8x129xf32, #tpu.memory_space<vmem>>
        %parallel_loop3A_791 = tpu.memref_squeeze %parallel_loop3A_790 : memref<1x8x8x129xf32, #tpu.memory_space<vmem>> -> memref<8x8x129xf32, #tpu.memory_space<vmem>>
        tpu.vector_store_idx %parallel_loop3A_791[%select_n3A_156, %select_n3A_176, %parallel_loop3A_743], %parallel_loop3A_786 : memref<8x8x129xf32, #tpu.memory_space<vmem>>[vector<16xi32>, vector<16xi32>, vector<16xi32>], vector<16xf32>,
      } {sc.loop_unroll_factor = 8 : i64, sc.parallel_access}
      %jit3A_339 = arith.constant 4 : i32
      %div3A_340 = arith.divsi %add3A_286, %jit3A_339 : i32
      %sign3A_341 = arith.constant 0 : i32
      %sign3A_342 = arith.cmpi sgt, %add3A_286, %sign3A_341 : i32
      %sign3A_343 = arith.extui %sign3A_342 : i1 to i32
      %sign3A_344 = arith.constant 0 : i32
      %sign3A_345 = arith.cmpi slt, %add3A_286, %sign3A_344 : i32
      %sign3A_346 = arith.extui %sign3A_345 : i1 to i32
      %sign3A_347 = arith.subi %sign3A_343, %sign3A_346 : i32
      %sign3A_348 = arith.constant 0 : i32
      %sign3A_349 = arith.cmpi sgt, %jit3A_339, %sign3A_348 : i32
      %sign3A_350 = arith.extui %sign3A_349 : i1 to i32
      %sign3A_351 = arith.constant 0 : i32
      %sign3A_352 = arith.cmpi slt, %jit3A_339, %sign3A_351 : i32
      %sign3A_353 = arith.extui %sign3A_352 : i1 to i32
      %sign3A_354 = arith.subi %sign3A_350, %sign3A_353 : i32
      %ne3A_355 = arith.cmpi ne, %sign3A_347, %sign3A_354 : i32
      %rem3A_356 = arith.remsi %add3A_286, %jit3A_339 : i32
      %ne3A_357 = arith.constant 0 : i32
      %ne3A_358 = arith.cmpi ne, %rem3A_356, %ne3A_357 : i32
      %and3A_359 = arith.andi %ne3A_355, %ne3A_358 : i1
      %sub3A_360 = arith.constant 1 : i32
      %sub3A_361 = arith.subi %div3A_340, %sub3A_360 : i32
      %select_n3A_362 = arith.select %and3A_359, %sub3A_361, %div3A_340 : i32
      %mul3A_363 = arith.constant 4 : i32
      %mul3A_364 = arith.muli %select_n3A_362, %mul3A_363 : i32
      %sub3A_365 = arith.subi %add3A_286, %mul3A_364 : i32
      %add3A_366 = arith.addi %mul3A_4, %sub3A_365 : i32
      %dma_start3A_367 = arith.constant 0 : i32
      %dma_start3A_368 = arith.constant 0 : i32
      %dma_start3A_369 = arith.constant 0 : i32
      %dma_start3A_370 = arith.constant 0 : i32
      %dma_start3A_371 = tpu.memref_slice %arg7[%dma_start3A_367, %dma_start3A_368, %dma_start3A_369, %dma_start3A_370] : memref<2x8x8x129xf32, #tpu.memory_space<vmem>> -> memref<1x8x8x129xf32, #tpu.memory_space<vmem>>
      %dma_start3A_372 = tpu.memref_squeeze %dma_start3A_371 : memref<1x8x8x129xf32, #tpu.memory_space<vmem>> -> memref<8x8x129xf32, #tpu.memory_space<vmem>>
      %dma_start3A_373 = arith.constant 0 : i32
      %dma_start3A_374 = arith.constant 0 : i32
      %dma_start3A_375 = arith.constant 0 : i32
      %dma_start3A_376 = tpu.memref_slice %dma_start3A_372[%dma_start3A_373, %dma_start3A_374, %dma_start3A_375] : memref<8x8x129xf32, #tpu.memory_space<vmem>> -> memref<8x8x128xf32, #tpu.memory_space<vmem>>
      %dma_start3A_377 = arith.constant 0 : i32
      %dma_start3A_378 = arith.constant 0 : i32
      %dma_start3A_379 = arith.constant 0 : i32
      %dma_start3A_380 = tpu.memref_slice %arg4[%select_n3A_362, %dma_start3A_377, %add3A_366, %dma_start3A_378, %dma_start3A_379] : memref<50x8x128x8x128xf32, #tpu.memory_space<hbm>> -> memref<1x8x1x8x128xf32, #tpu.memory_space<hbm>>
      %dma_start3A_381 = tpu.memref_squeeze %dma_start3A_380 : memref<1x8x1x8x128xf32, #tpu.memory_space<hbm>> -> memref<8x8x128xf32, #tpu.memory_space<hbm>>
      %dma_start3A_382 = arith.constant 0 : i32
      %dma_start3A_383 = arith.constant 0 : i32
      %dma_start3A_384 = arith.constant 0 : i32
      %dma_start3A_385 = tpu.memref_slice %arg4[%select_n3A_362, %dma_start3A_382, %add3A_366, %dma_start3A_383, %dma_start3A_384] : memref<50x8x128x8x128xf32, #tpu.memory_space<hbm>> -> memref<1x8x1x8x128xf32, #tpu.memory_space<hbm>>
      %dma_start3A_386 = tpu.memref_squeeze %dma_start3A_385 : memref<1x8x1x8x128xf32, #tpu.memory_space<hbm>> -> memref<8x8x128xf32, #tpu.memory_space<hbm>>
      %dma_start3A_387 = arith.constant 0 : i32
      %dma_start3A_388 = arith.constant 0 : i32
      %dma_start3A_389 = arith.constant 0 : i32
      %dma_start3A_390 = tpu.memref_slice %arg7[%dma_start3A_367, %dma_start3A_387, %dma_start3A_388, %dma_start3A_389] : memref<2x8x8x129xf32, #tpu.memory_space<vmem>> -> memref<1x8x8x129xf32, #tpu.memory_space<vmem>>
      %dma_start3A_391 = tpu.memref_squeeze %dma_start3A_390 : memref<1x8x8x129xf32, #tpu.memory_space<vmem>> -> memref<8x8x129xf32, #tpu.memory_space<vmem>>
      %dma_start3A_392 = arith.constant 0 : i32
      %dma_start3A_393 = arith.constant 0 : i32
      %dma_start3A_394 = arith.constant 0 : i32
      %dma_start3A_395 = tpu.memref_slice %dma_start3A_391[%dma_start3A_392, %dma_start3A_393, %dma_start3A_394] : memref<8x8x129xf32, #tpu.memory_space<vmem>> -> memref<8x8x128xf32, #tpu.memory_space<vmem>>
      tpu.enqueue_dma source(%dma_start3A_395 : memref<8x8x128xf32, #tpu.memory_space<vmem>>) target(%dma_start3A_386 : memref<8x8x128xf32, #tpu.memory_space<hbm>>) target_semaphore(%arg12 : memref<!tpu.dma_semaphore, #tpu.memory_space<semaphore_mem>>)
      %add3A_396 = arith.constant 1 : i32
      %add3A_397 = arith.addi %add3A_284, %add3A_396 : i32
      %add3A_398 = arith.constant 3 : i32
      %add3A_399 = arith.addi %add3A_397, %add3A_398 : i32
      %lt3A_400 = arith.constant 200 : i32
      %lt3A_401 = arith.cmpi slt, %add3A_399, %lt3A_400 : i32
      %convert_element_type3A_402 = arith.extui %lt3A_401 : i1 to i32
      %cond3A_403 = arith.constant 0 : i32
      %cond3A_404 = arith.cmpi ne, %convert_element_type3A_402, %cond3A_403 : i32
      scf.if %cond3A_404 {
        %add3A_741 = arith.constant 3 : i32
        %add3A_742 = arith.addi %add3A_397, %add3A_741 : i32
        %jit3A_743 = arith.constant 4 : i32
        %div3A_744 = arith.divsi %add3A_742, %jit3A_743 : i32
        %sign3A_745 = arith.constant 0 : i32
        %sign3A_746 = arith.cmpi sgt, %add3A_742, %sign3A_745 : i32
        %sign3A_747 = arith.extui %sign3A_746 : i1 to i32
        %sign3A_748 = arith.constant 0 : i32
        %sign3A_749 = arith.cmpi slt, %add3A_742, %sign3A_748 : i32
        %sign3A_750 = arith.extui %sign3A_749 : i1 to i32
        %sign3A_751 = arith.subi %sign3A_747, %sign3A_750 : i32
        %sign3A_752 = arith.constant 0 : i32
        %sign3A_753 = arith.cmpi sgt, %jit3A_743, %sign3A_752 : i32
        %sign3A_754 = arith.extui %sign3A_753 : i1 to i32
        %sign3A_755 = arith.constant 0 : i32
        %sign3A_756 = arith.cmpi slt, %jit3A_743, %sign3A_755 : i32
        %sign3A_757 = arith.extui %sign3A_756 : i1 to i32
        %sign3A_758 = arith.subi %sign3A_754, %sign3A_757 : i32
        %ne3A_759 = arith.cmpi ne, %sign3A_751, %sign3A_758 : i32
        %rem3A_760 = arith.remsi %add3A_742, %jit3A_743 : i32
        %ne3A_761 = arith.constant 0 : i32
        %ne3A_762 = arith.cmpi ne, %rem3A_760, %ne3A_761 : i32
        %and3A_763 = arith.andi %ne3A_759, %ne3A_762 : i1
        %sub3A_764 = arith.constant 1 : i32
        %sub3A_765 = arith.subi %div3A_744, %sub3A_764 : i32
        %select_n3A_766 = arith.select %and3A_763, %sub3A_765, %div3A_744 : i32
        %mul3A_767 = arith.constant 4 : i32
        %mul3A_768 = arith.muli %select_n3A_766, %mul3A_767 : i32
        %sub3A_769 = arith.subi %add3A_742, %mul3A_768 : i32
        %mul3A_770 = arith.constant 128 : i32
        %mul3A_771 = arith.muli %sub3A_769, %mul3A_770 : i32
        %dma_start3A_772 = arith.constant 0 : i32
        %dma_start3A_773 = arith.constant 0 : i32
        %dma_start3A_774 = arith.constant 0 : i32
        %dma_start3A_775 = tpu.memref_slice %arg6[%dma_start3A_772, %dma_start3A_773, %dma_start3A_774] : memref<4x128x64xf32, #tpu.memory_space<vmem>> -> memref<1x128x64xf32, #tpu.memory_space<vmem>>
        %dma_start3A_776 = tpu.memref_squeeze %dma_start3A_775 : memref<1x128x64xf32, #tpu.memory_space<vmem>> -> memref<128x64xf32, #tpu.memory_space<vmem>>
        %dma_start3A_777 = tpu.memref_slice %arg5[%select_n3A_766, %mul3A_771] : memref<50x512xi32, #tpu.memory_space<vmem>> -> memref<1x128xi32, #tpu.memory_space<vmem>>
        %dma_start3A_778 = tpu.memref_squeeze %dma_start3A_777 : memref<1x128xi32, #tpu.memory_space<vmem>> -> memref<128xi32, #tpu.memory_space<vmem>>
        %dma_start3A_779 = arith.constant 0 : i32
        %dma_start3A_780 = arith.constant 0 : i32
        %dma_start3A_781 = tpu.memref_slice %arg2[%dma_start3A_779, %dma_start3A_780] : memref<1000000x64xf32, #tpu.memory_space<hbm>> -> memref<1000000x64xf32, #tpu.memory_space<hbm>>
        tpu.enqueue_indirect_dma source(%dma_start3A_781 : memref<1000000x64xf32, #tpu.memory_space<hbm>>) target(%dma_start3A_776 : memref<128x64xf32, #tpu.memory_space<vmem>>) offsets(%dma_start3A_778 : memref<128xi32, #tpu.memory_space<vmem>>) semaphore(%arg8 : memref<!tpu.dma_semaphore, #tpu.memory_space<semaphore_mem>>)
      } else {
      }
      %jit3A_405 = arith.constant 4 : i32
      %div3A_406 = arith.divsi %add3A_397, %jit3A_405 : i32
      %sign3A_407 = arith.constant 0 : i32
      %sign3A_408 = arith.cmpi sgt, %add3A_397, %sign3A_407 : i32
      %sign3A_409 = arith.extui %sign3A_408 : i1 to i32
      %sign3A_410 = arith.constant 0 : i32
      %sign3A_411 = arith.cmpi slt, %add3A_397, %sign3A_410 : i32
      %sign3A_412 = arith.extui %sign3A_411 : i1 to i32
      %sign3A_413 = arith.subi %sign3A_409, %sign3A_412 : i32
      %sign3A_414 = arith.constant 0 : i32
      %sign3A_415 = arith.cmpi sgt, %jit3A_405, %sign3A_414 : i32
      %sign3A_416 = arith.extui %sign3A_415 : i1 to i32
      %sign3A_417 = arith.constant 0 : i32
      %sign3A_418 = arith.cmpi slt, %jit3A_405, %sign3A_417 : i32
      %sign3A_419 = arith.extui %sign3A_418 : i1 to i32
      %sign3A_420 = arith.subi %sign3A_416, %sign3A_419 : i32
      %ne3A_421 = arith.cmpi ne, %sign3A_413, %sign3A_420 : i32
      %rem3A_422 = arith.remsi %add3A_397, %jit3A_405 : i32
      %ne3A_423 = arith.constant 0 : i32
      %ne3A_424 = arith.cmpi ne, %rem3A_422, %ne3A_423 : i32
      %and3A_425 = arith.andi %ne3A_421, %ne3A_424 : i1
      %sub3A_426 = arith.constant 1 : i32
      %sub3A_427 = arith.subi %div3A_406, %sub3A_426 : i32
      %select_n3A_428 = arith.select %and3A_425, %sub3A_427, %div3A_406 : i32
      %mul3A_429 = arith.constant 4 : i32
      %mul3A_430 = arith.muli %select_n3A_428, %mul3A_429 : i32
      %sub3A_431 = arith.subi %add3A_397, %mul3A_430 : i32
      %mul3A_432 = arith.constant 128 : i32
      %mul3A_433 = arith.muli %sub3A_431, %mul3A_432 : i32
      %dma_wait3A_434 = arith.constant 1 : i32
      %dma_wait3A_435 = arith.constant 0 : i32
      %dma_wait3A_436 = arith.constant 0 : i32
      %dma_wait3A_437 = tpu.memref_slice %arg6[%dma_wait3A_434, %dma_wait3A_435, %dma_wait3A_436] : memref<4x128x64xf32, #tpu.memory_space<vmem>> -> memref<1x128x64xf32, #tpu.memory_space<vmem>>
      %dma_wait3A_438 = tpu.memref_squeeze %dma_wait3A_437 : memref<1x128x64xf32, #tpu.memory_space<vmem>> -> memref<128x64xf32, #tpu.memory_space<vmem>>
      %dma_wait3A_439 = tpu.memref_slice %arg5[%select_n3A_428, %mul3A_433] : memref<50x512xi32, #tpu.memory_space<vmem>> -> memref<1x128xi32, #tpu.memory_space<vmem>>
      %dma_wait3A_440 = tpu.memref_squeeze %dma_wait3A_439 : memref<1x128xi32, #tpu.memory_space<vmem>> -> memref<128xi32, #tpu.memory_space<vmem>>
      %dma_wait3A_441 = arith.constant 0 : i32
      %dma_wait3A_442 = arith.constant 0 : i32
      %dma_wait3A_443 = tpu.memref_slice %arg2[%dma_wait3A_441, %dma_wait3A_442] : memref<1000000x64xf32, #tpu.memory_space<hbm>> -> memref<1000000x64xf32, #tpu.memory_space<hbm>>
      tpu.wait_indirect_dma semaphore(%arg9 : memref<!tpu.dma_semaphore, #tpu.memory_space<semaphore_mem>>) src(%dma_wait3A_443 : memref<1000000x64xf32, #tpu.memory_space<hbm>>) dst(%dma_wait3A_438 : memref<128x64xf32, #tpu.memory_space<vmem>>)
      %ge3A_444 = arith.constant 2 : i32
      %ge3A_445 = arith.cmpi sge, %add3A_397, %ge3A_444 : i32
      %convert_element_type3A_446 = arith.extui %ge3A_445 : i1 to i32
      %cond3A_447 = arith.constant 0 : i32
      %cond3A_448 = arith.cmpi ne, %convert_element_type3A_446, %cond3A_447 : i32
      scf.if %cond3A_448 {
        %sub3A_741 = arith.constant 2 : i32
        %sub3A_742 = arith.subi %add3A_397, %sub3A_741 : i32
        %jit3A_743 = arith.constant 4 : i32
        %div3A_744 = arith.divsi %sub3A_742, %jit3A_743 : i32
        %sign3A_745 = arith.constant 0 : i32
        %sign3A_746 = arith.cmpi sgt, %sub3A_742, %sign3A_745 : i32
        %sign3A_747 = arith.extui %sign3A_746 : i1 to i32
        %sign3A_748 = arith.constant 0 : i32
        %sign3A_749 = arith.cmpi slt, %sub3A_742, %sign3A_748 : i32
        %sign3A_750 = arith.extui %sign3A_749 : i1 to i32
        %sign3A_751 = arith.subi %sign3A_747, %sign3A_750 : i32
        %sign3A_752 = arith.constant 0 : i32
        %sign3A_753 = arith.cmpi sgt, %jit3A_743, %sign3A_752 : i32
        %sign3A_754 = arith.extui %sign3A_753 : i1 to i32
        %sign3A_755 = arith.constant 0 : i32
        %sign3A_756 = arith.cmpi slt, %jit3A_743, %sign3A_755 : i32
        %sign3A_757 = arith.extui %sign3A_756 : i1 to i32
        %sign3A_758 = arith.subi %sign3A_754, %sign3A_757 : i32
        %ne3A_759 = arith.cmpi ne, %sign3A_751, %sign3A_758 : i32
        %rem3A_760 = arith.remsi %sub3A_742, %jit3A_743 : i32
        %ne3A_761 = arith.constant 0 : i32
        %ne3A_762 = arith.cmpi ne, %rem3A_760, %ne3A_761 : i32
        %and3A_763 = arith.andi %ne3A_759, %ne3A_762 : i1
        %sub3A_764 = arith.constant 1 : i32
        %sub3A_765 = arith.subi %div3A_744, %sub3A_764 : i32
        %select_n3A_766 = arith.select %and3A_763, %sub3A_765, %div3A_744 : i32
        %mul3A_767 = arith.constant 4 : i32
        %mul3A_768 = arith.muli %select_n3A_766, %mul3A_767 : i32
        %sub3A_769 = arith.subi %sub3A_742, %mul3A_768 : i32
        %add3A_770 = arith.addi %mul3A_4, %sub3A_769 : i32
        %dma_wait3A_771 = arith.constant 1 : i32
        %dma_wait3A_772 = arith.constant 0 : i32
        %dma_wait3A_773 = arith.constant 0 : i32
        %dma_wait3A_774 = arith.constant 0 : i32
        %dma_wait3A_775 = tpu.memref_slice %arg7[%dma_wait3A_771, %dma_wait3A_772, %dma_wait3A_773, %dma_wait3A_774] : memref<2x8x8x129xf32, #tpu.memory_space<vmem>> -> memref<1x8x8x129xf32, #tpu.memory_space<vmem>>
        %dma_wait3A_776 = tpu.memref_squeeze %dma_wait3A_775 : memref<1x8x8x129xf32, #tpu.memory_space<vmem>> -> memref<8x8x129xf32, #tpu.memory_space<vmem>>
        %dma_wait3A_777 = arith.constant 0 : i32
        %dma_wait3A_778 = arith.constant 0 : i32
        %dma_wait3A_779 = arith.constant 0 : i32
        %dma_wait3A_780 = tpu.memref_slice %dma_wait3A_776[%dma_wait3A_777, %dma_wait3A_778, %dma_wait3A_779] : memref<8x8x129xf32, #tpu.memory_space<vmem>> -> memref<8x8x128xf32, #tpu.memory_space<vmem>>
        %dma_wait3A_781 = arith.constant 0 : i32
        %dma_wait3A_782 = arith.constant 0 : i32
        %dma_wait3A_783 = arith.constant 0 : i32
        %dma_wait3A_784 = tpu.memref_slice %arg4[%select_n3A_766, %dma_wait3A_781, %add3A_770, %dma_wait3A_782, %dma_wait3A_783] : memref<50x8x128x8x128xf32, #tpu.memory_space<hbm>> -> memref<1x8x1x8x128xf32, #tpu.memory_space<hbm>>
        %dma_wait3A_785 = tpu.memref_squeeze %dma_wait3A_784 : memref<1x8x1x8x128xf32, #tpu.memory_space<hbm>> -> memref<8x8x128xf32, #tpu.memory_space<hbm>>
        %dma_wait3A_786 = arith.constant 0 : i32
        %dma_wait3A_787 = arith.constant 0 : i32
        %dma_wait3A_788 = arith.constant 0 : i32
        %dma_wait3A_789 = tpu.memref_slice %arg4[%select_n3A_766, %dma_wait3A_786, %add3A_770, %dma_wait3A_787, %dma_wait3A_788] : memref<50x8x128x8x128xf32, #tpu.memory_space<hbm>> -> memref<1x8x1x8x128xf32, #tpu.memory_space<hbm>>
        %dma_wait3A_790 = tpu.memref_squeeze %dma_wait3A_789 : memref<1x8x1x8x128xf32, #tpu.memory_space<hbm>> -> memref<8x8x128xf32, #tpu.memory_space<hbm>>
        %dma_wait3A_791 = arith.constant 0 : i32
        %dma_wait3A_792 = arith.constant 0 : i32
        %dma_wait3A_793 = arith.constant 0 : i32
        %dma_wait3A_794 = tpu.memref_slice %arg7[%dma_wait3A_771, %dma_wait3A_791, %dma_wait3A_792, %dma_wait3A_793] : memref<2x8x8x129xf32, #tpu.memory_space<vmem>> -> memref<1x8x8x129xf32, #tpu.memory_space<vmem>>
        %dma_wait3A_795 = tpu.memref_squeeze %dma_wait3A_794 : memref<1x8x8x129xf32, #tpu.memory_space<vmem>> -> memref<8x8x129xf32, #tpu.memory_space<vmem>>
        %dma_wait3A_796 = arith.constant 0 : i32
        %dma_wait3A_797 = arith.constant 0 : i32
        %dma_wait3A_798 = arith.constant 0 : i32
        %dma_wait3A_799 = tpu.memref_slice %dma_wait3A_795[%dma_wait3A_796, %dma_wait3A_797, %dma_wait3A_798] : memref<8x8x129xf32, #tpu.memory_space<vmem>> -> memref<8x8x128xf32, #tpu.memory_space<vmem>>
        tpu.wait_dma2 semaphore(%arg13 : memref<!tpu.dma_semaphore, #tpu.memory_space<semaphore_mem>>) src(%dma_wait3A_799 : memref<8x8x128xf32, #tpu.memory_space<vmem>>) dst(%dma_wait3A_790 : memref<8x8x128xf32, #tpu.memory_space<hbm>>)
      } else {
      }
      %parallel_loop3A_449 = arith.constant 0 : i32
      %parallel_loop3A_450 = arith.constant 128 : i32
      %parallel_loop3A_451 = arith.constant 1 : i32
      %parallel_loop3A_452 = arith.constant 1 : i32
      %parallel_loop3A_453 = arith.constant 1 : i32
      scf.for %parallel_loop3A_741 = %parallel_loop3A_449 to %parallel_loop3A_450 step %parallel_loop3A_451  : i32 {
        %parallel_loop3A_742 = vector.broadcast %parallel_loop3A_741 : i32 to vector<16xi32>
        %parallel_loop3A_743 = arith.addi %broadcast_in_dim3A_177, %parallel_loop3A_742 : vector<16xi32>
        %parallel_loop3A_744 = arith.constant 0 : i32
        %parallel_loop3A_745 = arith.constant 0 : i32
        %parallel_loop3A_746 = tpu.memref_slice %arg6[%parallel_loop3A_452, %parallel_loop3A_744, %parallel_loop3A_745] : memref<4x128x64xf32, #tpu.memory_space<vmem>> -> memref<1x128x64xf32, #tpu.memory_space<vmem>>
        %parallel_loop3A_747 = tpu.memref_squeeze %parallel_loop3A_746 : memref<1x128x64xf32, #tpu.memory_space<vmem>> -> memref<128x64xf32, #tpu.memory_space<vmem>>
        %parallel_loop3A_748 = arith.index_cast %parallel_loop3A_741 : i32 to index
        %parallel_loop3A_749 = arith.constant 0 : index
        %parallel_loop3A_750 = tpu.vector_load %parallel_loop3A_747[%parallel_loop3A_748, %parallel_loop3A_749] {strides = array<i32>} : memref<128x64xf32, #tpu.memory_space<vmem>>, vector<16xf32>,
        %parallel_loop3A_751 = arith.constant 0 : i32
        %parallel_loop3A_752 = arith.constant 0 : i32
        %parallel_loop3A_753 = arith.constant 0 : i32
        %parallel_loop3A_754 = tpu.memref_slice %arg7[%parallel_loop3A_453, %parallel_loop3A_751, %parallel_loop3A_752, %parallel_loop3A_753] : memref<2x8x8x129xf32, #tpu.memory_space<vmem>> -> memref<1x8x8x129xf32, #tpu.memory_space<vmem>>
        %parallel_loop3A_755 = tpu.memref_squeeze %parallel_loop3A_754 : memref<1x8x8x129xf32, #tpu.memory_space<vmem>> -> memref<8x8x129xf32, #tpu.memory_space<vmem>>
        tpu.vector_store_idx %parallel_loop3A_755[%select_n3A, %select_n3A_176, %parallel_loop3A_743], %parallel_loop3A_750 : memref<8x8x129xf32, #tpu.memory_space<vmem>>[vector<16xi32>, vector<16xi32>, vector<16xi32>], vector<16xf32>,
        %parallel_loop3A_756 = arith.constant 0 : i32
        %parallel_loop3A_757 = arith.constant 0 : i32
        %parallel_loop3A_758 = tpu.memref_slice %arg6[%parallel_loop3A_452, %parallel_loop3A_756, %parallel_loop3A_757] : memref<4x128x64xf32, #tpu.memory_space<vmem>> -> memref<1x128x64xf32, #tpu.memory_space<vmem>>
        %parallel_loop3A_759 = tpu.memref_squeeze %parallel_loop3A_758 : memref<1x128x64xf32, #tpu.memory_space<vmem>> -> memref<128x64xf32, #tpu.memory_space<vmem>>
        %parallel_loop3A_760 = arith.index_cast %parallel_loop3A_741 : i32 to index
        %parallel_loop3A_761 = arith.constant 16 : index
        %parallel_loop3A_762 = tpu.vector_load %parallel_loop3A_759[%parallel_loop3A_760, %parallel_loop3A_761] {strides = array<i32>} : memref<128x64xf32, #tpu.memory_space<vmem>>, vector<16xf32>,
        %parallel_loop3A_763 = arith.constant 0 : i32
        %parallel_loop3A_764 = arith.constant 0 : i32
        %parallel_loop3A_765 = arith.constant 0 : i32
        %parallel_loop3A_766 = tpu.memref_slice %arg7[%parallel_loop3A_453, %parallel_loop3A_763, %parallel_loop3A_764, %parallel_loop3A_765] : memref<2x8x8x129xf32, #tpu.memory_space<vmem>> -> memref<1x8x8x129xf32, #tpu.memory_space<vmem>>
        %parallel_loop3A_767 = tpu.memref_squeeze %parallel_loop3A_766 : memref<1x8x8x129xf32, #tpu.memory_space<vmem>> -> memref<8x8x129xf32, #tpu.memory_space<vmem>>
        tpu.vector_store_idx %parallel_loop3A_767[%select_n3A_88, %select_n3A_176, %parallel_loop3A_743], %parallel_loop3A_762 : memref<8x8x129xf32, #tpu.memory_space<vmem>>[vector<16xi32>, vector<16xi32>, vector<16xi32>], vector<16xf32>,
        %parallel_loop3A_768 = arith.constant 0 : i32
        %parallel_loop3A_769 = arith.constant 0 : i32
        %parallel_loop3A_770 = tpu.memref_slice %arg6[%parallel_loop3A_452, %parallel_loop3A_768, %parallel_loop3A_769] : memref<4x128x64xf32, #tpu.memory_space<vmem>> -> memref<1x128x64xf32, #tpu.memory_space<vmem>>
        %parallel_loop3A_771 = tpu.memref_squeeze %parallel_loop3A_770 : memref<1x128x64xf32, #tpu.memory_space<vmem>> -> memref<128x64xf32, #tpu.memory_space<vmem>>
        %parallel_loop3A_772 = arith.index_cast %parallel_loop3A_741 : i32 to index
        %parallel_loop3A_773 = arith.constant 32 : index
        %parallel_loop3A_774 = tpu.vector_load %parallel_loop3A_771[%parallel_loop3A_772, %parallel_loop3A_773] {strides = array<i32>} : memref<128x64xf32, #tpu.memory_space<vmem>>, vector<16xf32>,
        %parallel_loop3A_775 = arith.constant 0 : i32
        %parallel_loop3A_776 = arith.constant 0 : i32
        %parallel_loop3A_777 = arith.constant 0 : i32
        %parallel_loop3A_778 = tpu.memref_slice %arg7[%parallel_loop3A_453, %parallel_loop3A_775, %parallel_loop3A_776, %parallel_loop3A_777] : memref<2x8x8x129xf32, #tpu.memory_space<vmem>> -> memref<1x8x8x129xf32, #tpu.memory_space<vmem>>
        %parallel_loop3A_779 = tpu.memref_squeeze %parallel_loop3A_778 : memref<1x8x8x129xf32, #tpu.memory_space<vmem>> -> memref<8x8x129xf32, #tpu.memory_space<vmem>>
        tpu.vector_store_idx %parallel_loop3A_779[%select_n3A_122, %select_n3A_176, %parallel_loop3A_743], %parallel_loop3A_774 : memref<8x8x129xf32, #tpu.memory_space<vmem>>[vector<16xi32>, vector<16xi32>, vector<16xi32>], vector<16xf32>,
        %parallel_loop3A_780 = arith.constant 0 : i32
        %parallel_loop3A_781 = arith.constant 0 : i32
        %parallel_loop3A_782 = tpu.memref_slice %arg6[%parallel_loop3A_452, %parallel_loop3A_780, %parallel_loop3A_781] : memref<4x128x64xf32, #tpu.memory_space<vmem>> -> memref<1x128x64xf32, #tpu.memory_space<vmem>>
        %parallel_loop3A_783 = tpu.memref_squeeze %parallel_loop3A_782 : memref<1x128x64xf32, #tpu.memory_space<vmem>> -> memref<128x64xf32, #tpu.memory_space<vmem>>
        %parallel_loop3A_784 = arith.index_cast %parallel_loop3A_741 : i32 to index
        %parallel_loop3A_785 = arith.constant 48 : index
        %parallel_loop3A_786 = tpu.vector_load %parallel_loop3A_783[%parallel_loop3A_784, %parallel_loop3A_785] {strides = array<i32>} : memref<128x64xf32, #tpu.memory_space<vmem>>, vector<16xf32>,
        %parallel_loop3A_787 = arith.constant 0 : i32
        %parallel_loop3A_788 = arith.constant 0 : i32
        %parallel_loop3A_789 = arith.constant 0 : i32
        %parallel_loop3A_790 = tpu.memref_slice %arg7[%parallel_loop3A_453, %parallel_loop3A_787, %parallel_loop3A_788, %parallel_loop3A_789] : memref<2x8x8x129xf32, #tpu.memory_space<vmem>> -> memref<1x8x8x129xf32, #tpu.memory_space<vmem>>
        %parallel_loop3A_791 = tpu.memref_squeeze %parallel_loop3A_790 : memref<1x8x8x129xf32, #tpu.memory_space<vmem>> -> memref<8x8x129xf32, #tpu.memory_space<vmem>>
        tpu.vector_store_idx %parallel_loop3A_791[%select_n3A_156, %select_n3A_176, %parallel_loop3A_743], %parallel_loop3A_786 : memref<8x8x129xf32, #tpu.memory_space<vmem>>[vector<16xi32>, vector<16xi32>, vector<16xi32>], vector<16xf32>,
      } {sc.loop_unroll_factor = 8 : i64, sc.parallel_access}
      %jit3A_454 = arith.constant 4 : i32
      %div3A_455 = arith.divsi %add3A_397, %jit3A_454 : i32
      %sign3A_456 = arith.constant 0 : i32
      %sign3A_457 = arith.cmpi sgt, %add3A_397, %sign3A_456 : i32
      %sign3A_458 = arith.extui %sign3A_457 : i1 to i32
      %sign3A_459 = arith.constant 0 : i32
      %sign3A_460 = arith.cmpi slt, %add3A_397, %sign3A_459 : i32
      %sign3A_461 = arith.extui %sign3A_460 : i1 to i32
      %sign3A_462 = arith.subi %sign3A_458, %sign3A_461 : i32
      %sign3A_463 = arith.constant 0 : i32
      %sign3A_464 = arith.cmpi sgt, %jit3A_454, %sign3A_463 : i32
      %sign3A_465 = arith.extui %sign3A_464 : i1 to i32
      %sign3A_466 = arith.constant 0 : i32
      %sign3A_467 = arith.cmpi slt, %jit3A_454, %sign3A_466 : i32
      %sign3A_468 = arith.extui %sign3A_467 : i1 to i32
      %sign3A_469 = arith.subi %sign3A_465, %sign3A_468 : i32
      %ne3A_470 = arith.cmpi ne, %sign3A_462, %sign3A_469 : i32
      %rem3A_471 = arith.remsi %add3A_397, %jit3A_454 : i32
      %ne3A_472 = arith.constant 0 : i32
      %ne3A_473 = arith.cmpi ne, %rem3A_471, %ne3A_472 : i32
      %and3A_474 = arith.andi %ne3A_470, %ne3A_473 : i1
      %sub3A_475 = arith.constant 1 : i32
      %sub3A_476 = arith.subi %div3A_455, %sub3A_475 : i32
      %select_n3A_477 = arith.select %and3A_474, %sub3A_476, %div3A_455 : i32
      %mul3A_478 = arith.constant 4 : i32
      %mul3A_479 = arith.muli %select_n3A_477, %mul3A_478 : i32
      %sub3A_480 = arith.subi %add3A_397, %mul3A_479 : i32
      %add3A_481 = arith.addi %mul3A_4, %sub3A_480 : i32
      %dma_start3A_482 = arith.constant 1 : i32
      %dma_start3A_483 = arith.constant 0 : i32
      %dma_start3A_484 = arith.constant 0 : i32
      %dma_start3A_485 = arith.constant 0 : i32
      %dma_start3A_486 = tpu.memref_slice %arg7[%dma_start3A_482, %dma_start3A_483, %dma_start3A_484, %dma_start3A_485] : memref<2x8x8x129xf32, #tpu.memory_space<vmem>> -> memref<1x8x8x129xf32, #tpu.memory_space<vmem>>
      %dma_start3A_487 = tpu.memref_squeeze %dma_start3A_486 : memref<1x8x8x129xf32, #tpu.memory_space<vmem>> -> memref<8x8x129xf32, #tpu.memory_space<vmem>>
      %dma_start3A_488 = arith.constant 0 : i32
      %dma_start3A_489 = arith.constant 0 : i32
      %dma_start3A_490 = arith.constant 0 : i32
      %dma_start3A_491 = tpu.memref_slice %dma_start3A_487[%dma_start3A_488, %dma_start3A_489, %dma_start3A_490] : memref<8x8x129xf32, #tpu.memory_space<vmem>> -> memref<8x8x128xf32, #tpu.memory_space<vmem>>
      %dma_start3A_492 = arith.constant 0 : i32
      %dma_start3A_493 = arith.constant 0 : i32
      %dma_start3A_494 = arith.constant 0 : i32
      %dma_start3A_495 = tpu.memref_slice %arg4[%select_n3A_477, %dma_start3A_492, %add3A_481, %dma_start3A_493, %dma_start3A_494] : memref<50x8x128x8x128xf32, #tpu.memory_space<hbm>> -> memref<1x8x1x8x128xf32, #tpu.memory_space<hbm>>
      %dma_start3A_496 = tpu.memref_squeeze %dma_start3A_495 : memref<1x8x1x8x128xf32, #tpu.memory_space<hbm>> -> memref<8x8x128xf32, #tpu.memory_space<hbm>>
      %dma_start3A_497 = arith.constant 0 : i32
      %dma_start3A_498 = arith.constant 0 : i32
      %dma_start3A_499 = arith.constant 0 : i32
      %dma_start3A_500 = tpu.memref_slice %arg4[%select_n3A_477, %dma_start3A_497, %add3A_481, %dma_start3A_498, %dma_start3A_499] : memref<50x8x128x8x128xf32, #tpu.memory_space<hbm>> -> memref<1x8x1x8x128xf32, #tpu.memory_space<hbm>>
      %dma_start3A_501 = tpu.memref_squeeze %dma_start3A_500 : memref<1x8x1x8x128xf32, #tpu.memory_space<hbm>> -> memref<8x8x128xf32, #tpu.memory_space<hbm>>
      %dma_start3A_502 = arith.constant 0 : i32
      %dma_start3A_503 = arith.constant 0 : i32
      %dma_start3A_504 = arith.constant 0 : i32
      %dma_start3A_505 = tpu.memref_slice %arg7[%dma_start3A_482, %dma_start3A_502, %dma_start3A_503, %dma_start3A_504] : memref<2x8x8x129xf32, #tpu.memory_space<vmem>> -> memref<1x8x8x129xf32, #tpu.memory_space<vmem>>
      %dma_start3A_506 = tpu.memref_squeeze %dma_start3A_505 : memref<1x8x8x129xf32, #tpu.memory_space<vmem>> -> memref<8x8x129xf32, #tpu.memory_space<vmem>>
      %dma_start3A_507 = arith.constant 0 : i32
      %dma_start3A_508 = arith.constant 0 : i32
      %dma_start3A_509 = arith.constant 0 : i32
      %dma_start3A_510 = tpu.memref_slice %dma_start3A_506[%dma_start3A_507, %dma_start3A_508, %dma_start3A_509] : memref<8x8x129xf32, #tpu.memory_space<vmem>> -> memref<8x8x128xf32, #tpu.memory_space<vmem>>
      tpu.enqueue_dma source(%dma_start3A_510 : memref<8x8x128xf32, #tpu.memory_space<vmem>>) target(%dma_start3A_501 : memref<8x8x128xf32, #tpu.memory_space<hbm>>) target_semaphore(%arg13 : memref<!tpu.dma_semaphore, #tpu.memory_space<semaphore_mem>>)
      %add3A_511 = arith.constant 2 : i32
      %add3A_512 = arith.addi %add3A_284, %add3A_511 : i32
      %add3A_513 = arith.constant 3 : i32
      %add3A_514 = arith.addi %add3A_512, %add3A_513 : i32
      %lt3A_515 = arith.constant 200 : i32
      %lt3A_516 = arith.cmpi slt, %add3A_514, %lt3A_515 : i32
      %convert_element_type3A_517 = arith.extui %lt3A_516 : i1 to i32
      %cond3A_518 = arith.constant 0 : i32
      %cond3A_519 = arith.cmpi ne, %convert_element_type3A_517, %cond3A_518 : i32
      scf.if %cond3A_519 {
        %add3A_741 = arith.constant 3 : i32
        %add3A_742 = arith.addi %add3A_512, %add3A_741 : i32
        %jit3A_743 = arith.constant 4 : i32
        %div3A_744 = arith.divsi %add3A_742, %jit3A_743 : i32
        %sign3A_745 = arith.constant 0 : i32
        %sign3A_746 = arith.cmpi sgt, %add3A_742, %sign3A_745 : i32
        %sign3A_747 = arith.extui %sign3A_746 : i1 to i32
        %sign3A_748 = arith.constant 0 : i32
        %sign3A_749 = arith.cmpi slt, %add3A_742, %sign3A_748 : i32
        %sign3A_750 = arith.extui %sign3A_749 : i1 to i32
        %sign3A_751 = arith.subi %sign3A_747, %sign3A_750 : i32
        %sign3A_752 = arith.constant 0 : i32
        %sign3A_753 = arith.cmpi sgt, %jit3A_743, %sign3A_752 : i32
        %sign3A_754 = arith.extui %sign3A_753 : i1 to i32
        %sign3A_755 = arith.constant 0 : i32
        %sign3A_756 = arith.cmpi slt, %jit3A_743, %sign3A_755 : i32
        %sign3A_757 = arith.extui %sign3A_756 : i1 to i32
        %sign3A_758 = arith.subi %sign3A_754, %sign3A_757 : i32
        %ne3A_759 = arith.cmpi ne, %sign3A_751, %sign3A_758 : i32
        %rem3A_760 = arith.remsi %add3A_742, %jit3A_743 : i32
        %ne3A_761 = arith.constant 0 : i32
        %ne3A_762 = arith.cmpi ne, %rem3A_760, %ne3A_761 : i32
        %and3A_763 = arith.andi %ne3A_759, %ne3A_762 : i1
        %sub3A_764 = arith.constant 1 : i32
        %sub3A_765 = arith.subi %div3A_744, %sub3A_764 : i32
        %select_n3A_766 = arith.select %and3A_763, %sub3A_765, %div3A_744 : i32
        %mul3A_767 = arith.constant 4 : i32
        %mul3A_768 = arith.muli %select_n3A_766, %mul3A_767 : i32
        %sub3A_769 = arith.subi %add3A_742, %mul3A_768 : i32
        %mul3A_770 = arith.constant 128 : i32
        %mul3A_771 = arith.muli %sub3A_769, %mul3A_770 : i32
        %dma_start3A_772 = arith.constant 1 : i32
        %dma_start3A_773 = arith.constant 0 : i32
        %dma_start3A_774 = arith.constant 0 : i32
        %dma_start3A_775 = tpu.memref_slice %arg6[%dma_start3A_772, %dma_start3A_773, %dma_start3A_774] : memref<4x128x64xf32, #tpu.memory_space<vmem>> -> memref<1x128x64xf32, #tpu.memory_space<vmem>>
        %dma_start3A_776 = tpu.memref_squeeze %dma_start3A_775 : memref<1x128x64xf32, #tpu.memory_space<vmem>> -> memref<128x64xf32, #tpu.memory_space<vmem>>
        %dma_start3A_777 = tpu.memref_slice %arg5[%select_n3A_766, %mul3A_771] : memref<50x512xi32, #tpu.memory_space<vmem>> -> memref<1x128xi32, #tpu.memory_space<vmem>>
        %dma_start3A_778 = tpu.memref_squeeze %dma_start3A_777 : memref<1x128xi32, #tpu.memory_space<vmem>> -> memref<128xi32, #tpu.memory_space<vmem>>
        %dma_start3A_779 = arith.constant 0 : i32
        %dma_start3A_780 = arith.constant 0 : i32
        %dma_start3A_781 = tpu.memref_slice %arg2[%dma_start3A_779, %dma_start3A_780] : memref<1000000x64xf32, #tpu.memory_space<hbm>> -> memref<1000000x64xf32, #tpu.memory_space<hbm>>
        tpu.enqueue_indirect_dma source(%dma_start3A_781 : memref<1000000x64xf32, #tpu.memory_space<hbm>>) target(%dma_start3A_776 : memref<128x64xf32, #tpu.memory_space<vmem>>) offsets(%dma_start3A_778 : memref<128xi32, #tpu.memory_space<vmem>>) semaphore(%arg9 : memref<!tpu.dma_semaphore, #tpu.memory_space<semaphore_mem>>)
      } else {
      }
      %jit3A_520 = arith.constant 4 : i32
      %div3A_521 = arith.divsi %add3A_512, %jit3A_520 : i32
      %sign3A_522 = arith.constant 0 : i32
      %sign3A_523 = arith.cmpi sgt, %add3A_512, %sign3A_522 : i32
      %sign3A_524 = arith.extui %sign3A_523 : i1 to i32
      %sign3A_525 = arith.constant 0 : i32
      %sign3A_526 = arith.cmpi slt, %add3A_512, %sign3A_525 : i32
      %sign3A_527 = arith.extui %sign3A_526 : i1 to i32
      %sign3A_528 = arith.subi %sign3A_524, %sign3A_527 : i32
      %sign3A_529 = arith.constant 0 : i32
      %sign3A_530 = arith.cmpi sgt, %jit3A_520, %sign3A_529 : i32
      %sign3A_531 = arith.extui %sign3A_530 : i1 to i32
      %sign3A_532 = arith.constant 0 : i32
      %sign3A_533 = arith.cmpi slt, %jit3A_520, %sign3A_532 : i32
      %sign3A_534 = arith.extui %sign3A_533 : i1 to i32
      %sign3A_535 = arith.subi %sign3A_531, %sign3A_534 : i32
      %ne3A_536 = arith.cmpi ne, %sign3A_528, %sign3A_535 : i32
      %rem3A_537 = arith.remsi %add3A_512, %jit3A_520 : i32
      %ne3A_538 = arith.constant 0 : i32
      %ne3A_539 = arith.cmpi ne, %rem3A_537, %ne3A_538 : i32
      %and3A_540 = arith.andi %ne3A_536, %ne3A_539 : i1
      %sub3A_541 = arith.constant 1 : i32
      %sub3A_542 = arith.subi %div3A_521, %sub3A_541 : i32
      %select_n3A_543 = arith.select %and3A_540, %sub3A_542, %div3A_521 : i32
      %mul3A_544 = arith.constant 4 : i32
      %mul3A_545 = arith.muli %select_n3A_543, %mul3A_544 : i32
      %sub3A_546 = arith.subi %add3A_512, %mul3A_545 : i32
      %mul3A_547 = arith.constant 128 : i32
      %mul3A_548 = arith.muli %sub3A_546, %mul3A_547 : i32
      %dma_wait3A_549 = arith.constant 2 : i32
      %dma_wait3A_550 = arith.constant 0 : i32
      %dma_wait3A_551 = arith.constant 0 : i32
      %dma_wait3A_552 = tpu.memref_slice %arg6[%dma_wait3A_549, %dma_wait3A_550, %dma_wait3A_551] : memref<4x128x64xf32, #tpu.memory_space<vmem>> -> memref<1x128x64xf32, #tpu.memory_space<vmem>>
      %dma_wait3A_553 = tpu.memref_squeeze %dma_wait3A_552 : memref<1x128x64xf32, #tpu.memory_space<vmem>> -> memref<128x64xf32, #tpu.memory_space<vmem>>
      %dma_wait3A_554 = tpu.memref_slice %arg5[%select_n3A_543, %mul3A_548] : memref<50x512xi32, #tpu.memory_space<vmem>> -> memref<1x128xi32, #tpu.memory_space<vmem>>
      %dma_wait3A_555 = tpu.memref_squeeze %dma_wait3A_554 : memref<1x128xi32, #tpu.memory_space<vmem>> -> memref<128xi32, #tpu.memory_space<vmem>>
      %dma_wait3A_556 = arith.constant 0 : i32
      %dma_wait3A_557 = arith.constant 0 : i32
      %dma_wait3A_558 = tpu.memref_slice %arg2[%dma_wait3A_556, %dma_wait3A_557] : memref<1000000x64xf32, #tpu.memory_space<hbm>> -> memref<1000000x64xf32, #tpu.memory_space<hbm>>
      tpu.wait_indirect_dma semaphore(%arg10 : memref<!tpu.dma_semaphore, #tpu.memory_space<semaphore_mem>>) src(%dma_wait3A_558 : memref<1000000x64xf32, #tpu.memory_space<hbm>>) dst(%dma_wait3A_553 : memref<128x64xf32, #tpu.memory_space<vmem>>)
      %ge3A_559 = arith.constant 2 : i32
      %ge3A_560 = arith.cmpi sge, %add3A_512, %ge3A_559 : i32
      %convert_element_type3A_561 = arith.extui %ge3A_560 : i1 to i32
      %cond3A_562 = arith.constant 0 : i32
      %cond3A_563 = arith.cmpi ne, %convert_element_type3A_561, %cond3A_562 : i32
      scf.if %cond3A_563 {
        %sub3A_741 = arith.constant 2 : i32
        %sub3A_742 = arith.subi %add3A_512, %sub3A_741 : i32
        %jit3A_743 = arith.constant 4 : i32
        %div3A_744 = arith.divsi %sub3A_742, %jit3A_743 : i32
        %sign3A_745 = arith.constant 0 : i32
        %sign3A_746 = arith.cmpi sgt, %sub3A_742, %sign3A_745 : i32
        %sign3A_747 = arith.extui %sign3A_746 : i1 to i32
        %sign3A_748 = arith.constant 0 : i32
        %sign3A_749 = arith.cmpi slt, %sub3A_742, %sign3A_748 : i32
        %sign3A_750 = arith.extui %sign3A_749 : i1 to i32
        %sign3A_751 = arith.subi %sign3A_747, %sign3A_750 : i32
        %sign3A_752 = arith.constant 0 : i32
        %sign3A_753 = arith.cmpi sgt, %jit3A_743, %sign3A_752 : i32
        %sign3A_754 = arith.extui %sign3A_753 : i1 to i32
        %sign3A_755 = arith.constant 0 : i32
        %sign3A_756 = arith.cmpi slt, %jit3A_743, %sign3A_755 : i32
        %sign3A_757 = arith.extui %sign3A_756 : i1 to i32
        %sign3A_758 = arith.subi %sign3A_754, %sign3A_757 : i32
        %ne3A_759 = arith.cmpi ne, %sign3A_751, %sign3A_758 : i32
        %rem3A_760 = arith.remsi %sub3A_742, %jit3A_743 : i32
        %ne3A_761 = arith.constant 0 : i32
        %ne3A_762 = arith.cmpi ne, %rem3A_760, %ne3A_761 : i32
        %and3A_763 = arith.andi %ne3A_759, %ne3A_762 : i1
        %sub3A_764 = arith.constant 1 : i32
        %sub3A_765 = arith.subi %div3A_744, %sub3A_764 : i32
        %select_n3A_766 = arith.select %and3A_763, %sub3A_765, %div3A_744 : i32
        %mul3A_767 = arith.constant 4 : i32
        %mul3A_768 = arith.muli %select_n3A_766, %mul3A_767 : i32
        %sub3A_769 = arith.subi %sub3A_742, %mul3A_768 : i32
        %add3A_770 = arith.addi %mul3A_4, %sub3A_769 : i32
        %dma_wait3A_771 = arith.constant 0 : i32
        %dma_wait3A_772 = arith.constant 0 : i32
        %dma_wait3A_773 = arith.constant 0 : i32
        %dma_wait3A_774 = arith.constant 0 : i32
        %dma_wait3A_775 = tpu.memref_slice %arg7[%dma_wait3A_771, %dma_wait3A_772, %dma_wait3A_773, %dma_wait3A_774] : memref<2x8x8x129xf32, #tpu.memory_space<vmem>> -> memref<1x8x8x129xf32, #tpu.memory_space<vmem>>
        %dma_wait3A_776 = tpu.memref_squeeze %dma_wait3A_775 : memref<1x8x8x129xf32, #tpu.memory_space<vmem>> -> memref<8x8x129xf32, #tpu.memory_space<vmem>>
        %dma_wait3A_777 = arith.constant 0 : i32
        %dma_wait3A_778 = arith.constant 0 : i32
        %dma_wait3A_779 = arith.constant 0 : i32
        %dma_wait3A_780 = tpu.memref_slice %dma_wait3A_776[%dma_wait3A_777, %dma_wait3A_778, %dma_wait3A_779] : memref<8x8x129xf32, #tpu.memory_space<vmem>> -> memref<8x8x128xf32, #tpu.memory_space<vmem>>
        %dma_wait3A_781 = arith.constant 0 : i32
        %dma_wait3A_782 = arith.constant 0 : i32
        %dma_wait3A_783 = arith.constant 0 : i32
        %dma_wait3A_784 = tpu.memref_slice %arg4[%select_n3A_766, %dma_wait3A_781, %add3A_770, %dma_wait3A_782, %dma_wait3A_783] : memref<50x8x128x8x128xf32, #tpu.memory_space<hbm>> -> memref<1x8x1x8x128xf32, #tpu.memory_space<hbm>>
        %dma_wait3A_785 = tpu.memref_squeeze %dma_wait3A_784 : memref<1x8x1x8x128xf32, #tpu.memory_space<hbm>> -> memref<8x8x128xf32, #tpu.memory_space<hbm>>
        %dma_wait3A_786 = arith.constant 0 : i32
        %dma_wait3A_787 = arith.constant 0 : i32
        %dma_wait3A_788 = arith.constant 0 : i32
        %dma_wait3A_789 = tpu.memref_slice %arg4[%select_n3A_766, %dma_wait3A_786, %add3A_770, %dma_wait3A_787, %dma_wait3A_788] : memref<50x8x128x8x128xf32, #tpu.memory_space<hbm>> -> memref<1x8x1x8x128xf32, #tpu.memory_space<hbm>>
        %dma_wait3A_790 = tpu.memref_squeeze %dma_wait3A_789 : memref<1x8x1x8x128xf32, #tpu.memory_space<hbm>> -> memref<8x8x128xf32, #tpu.memory_space<hbm>>
        %dma_wait3A_791 = arith.constant 0 : i32
        %dma_wait3A_792 = arith.constant 0 : i32
        %dma_wait3A_793 = arith.constant 0 : i32
        %dma_wait3A_794 = tpu.memref_slice %arg7[%dma_wait3A_771, %dma_wait3A_791, %dma_wait3A_792, %dma_wait3A_793] : memref<2x8x8x129xf32, #tpu.memory_space<vmem>> -> memref<1x8x8x129xf32, #tpu.memory_space<vmem>>
        %dma_wait3A_795 = tpu.memref_squeeze %dma_wait3A_794 : memref<1x8x8x129xf32, #tpu.memory_space<vmem>> -> memref<8x8x129xf32, #tpu.memory_space<vmem>>
        %dma_wait3A_796 = arith.constant 0 : i32
        %dma_wait3A_797 = arith.constant 0 : i32
        %dma_wait3A_798 = arith.constant 0 : i32
        %dma_wait3A_799 = tpu.memref_slice %dma_wait3A_795[%dma_wait3A_796, %dma_wait3A_797, %dma_wait3A_798] : memref<8x8x129xf32, #tpu.memory_space<vmem>> -> memref<8x8x128xf32, #tpu.memory_space<vmem>>
        tpu.wait_dma2 semaphore(%arg12 : memref<!tpu.dma_semaphore, #tpu.memory_space<semaphore_mem>>) src(%dma_wait3A_799 : memref<8x8x128xf32, #tpu.memory_space<vmem>>) dst(%dma_wait3A_790 : memref<8x8x128xf32, #tpu.memory_space<hbm>>)
      } else {
      }
      %parallel_loop3A_564 = arith.constant 0 : i32
      %parallel_loop3A_565 = arith.constant 128 : i32
      %parallel_loop3A_566 = arith.constant 1 : i32
      %parallel_loop3A_567 = arith.constant 2 : i32
      %parallel_loop3A_568 = arith.constant 0 : i32
      scf.for %parallel_loop3A_741 = %parallel_loop3A_564 to %parallel_loop3A_565 step %parallel_loop3A_566  : i32 {
        %parallel_loop3A_742 = vector.broadcast %parallel_loop3A_741 : i32 to vector<16xi32>
        %parallel_loop3A_743 = arith.addi %broadcast_in_dim3A_177, %parallel_loop3A_742 : vector<16xi32>
        %parallel_loop3A_744 = arith.constant 0 : i32
        %parallel_loop3A_745 = arith.constant 0 : i32
        %parallel_loop3A_746 = tpu.memref_slice %arg6[%parallel_loop3A_567, %parallel_loop3A_744, %parallel_loop3A_745] : memref<4x128x64xf32, #tpu.memory_space<vmem>> -> memref<1x128x64xf32, #tpu.memory_space<vmem>>
        %parallel_loop3A_747 = tpu.memref_squeeze %parallel_loop3A_746 : memref<1x128x64xf32, #tpu.memory_space<vmem>> -> memref<128x64xf32, #tpu.memory_space<vmem>>
        %parallel_loop3A_748 = arith.index_cast %parallel_loop3A_741 : i32 to index
        %parallel_loop3A_749 = arith.constant 0 : index
        %parallel_loop3A_750 = tpu.vector_load %parallel_loop3A_747[%parallel_loop3A_748, %parallel_loop3A_749] {strides = array<i32>} : memref<128x64xf32, #tpu.memory_space<vmem>>, vector<16xf32>,
        %parallel_loop3A_751 = arith.constant 0 : i32
        %parallel_loop3A_752 = arith.constant 0 : i32
        %parallel_loop3A_753 = arith.constant 0 : i32
        %parallel_loop3A_754 = tpu.memref_slice %arg7[%parallel_loop3A_568, %parallel_loop3A_751, %parallel_loop3A_752, %parallel_loop3A_753] : memref<2x8x8x129xf32, #tpu.memory_space<vmem>> -> memref<1x8x8x129xf32, #tpu.memory_space<vmem>>
        %parallel_loop3A_755 = tpu.memref_squeeze %parallel_loop3A_754 : memref<1x8x8x129xf32, #tpu.memory_space<vmem>> -> memref<8x8x129xf32, #tpu.memory_space<vmem>>
        tpu.vector_store_idx %parallel_loop3A_755[%select_n3A, %select_n3A_176, %parallel_loop3A_743], %parallel_loop3A_750 : memref<8x8x129xf32, #tpu.memory_space<vmem>>[vector<16xi32>, vector<16xi32>, vector<16xi32>], vector<16xf32>,
        %parallel_loop3A_756 = arith.constant 0 : i32
        %parallel_loop3A_757 = arith.constant 0 : i32
        %parallel_loop3A_758 = tpu.memref_slice %arg6[%parallel_loop3A_567, %parallel_loop3A_756, %parallel_loop3A_757] : memref<4x128x64xf32, #tpu.memory_space<vmem>> -> memref<1x128x64xf32, #tpu.memory_space<vmem>>
        %parallel_loop3A_759 = tpu.memref_squeeze %parallel_loop3A_758 : memref<1x128x64xf32, #tpu.memory_space<vmem>> -> memref<128x64xf32, #tpu.memory_space<vmem>>
        %parallel_loop3A_760 = arith.index_cast %parallel_loop3A_741 : i32 to index
        %parallel_loop3A_761 = arith.constant 16 : index
        %parallel_loop3A_762 = tpu.vector_load %parallel_loop3A_759[%parallel_loop3A_760, %parallel_loop3A_761] {strides = array<i32>} : memref<128x64xf32, #tpu.memory_space<vmem>>, vector<16xf32>,
        %parallel_loop3A_763 = arith.constant 0 : i32
        %parallel_loop3A_764 = arith.constant 0 : i32
        %parallel_loop3A_765 = arith.constant 0 : i32
        %parallel_loop3A_766 = tpu.memref_slice %arg7[%parallel_loop3A_568, %parallel_loop3A_763, %parallel_loop3A_764, %parallel_loop3A_765] : memref<2x8x8x129xf32, #tpu.memory_space<vmem>> -> memref<1x8x8x129xf32, #tpu.memory_space<vmem>>
        %parallel_loop3A_767 = tpu.memref_squeeze %parallel_loop3A_766 : memref<1x8x8x129xf32, #tpu.memory_space<vmem>> -> memref<8x8x129xf32, #tpu.memory_space<vmem>>
        tpu.vector_store_idx %parallel_loop3A_767[%select_n3A_88, %select_n3A_176, %parallel_loop3A_743], %parallel_loop3A_762 : memref<8x8x129xf32, #tpu.memory_space<vmem>>[vector<16xi32>, vector<16xi32>, vector<16xi32>], vector<16xf32>,
        %parallel_loop3A_768 = arith.constant 0 : i32
        %parallel_loop3A_769 = arith.constant 0 : i32
        %parallel_loop3A_770 = tpu.memref_slice %arg6[%parallel_loop3A_567, %parallel_loop3A_768, %parallel_loop3A_769] : memref<4x128x64xf32, #tpu.memory_space<vmem>> -> memref<1x128x64xf32, #tpu.memory_space<vmem>>
        %parallel_loop3A_771 = tpu.memref_squeeze %parallel_loop3A_770 : memref<1x128x64xf32, #tpu.memory_space<vmem>> -> memref<128x64xf32, #tpu.memory_space<vmem>>
        %parallel_loop3A_772 = arith.index_cast %parallel_loop3A_741 : i32 to index
        %parallel_loop3A_773 = arith.constant 32 : index
        %parallel_loop3A_774 = tpu.vector_load %parallel_loop3A_771[%parallel_loop3A_772, %parallel_loop3A_773] {strides = array<i32>} : memref<128x64xf32, #tpu.memory_space<vmem>>, vector<16xf32>,
        %parallel_loop3A_775 = arith.constant 0 : i32
        %parallel_loop3A_776 = arith.constant 0 : i32
        %parallel_loop3A_777 = arith.constant 0 : i32
        %parallel_loop3A_778 = tpu.memref_slice %arg7[%parallel_loop3A_568, %parallel_loop3A_775, %parallel_loop3A_776, %parallel_loop3A_777] : memref<2x8x8x129xf32, #tpu.memory_space<vmem>> -> memref<1x8x8x129xf32, #tpu.memory_space<vmem>>
        %parallel_loop3A_779 = tpu.memref_squeeze %parallel_loop3A_778 : memref<1x8x8x129xf32, #tpu.memory_space<vmem>> -> memref<8x8x129xf32, #tpu.memory_space<vmem>>
        tpu.vector_store_idx %parallel_loop3A_779[%select_n3A_122, %select_n3A_176, %parallel_loop3A_743], %parallel_loop3A_774 : memref<8x8x129xf32, #tpu.memory_space<vmem>>[vector<16xi32>, vector<16xi32>, vector<16xi32>], vector<16xf32>,
        %parallel_loop3A_780 = arith.constant 0 : i32
        %parallel_loop3A_781 = arith.constant 0 : i32
        %parallel_loop3A_782 = tpu.memref_slice %arg6[%parallel_loop3A_567, %parallel_loop3A_780, %parallel_loop3A_781] : memref<4x128x64xf32, #tpu.memory_space<vmem>> -> memref<1x128x64xf32, #tpu.memory_space<vmem>>
        %parallel_loop3A_783 = tpu.memref_squeeze %parallel_loop3A_782 : memref<1x128x64xf32, #tpu.memory_space<vmem>> -> memref<128x64xf32, #tpu.memory_space<vmem>>
        %parallel_loop3A_784 = arith.index_cast %parallel_loop3A_741 : i32 to index
        %parallel_loop3A_785 = arith.constant 48 : index
        %parallel_loop3A_786 = tpu.vector_load %parallel_loop3A_783[%parallel_loop3A_784, %parallel_loop3A_785] {strides = array<i32>} : memref<128x64xf32, #tpu.memory_space<vmem>>, vector<16xf32>,
        %parallel_loop3A_787 = arith.constant 0 : i32
        %parallel_loop3A_788 = arith.constant 0 : i32
        %parallel_loop3A_789 = arith.constant 0 : i32
        %parallel_loop3A_790 = tpu.memref_slice %arg7[%parallel_loop3A_568, %parallel_loop3A_787, %parallel_loop3A_788, %parallel_loop3A_789] : memref<2x8x8x129xf32, #tpu.memory_space<vmem>> -> memref<1x8x8x129xf32, #tpu.memory_space<vmem>>
        %parallel_loop3A_791 = tpu.memref_squeeze %parallel_loop3A_790 : memref<1x8x8x129xf32, #tpu.memory_space<vmem>> -> memref<8x8x129xf32, #tpu.memory_space<vmem>>
        tpu.vector_store_idx %parallel_loop3A_791[%select_n3A_156, %select_n3A_176, %parallel_loop3A_743], %parallel_loop3A_786 : memref<8x8x129xf32, #tpu.memory_space<vmem>>[vector<16xi32>, vector<16xi32>, vector<16xi32>], vector<16xf32>,
      } {sc.loop_unroll_factor = 8 : i64, sc.parallel_access}
      %jit3A_569 = arith.constant 4 : i32
      %div3A_570 = arith.divsi %add3A_512, %jit3A_569 : i32
      %sign3A_571 = arith.constant 0 : i32
      %sign3A_572 = arith.cmpi sgt, %add3A_512, %sign3A_571 : i32
      %sign3A_573 = arith.extui %sign3A_572 : i1 to i32
      %sign3A_574 = arith.constant 0 : i32
      %sign3A_575 = arith.cmpi slt, %add3A_512, %sign3A_574 : i32
      %sign3A_576 = arith.extui %sign3A_575 : i1 to i32
      %sign3A_577 = arith.subi %sign3A_573, %sign3A_576 : i32
      %sign3A_578 = arith.constant 0 : i32
      %sign3A_579 = arith.cmpi sgt, %jit3A_569, %sign3A_578 : i32
      %sign3A_580 = arith.extui %sign3A_579 : i1 to i32
      %sign3A_581 = arith.constant 0 : i32
      %sign3A_582 = arith.cmpi slt, %jit3A_569, %sign3A_581 : i32
      %sign3A_583 = arith.extui %sign3A_582 : i1 to i32
      %sign3A_584 = arith.subi %sign3A_580, %sign3A_583 : i32
      %ne3A_585 = arith.cmpi ne, %sign3A_577, %sign3A_584 : i32
      %rem3A_586 = arith.remsi %add3A_512, %jit3A_569 : i32
      %ne3A_587 = arith.constant 0 : i32
      %ne3A_588 = arith.cmpi ne, %rem3A_586, %ne3A_587 : i32
      %and3A_589 = arith.andi %ne3A_585, %ne3A_588 : i1
      %sub3A_590 = arith.constant 1 : i32
      %sub3A_591 = arith.subi %div3A_570, %sub3A_590 : i32
      %select_n3A_592 = arith.select %and3A_589, %sub3A_591, %div3A_570 : i32
      %mul3A_593 = arith.constant 4 : i32
      %mul3A_594 = arith.muli %select_n3A_592, %mul3A_593 : i32
      %sub3A_595 = arith.subi %add3A_512, %mul3A_594 : i32
      %add3A_596 = arith.addi %mul3A_4, %sub3A_595 : i32
      %dma_start3A_597 = arith.constant 0 : i32
      %dma_start3A_598 = arith.constant 0 : i32
      %dma_start3A_599 = arith.constant 0 : i32
      %dma_start3A_600 = arith.constant 0 : i32
      %dma_start3A_601 = tpu.memref_slice %arg7[%dma_start3A_597, %dma_start3A_598, %dma_start3A_599, %dma_start3A_600] : memref<2x8x8x129xf32, #tpu.memory_space<vmem>> -> memref<1x8x8x129xf32, #tpu.memory_space<vmem>>
      %dma_start3A_602 = tpu.memref_squeeze %dma_start3A_601 : memref<1x8x8x129xf32, #tpu.memory_space<vmem>> -> memref<8x8x129xf32, #tpu.memory_space<vmem>>
      %dma_start3A_603 = arith.constant 0 : i32
      %dma_start3A_604 = arith.constant 0 : i32
      %dma_start3A_605 = arith.constant 0 : i32
      %dma_start3A_606 = tpu.memref_slice %dma_start3A_602[%dma_start3A_603, %dma_start3A_604, %dma_start3A_605] : memref<8x8x129xf32, #tpu.memory_space<vmem>> -> memref<8x8x128xf32, #tpu.memory_space<vmem>>
      %dma_start3A_607 = arith.constant 0 : i32
      %dma_start3A_608 = arith.constant 0 : i32
      %dma_start3A_609 = arith.constant 0 : i32
      %dma_start3A_610 = tpu.memref_slice %arg4[%select_n3A_592, %dma_start3A_607, %add3A_596, %dma_start3A_608, %dma_start3A_609] : memref<50x8x128x8x128xf32, #tpu.memory_space<hbm>> -> memref<1x8x1x8x128xf32, #tpu.memory_space<hbm>>
      %dma_start3A_611 = tpu.memref_squeeze %dma_start3A_610 : memref<1x8x1x8x128xf32, #tpu.memory_space<hbm>> -> memref<8x8x128xf32, #tpu.memory_space<hbm>>
      %dma_start3A_612 = arith.constant 0 : i32
      %dma_start3A_613 = arith.constant 0 : i32
      %dma_start3A_614 = arith.constant 0 : i32
      %dma_start3A_615 = tpu.memref_slice %arg4[%select_n3A_592, %dma_start3A_612, %add3A_596, %dma_start3A_613, %dma_start3A_614] : memref<50x8x128x8x128xf32, #tpu.memory_space<hbm>> -> memref<1x8x1x8x128xf32, #tpu.memory_space<hbm>>
      %dma_start3A_616 = tpu.memref_squeeze %dma_start3A_615 : memref<1x8x1x8x128xf32, #tpu.memory_space<hbm>> -> memref<8x8x128xf32, #tpu.memory_space<hbm>>
      %dma_start3A_617 = arith.constant 0 : i32
      %dma_start3A_618 = arith.constant 0 : i32
      %dma_start3A_619 = arith.constant 0 : i32
      %dma_start3A_620 = tpu.memref_slice %arg7[%dma_start3A_597, %dma_start3A_617, %dma_start3A_618, %dma_start3A_619] : memref<2x8x8x129xf32, #tpu.memory_space<vmem>> -> memref<1x8x8x129xf32, #tpu.memory_space<vmem>>
      %dma_start3A_621 = tpu.memref_squeeze %dma_start3A_620 : memref<1x8x8x129xf32, #tpu.memory_space<vmem>> -> memref<8x8x129xf32, #tpu.memory_space<vmem>>
      %dma_start3A_622 = arith.constant 0 : i32
      %dma_start3A_623 = arith.constant 0 : i32
      %dma_start3A_624 = arith.constant 0 : i32
      %dma_start3A_625 = tpu.memref_slice %dma_start3A_621[%dma_start3A_622, %dma_start3A_623, %dma_start3A_624] : memref<8x8x129xf32, #tpu.memory_space<vmem>> -> memref<8x8x128xf32, #tpu.memory_space<vmem>>
      tpu.enqueue_dma source(%dma_start3A_625 : memref<8x8x128xf32, #tpu.memory_space<vmem>>) target(%dma_start3A_616 : memref<8x8x128xf32, #tpu.memory_space<hbm>>) target_semaphore(%arg12 : memref<!tpu.dma_semaphore, #tpu.memory_space<semaphore_mem>>)
      %add3A_626 = arith.constant 3 : i32
      %add3A_627 = arith.addi %add3A_284, %add3A_626 : i32
      %add3A_628 = arith.constant 3 : i32
      %add3A_629 = arith.addi %add3A_627, %add3A_628 : i32
      %lt3A_630 = arith.constant 200 : i32
      %lt3A_631 = arith.cmpi slt, %add3A_629, %lt3A_630 : i32
      %convert_element_type3A_632 = arith.extui %lt3A_631 : i1 to i32
      %cond3A_633 = arith.constant 0 : i32
      %cond3A_634 = arith.cmpi ne, %convert_element_type3A_632, %cond3A_633 : i32
      scf.if %cond3A_634 {
        %add3A_741 = arith.constant 3 : i32
        %add3A_742 = arith.addi %add3A_627, %add3A_741 : i32
        %jit3A_743 = arith.constant 4 : i32
        %div3A_744 = arith.divsi %add3A_742, %jit3A_743 : i32
        %sign3A_745 = arith.constant 0 : i32
        %sign3A_746 = arith.cmpi sgt, %add3A_742, %sign3A_745 : i32
        %sign3A_747 = arith.extui %sign3A_746 : i1 to i32
        %sign3A_748 = arith.constant 0 : i32
        %sign3A_749 = arith.cmpi slt, %add3A_742, %sign3A_748 : i32
        %sign3A_750 = arith.extui %sign3A_749 : i1 to i32
        %sign3A_751 = arith.subi %sign3A_747, %sign3A_750 : i32
        %sign3A_752 = arith.constant 0 : i32
        %sign3A_753 = arith.cmpi sgt, %jit3A_743, %sign3A_752 : i32
        %sign3A_754 = arith.extui %sign3A_753 : i1 to i32
        %sign3A_755 = arith.constant 0 : i32
        %sign3A_756 = arith.cmpi slt, %jit3A_743, %sign3A_755 : i32
        %sign3A_757 = arith.extui %sign3A_756 : i1 to i32
        %sign3A_758 = arith.subi %sign3A_754, %sign3A_757 : i32
        %ne3A_759 = arith.cmpi ne, %sign3A_751, %sign3A_758 : i32
        %rem3A_760 = arith.remsi %add3A_742, %jit3A_743 : i32
        %ne3A_761 = arith.constant 0 : i32
        %ne3A_762 = arith.cmpi ne, %rem3A_760, %ne3A_761 : i32
        %and3A_763 = arith.andi %ne3A_759, %ne3A_762 : i1
        %sub3A_764 = arith.constant 1 : i32
        %sub3A_765 = arith.subi %div3A_744, %sub3A_764 : i32
        %select_n3A_766 = arith.select %and3A_763, %sub3A_765, %div3A_744 : i32
        %mul3A_767 = arith.constant 4 : i32
        %mul3A_768 = arith.muli %select_n3A_766, %mul3A_767 : i32
        %sub3A_769 = arith.subi %add3A_742, %mul3A_768 : i32
        %mul3A_770 = arith.constant 128 : i32
        %mul3A_771 = arith.muli %sub3A_769, %mul3A_770 : i32
        %dma_start3A_772 = arith.constant 2 : i32
        %dma_start3A_773 = arith.constant 0 : i32
        %dma_start3A_774 = arith.constant 0 : i32
        %dma_start3A_775 = tpu.memref_slice %arg6[%dma_start3A_772, %dma_start3A_773, %dma_start3A_774] : memref<4x128x64xf32, #tpu.memory_space<vmem>> -> memref<1x128x64xf32, #tpu.memory_space<vmem>>
        %dma_start3A_776 = tpu.memref_squeeze %dma_start3A_775 : memref<1x128x64xf32, #tpu.memory_space<vmem>> -> memref<128x64xf32, #tpu.memory_space<vmem>>
        %dma_start3A_777 = tpu.memref_slice %arg5[%select_n3A_766, %mul3A_771] : memref<50x512xi32, #tpu.memory_space<vmem>> -> memref<1x128xi32, #tpu.memory_space<vmem>>
        %dma_start3A_778 = tpu.memref_squeeze %dma_start3A_777 : memref<1x128xi32, #tpu.memory_space<vmem>> -> memref<128xi32, #tpu.memory_space<vmem>>
        %dma_start3A_779 = arith.constant 0 : i32
        %dma_start3A_780 = arith.constant 0 : i32
        %dma_start3A_781 = tpu.memref_slice %arg2[%dma_start3A_779, %dma_start3A_780] : memref<1000000x64xf32, #tpu.memory_space<hbm>> -> memref<1000000x64xf32, #tpu.memory_space<hbm>>
        tpu.enqueue_indirect_dma source(%dma_start3A_781 : memref<1000000x64xf32, #tpu.memory_space<hbm>>) target(%dma_start3A_776 : memref<128x64xf32, #tpu.memory_space<vmem>>) offsets(%dma_start3A_778 : memref<128xi32, #tpu.memory_space<vmem>>) semaphore(%arg10 : memref<!tpu.dma_semaphore, #tpu.memory_space<semaphore_mem>>)
      } else {
      }
      %jit3A_635 = arith.constant 4 : i32
      %div3A_636 = arith.divsi %add3A_627, %jit3A_635 : i32
      %sign3A_637 = arith.constant 0 : i32
      %sign3A_638 = arith.cmpi sgt, %add3A_627, %sign3A_637 : i32
      %sign3A_639 = arith.extui %sign3A_638 : i1 to i32
      %sign3A_640 = arith.constant 0 : i32
      %sign3A_641 = arith.cmpi slt, %add3A_627, %sign3A_640 : i32
      %sign3A_642 = arith.extui %sign3A_641 : i1 to i32
      %sign3A_643 = arith.subi %sign3A_639, %sign3A_642 : i32
      %sign3A_644 = arith.constant 0 : i32
      %sign3A_645 = arith.cmpi sgt, %jit3A_635, %sign3A_644 : i32
      %sign3A_646 = arith.extui %sign3A_645 : i1 to i32
      %sign3A_647 = arith.constant 0 : i32
      %sign3A_648 = arith.cmpi slt, %jit3A_635, %sign3A_647 : i32
      %sign3A_649 = arith.extui %sign3A_648 : i1 to i32
      %sign3A_650 = arith.subi %sign3A_646, %sign3A_649 : i32
      %ne3A_651 = arith.cmpi ne, %sign3A_643, %sign3A_650 : i32
      %rem3A_652 = arith.remsi %add3A_627, %jit3A_635 : i32
      %ne3A_653 = arith.constant 0 : i32
      %ne3A_654 = arith.cmpi ne, %rem3A_652, %ne3A_653 : i32
      %and3A_655 = arith.andi %ne3A_651, %ne3A_654 : i1
      %sub3A_656 = arith.constant 1 : i32
      %sub3A_657 = arith.subi %div3A_636, %sub3A_656 : i32
      %select_n3A_658 = arith.select %and3A_655, %sub3A_657, %div3A_636 : i32
      %mul3A_659 = arith.constant 4 : i32
      %mul3A_660 = arith.muli %select_n3A_658, %mul3A_659 : i32
      %sub3A_661 = arith.subi %add3A_627, %mul3A_660 : i32
      %mul3A_662 = arith.constant 128 : i32
      %mul3A_663 = arith.muli %sub3A_661, %mul3A_662 : i32
      %dma_wait3A_664 = arith.constant 3 : i32
      %dma_wait3A_665 = arith.constant 0 : i32
      %dma_wait3A_666 = arith.constant 0 : i32
      %dma_wait3A_667 = tpu.memref_slice %arg6[%dma_wait3A_664, %dma_wait3A_665, %dma_wait3A_666] : memref<4x128x64xf32, #tpu.memory_space<vmem>> -> memref<1x128x64xf32, #tpu.memory_space<vmem>>
      %dma_wait3A_668 = tpu.memref_squeeze %dma_wait3A_667 : memref<1x128x64xf32, #tpu.memory_space<vmem>> -> memref<128x64xf32, #tpu.memory_space<vmem>>
      %dma_wait3A_669 = tpu.memref_slice %arg5[%select_n3A_658, %mul3A_663] : memref<50x512xi32, #tpu.memory_space<vmem>> -> memref<1x128xi32, #tpu.memory_space<vmem>>
      %dma_wait3A_670 = tpu.memref_squeeze %dma_wait3A_669 : memref<1x128xi32, #tpu.memory_space<vmem>> -> memref<128xi32, #tpu.memory_space<vmem>>
      %dma_wait3A_671 = arith.constant 0 : i32
      %dma_wait3A_672 = arith.constant 0 : i32
      %dma_wait3A_673 = tpu.memref_slice %arg2[%dma_wait3A_671, %dma_wait3A_672] : memref<1000000x64xf32, #tpu.memory_space<hbm>> -> memref<1000000x64xf32, #tpu.memory_space<hbm>>
      tpu.wait_indirect_dma semaphore(%arg11 : memref<!tpu.dma_semaphore, #tpu.memory_space<semaphore_mem>>) src(%dma_wait3A_673 : memref<1000000x64xf32, #tpu.memory_space<hbm>>) dst(%dma_wait3A_668 : memref<128x64xf32, #tpu.memory_space<vmem>>)
      %ge3A_674 = arith.constant 2 : i32
      %ge3A_675 = arith.cmpi sge, %add3A_627, %ge3A_674 : i32
      %convert_element_type3A_676 = arith.extui %ge3A_675 : i1 to i32
      %cond3A_677 = arith.constant 0 : i32
      %cond3A_678 = arith.cmpi ne, %convert_element_type3A_676, %cond3A_677 : i32
      scf.if %cond3A_678 {
        %sub3A_741 = arith.constant 2 : i32
        %sub3A_742 = arith.subi %add3A_627, %sub3A_741 : i32
        %jit3A_743 = arith.constant 4 : i32
        %div3A_744 = arith.divsi %sub3A_742, %jit3A_743 : i32
        %sign3A_745 = arith.constant 0 : i32
        %sign3A_746 = arith.cmpi sgt, %sub3A_742, %sign3A_745 : i32
        %sign3A_747 = arith.extui %sign3A_746 : i1 to i32
        %sign3A_748 = arith.constant 0 : i32
        %sign3A_749 = arith.cmpi slt, %sub3A_742, %sign3A_748 : i32
        %sign3A_750 = arith.extui %sign3A_749 : i1 to i32
        %sign3A_751 = arith.subi %sign3A_747, %sign3A_750 : i32
        %sign3A_752 = arith.constant 0 : i32
        %sign3A_753 = arith.cmpi sgt, %jit3A_743, %sign3A_752 : i32
        %sign3A_754 = arith.extui %sign3A_753 : i1 to i32
        %sign3A_755 = arith.constant 0 : i32
        %sign3A_756 = arith.cmpi slt, %jit3A_743, %sign3A_755 : i32
        %sign3A_757 = arith.extui %sign3A_756 : i1 to i32
        %sign3A_758 = arith.subi %sign3A_754, %sign3A_757 : i32
        %ne3A_759 = arith.cmpi ne, %sign3A_751, %sign3A_758 : i32
        %rem3A_760 = arith.remsi %sub3A_742, %jit3A_743 : i32
        %ne3A_761 = arith.constant 0 : i32
        %ne3A_762 = arith.cmpi ne, %rem3A_760, %ne3A_761 : i32
        %and3A_763 = arith.andi %ne3A_759, %ne3A_762 : i1
        %sub3A_764 = arith.constant 1 : i32
        %sub3A_765 = arith.subi %div3A_744, %sub3A_764 : i32
        %select_n3A_766 = arith.select %and3A_763, %sub3A_765, %div3A_744 : i32
        %mul3A_767 = arith.constant 4 : i32
        %mul3A_768 = arith.muli %select_n3A_766, %mul3A_767 : i32
        %sub3A_769 = arith.subi %sub3A_742, %mul3A_768 : i32
        %add3A_770 = arith.addi %mul3A_4, %sub3A_769 : i32
        %dma_wait3A_771 = arith.constant 1 : i32
        %dma_wait3A_772 = arith.constant 0 : i32
        %dma_wait3A_773 = arith.constant 0 : i32
        %dma_wait3A_774 = arith.constant 0 : i32
        %dma_wait3A_775 = tpu.memref_slice %arg7[%dma_wait3A_771, %dma_wait3A_772, %dma_wait3A_773, %dma_wait3A_774] : memref<2x8x8x129xf32, #tpu.memory_space<vmem>> -> memref<1x8x8x129xf32, #tpu.memory_space<vmem>>
        %dma_wait3A_776 = tpu.memref_squeeze %dma_wait3A_775 : memref<1x8x8x129xf32, #tpu.memory_space<vmem>> -> memref<8x8x129xf32, #tpu.memory_space<vmem>>
        %dma_wait3A_777 = arith.constant 0 : i32
        %dma_wait3A_778 = arith.constant 0 : i32
        %dma_wait3A_779 = arith.constant 0 : i32
        %dma_wait3A_780 = tpu.memref_slice %dma_wait3A_776[%dma_wait3A_777, %dma_wait3A_778, %dma_wait3A_779] : memref<8x8x129xf32, #tpu.memory_space<vmem>> -> memref<8x8x128xf32, #tpu.memory_space<vmem>>
        %dma_wait3A_781 = arith.constant 0 : i32
        %dma_wait3A_782 = arith.constant 0 : i32
        %dma_wait3A_783 = arith.constant 0 : i32
        %dma_wait3A_784 = tpu.memref_slice %arg4[%select_n3A_766, %dma_wait3A_781, %add3A_770, %dma_wait3A_782, %dma_wait3A_783] : memref<50x8x128x8x128xf32, #tpu.memory_space<hbm>> -> memref<1x8x1x8x128xf32, #tpu.memory_space<hbm>>
        %dma_wait3A_785 = tpu.memref_squeeze %dma_wait3A_784 : memref<1x8x1x8x128xf32, #tpu.memory_space<hbm>> -> memref<8x8x128xf32, #tpu.memory_space<hbm>>
        %dma_wait3A_786 = arith.constant 0 : i32
        %dma_wait3A_787 = arith.constant 0 : i32
        %dma_wait3A_788 = arith.constant 0 : i32
        %dma_wait3A_789 = tpu.memref_slice %arg4[%select_n3A_766, %dma_wait3A_786, %add3A_770, %dma_wait3A_787, %dma_wait3A_788] : memref<50x8x128x8x128xf32, #tpu.memory_space<hbm>> -> memref<1x8x1x8x128xf32, #tpu.memory_space<hbm>>
        %dma_wait3A_790 = tpu.memref_squeeze %dma_wait3A_789 : memref<1x8x1x8x128xf32, #tpu.memory_space<hbm>> -> memref<8x8x128xf32, #tpu.memory_space<hbm>>
        %dma_wait3A_791 = arith.constant 0 : i32
        %dma_wait3A_792 = arith.constant 0 : i32
        %dma_wait3A_793 = arith.constant 0 : i32
        %dma_wait3A_794 = tpu.memref_slice %arg7[%dma_wait3A_771, %dma_wait3A_791, %dma_wait3A_792, %dma_wait3A_793] : memref<2x8x8x129xf32, #tpu.memory_space<vmem>> -> memref<1x8x8x129xf32, #tpu.memory_space<vmem>>
        %dma_wait3A_795 = tpu.memref_squeeze %dma_wait3A_794 : memref<1x8x8x129xf32, #tpu.memory_space<vmem>> -> memref<8x8x129xf32, #tpu.memory_space<vmem>>
        %dma_wait3A_796 = arith.constant 0 : i32
        %dma_wait3A_797 = arith.constant 0 : i32
        %dma_wait3A_798 = arith.constant 0 : i32
        %dma_wait3A_799 = tpu.memref_slice %dma_wait3A_795[%dma_wait3A_796, %dma_wait3A_797, %dma_wait3A_798] : memref<8x8x129xf32, #tpu.memory_space<vmem>> -> memref<8x8x128xf32, #tpu.memory_space<vmem>>
        tpu.wait_dma2 semaphore(%arg13 : memref<!tpu.dma_semaphore, #tpu.memory_space<semaphore_mem>>) src(%dma_wait3A_799 : memref<8x8x128xf32, #tpu.memory_space<vmem>>) dst(%dma_wait3A_790 : memref<8x8x128xf32, #tpu.memory_space<hbm>>)
      } else {
      }
      %parallel_loop3A_679 = arith.constant 0 : i32
      %parallel_loop3A_680 = arith.constant 128 : i32
      %parallel_loop3A_681 = arith.constant 1 : i32
      %parallel_loop3A_682 = arith.constant 3 : i32
      %parallel_loop3A_683 = arith.constant 1 : i32
      scf.for %parallel_loop3A_741 = %parallel_loop3A_679 to %parallel_loop3A_680 step %parallel_loop3A_681  : i32 {
        %parallel_loop3A_742 = vector.broadcast %parallel_loop3A_741 : i32 to vector<16xi32>
        %parallel_loop3A_743 = arith.addi %broadcast_in_dim3A_177, %parallel_loop3A_742 : vector<16xi32>
        %parallel_loop3A_744 = arith.constant 0 : i32
        %parallel_loop3A_745 = arith.constant 0 : i32
        %parallel_loop3A_746 = tpu.memref_slice %arg6[%parallel_loop3A_682, %parallel_loop3A_744, %parallel_loop3A_745] : memref<4x128x64xf32, #tpu.memory_space<vmem>> -> memref<1x128x64xf32, #tpu.memory_space<vmem>>
        %parallel_loop3A_747 = tpu.memref_squeeze %parallel_loop3A_746 : memref<1x128x64xf32, #tpu.memory_space<vmem>> -> memref<128x64xf32, #tpu.memory_space<vmem>>
        %parallel_loop3A_748 = arith.index_cast %parallel_loop3A_741 : i32 to index
        %parallel_loop3A_749 = arith.constant 0 : index
        %parallel_loop3A_750 = tpu.vector_load %parallel_loop3A_747[%parallel_loop3A_748, %parallel_loop3A_749] {strides = array<i32>} : memref<128x64xf32, #tpu.memory_space<vmem>>, vector<16xf32>,
        %parallel_loop3A_751 = arith.constant 0 : i32
        %parallel_loop3A_752 = arith.constant 0 : i32
        %parallel_loop3A_753 = arith.constant 0 : i32
        %parallel_loop3A_754 = tpu.memref_slice %arg7[%parallel_loop3A_683, %parallel_loop3A_751, %parallel_loop3A_752, %parallel_loop3A_753] : memref<2x8x8x129xf32, #tpu.memory_space<vmem>> -> memref<1x8x8x129xf32, #tpu.memory_space<vmem>>
        %parallel_loop3A_755 = tpu.memref_squeeze %parallel_loop3A_754 : memref<1x8x8x129xf32, #tpu.memory_space<vmem>> -> memref<8x8x129xf32, #tpu.memory_space<vmem>>
        tpu.vector_store_idx %parallel_loop3A_755[%select_n3A, %select_n3A_176, %parallel_loop3A_743], %parallel_loop3A_750 : memref<8x8x129xf32, #tpu.memory_space<vmem>>[vector<16xi32>, vector<16xi32>, vector<16xi32>], vector<16xf32>,
        %parallel_loop3A_756 = arith.constant 0 : i32
        %parallel_loop3A_757 = arith.constant 0 : i32
        %parallel_loop3A_758 = tpu.memref_slice %arg6[%parallel_loop3A_682, %parallel_loop3A_756, %parallel_loop3A_757] : memref<4x128x64xf32, #tpu.memory_space<vmem>> -> memref<1x128x64xf32, #tpu.memory_space<vmem>>
        %parallel_loop3A_759 = tpu.memref_squeeze %parallel_loop3A_758 : memref<1x128x64xf32, #tpu.memory_space<vmem>> -> memref<128x64xf32, #tpu.memory_space<vmem>>
        %parallel_loop3A_760 = arith.index_cast %parallel_loop3A_741 : i32 to index
        %parallel_loop3A_761 = arith.constant 16 : index
        %parallel_loop3A_762 = tpu.vector_load %parallel_loop3A_759[%parallel_loop3A_760, %parallel_loop3A_761] {strides = array<i32>} : memref<128x64xf32, #tpu.memory_space<vmem>>, vector<16xf32>,
        %parallel_loop3A_763 = arith.constant 0 : i32
        %parallel_loop3A_764 = arith.constant 0 : i32
        %parallel_loop3A_765 = arith.constant 0 : i32
        %parallel_loop3A_766 = tpu.memref_slice %arg7[%parallel_loop3A_683, %parallel_loop3A_763, %parallel_loop3A_764, %parallel_loop3A_765] : memref<2x8x8x129xf32, #tpu.memory_space<vmem>> -> memref<1x8x8x129xf32, #tpu.memory_space<vmem>>
        %parallel_loop3A_767 = tpu.memref_squeeze %parallel_loop3A_766 : memref<1x8x8x129xf32, #tpu.memory_space<vmem>> -> memref<8x8x129xf32, #tpu.memory_space<vmem>>
        tpu.vector_store_idx %parallel_loop3A_767[%select_n3A_88, %select_n3A_176, %parallel_loop3A_743], %parallel_loop3A_762 : memref<8x8x129xf32, #tpu.memory_space<vmem>>[vector<16xi32>, vector<16xi32>, vector<16xi32>], vector<16xf32>,
        %parallel_loop3A_768 = arith.constant 0 : i32
        %parallel_loop3A_769 = arith.constant 0 : i32
        %parallel_loop3A_770 = tpu.memref_slice %arg6[%parallel_loop3A_682, %parallel_loop3A_768, %parallel_loop3A_769] : memref<4x128x64xf32, #tpu.memory_space<vmem>> -> memref<1x128x64xf32, #tpu.memory_space<vmem>>
        %parallel_loop3A_771 = tpu.memref_squeeze %parallel_loop3A_770 : memref<1x128x64xf32, #tpu.memory_space<vmem>> -> memref<128x64xf32, #tpu.memory_space<vmem>>
        %parallel_loop3A_772 = arith.index_cast %parallel_loop3A_741 : i32 to index
        %parallel_loop3A_773 = arith.constant 32 : index
        %parallel_loop3A_774 = tpu.vector_load %parallel_loop3A_771[%parallel_loop3A_772, %parallel_loop3A_773] {strides = array<i32>} : memref<128x64xf32, #tpu.memory_space<vmem>>, vector<16xf32>,
        %parallel_loop3A_775 = arith.constant 0 : i32
        %parallel_loop3A_776 = arith.constant 0 : i32
        %parallel_loop3A_777 = arith.constant 0 : i32
        %parallel_loop3A_778 = tpu.memref_slice %arg7[%parallel_loop3A_683, %parallel_loop3A_775, %parallel_loop3A_776, %parallel_loop3A_777] : memref<2x8x8x129xf32, #tpu.memory_space<vmem>> -> memref<1x8x8x129xf32, #tpu.memory_space<vmem>>
        %parallel_loop3A_779 = tpu.memref_squeeze %parallel_loop3A_778 : memref<1x8x8x129xf32, #tpu.memory_space<vmem>> -> memref<8x8x129xf32, #tpu.memory_space<vmem>>
        tpu.vector_store_idx %parallel_loop3A_779[%select_n3A_122, %select_n3A_176, %parallel_loop3A_743], %parallel_loop3A_774 : memref<8x8x129xf32, #tpu.memory_space<vmem>>[vector<16xi32>, vector<16xi32>, vector<16xi32>], vector<16xf32>,
        %parallel_loop3A_780 = arith.constant 0 : i32
        %parallel_loop3A_781 = arith.constant 0 : i32
        %parallel_loop3A_782 = tpu.memref_slice %arg6[%parallel_loop3A_682, %parallel_loop3A_780, %parallel_loop3A_781] : memref<4x128x64xf32, #tpu.memory_space<vmem>> -> memref<1x128x64xf32, #tpu.memory_space<vmem>>
        %parallel_loop3A_783 = tpu.memref_squeeze %parallel_loop3A_782 : memref<1x128x64xf32, #tpu.memory_space<vmem>> -> memref<128x64xf32, #tpu.memory_space<vmem>>
        %parallel_loop3A_784 = arith.index_cast %parallel_loop3A_741 : i32 to index
        %parallel_loop3A_785 = arith.constant 48 : index
        %parallel_loop3A_786 = tpu.vector_load %parallel_loop3A_783[%parallel_loop3A_784, %parallel_loop3A_785] {strides = array<i32>} : memref<128x64xf32, #tpu.memory_space<vmem>>, vector<16xf32>,
        %parallel_loop3A_787 = arith.constant 0 : i32
        %parallel_loop3A_788 = arith.constant 0 : i32
        %parallel_loop3A_789 = arith.constant 0 : i32
        %parallel_loop3A_790 = tpu.memref_slice %arg7[%parallel_loop3A_683, %parallel_loop3A_787, %parallel_loop3A_788, %parallel_loop3A_789] : memref<2x8x8x129xf32, #tpu.memory_space<vmem>> -> memref<1x8x8x129xf32, #tpu.memory_space<vmem>>
        %parallel_loop3A_791 = tpu.memref_squeeze %parallel_loop3A_790 : memref<1x8x8x129xf32, #tpu.memory_space<vmem>> -> memref<8x8x129xf32, #tpu.memory_space<vmem>>
        tpu.vector_store_idx %parallel_loop3A_791[%select_n3A_156, %select_n3A_176, %parallel_loop3A_743], %parallel_loop3A_786 : memref<8x8x129xf32, #tpu.memory_space<vmem>>[vector<16xi32>, vector<16xi32>, vector<16xi32>], vector<16xf32>,
      } {sc.loop_unroll_factor = 8 : i64, sc.parallel_access}
      %jit3A_684 = arith.constant 4 : i32
      %div3A_685 = arith.divsi %add3A_627, %jit3A_684 : i32
      %sign3A_686 = arith.constant 0 : i32
      %sign3A_687 = arith.cmpi sgt, %add3A_627, %sign3A_686 : i32
      %sign3A_688 = arith.extui %sign3A_687 : i1 to i32
      %sign3A_689 = arith.constant 0 : i32
      %sign3A_690 = arith.cmpi slt, %add3A_627, %sign3A_689 : i32
      %sign3A_691 = arith.extui %sign3A_690 : i1 to i32
      %sign3A_692 = arith.subi %sign3A_688, %sign3A_691 : i32
      %sign3A_693 = arith.constant 0 : i32
      %sign3A_694 = arith.cmpi sgt, %jit3A_684, %sign3A_693 : i32
      %sign3A_695 = arith.extui %sign3A_694 : i1 to i32
      %sign3A_696 = arith.constant 0 : i32
      %sign3A_697 = arith.cmpi slt, %jit3A_684, %sign3A_696 : i32
      %sign3A_698 = arith.extui %sign3A_697 : i1 to i32
      %sign3A_699 = arith.subi %sign3A_695, %sign3A_698 : i32
      %ne3A_700 = arith.cmpi ne, %sign3A_692, %sign3A_699 : i32
      %rem3A_701 = arith.remsi %add3A_627, %jit3A_684 : i32
      %ne3A_702 = arith.constant 0 : i32
      %ne3A_703 = arith.cmpi ne, %rem3A_701, %ne3A_702 : i32
      %and3A_704 = arith.andi %ne3A_700, %ne3A_703 : i1
      %sub3A_705 = arith.constant 1 : i32
      %sub3A_706 = arith.subi %div3A_685, %sub3A_705 : i32
      %select_n3A_707 = arith.select %and3A_704, %sub3A_706, %div3A_685 : i32
      %mul3A_708 = arith.constant 4 : i32
      %mul3A_709 = arith.muli %select_n3A_707, %mul3A_708 : i32
      %sub3A_710 = arith.subi %add3A_627, %mul3A_709 : i32
      %add3A_711 = arith.addi %mul3A_4, %sub3A_710 : i32
      %dma_start3A_712 = arith.constant 1 : i32
      %dma_start3A_713 = arith.constant 0 : i32
      %dma_start3A_714 = arith.constant 0 : i32
      %dma_start3A_715 = arith.constant 0 : i32
      %dma_start3A_716 = tpu.memref_slice %arg7[%dma_start3A_712, %dma_start3A_713, %dma_start3A_714, %dma_start3A_715] : memref<2x8x8x129xf32, #tpu.memory_space<vmem>> -> memref<1x8x8x129xf32, #tpu.memory_space<vmem>>
      %dma_start3A_717 = tpu.memref_squeeze %dma_start3A_716 : memref<1x8x8x129xf32, #tpu.memory_space<vmem>> -> memref<8x8x129xf32, #tpu.memory_space<vmem>>
      %dma_start3A_718 = arith.constant 0 : i32
      %dma_start3A_719 = arith.constant 0 : i32
      %dma_start3A_720 = arith.constant 0 : i32
      %dma_start3A_721 = tpu.memref_slice %dma_start3A_717[%dma_start3A_718, %dma_start3A_719, %dma_start3A_720] : memref<8x8x129xf32, #tpu.memory_space<vmem>> -> memref<8x8x128xf32, #tpu.memory_space<vmem>>
      %dma_start3A_722 = arith.constant 0 : i32
      %dma_start3A_723 = arith.constant 0 : i32
      %dma_start3A_724 = arith.constant 0 : i32
      %dma_start3A_725 = tpu.memref_slice %arg4[%select_n3A_707, %dma_start3A_722, %add3A_711, %dma_start3A_723, %dma_start3A_724] : memref<50x8x128x8x128xf32, #tpu.memory_space<hbm>> -> memref<1x8x1x8x128xf32, #tpu.memory_space<hbm>>
      %dma_start3A_726 = tpu.memref_squeeze %dma_start3A_725 : memref<1x8x1x8x128xf32, #tpu.memory_space<hbm>> -> memref<8x8x128xf32, #tpu.memory_space<hbm>>
      %dma_start3A_727 = arith.constant 0 : i32
      %dma_start3A_728 = arith.constant 0 : i32
      %dma_start3A_729 = arith.constant 0 : i32
      %dma_start3A_730 = tpu.memref_slice %arg4[%select_n3A_707, %dma_start3A_727, %add3A_711, %dma_start3A_728, %dma_start3A_729] : memref<50x8x128x8x128xf32, #tpu.memory_space<hbm>> -> memref<1x8x1x8x128xf32, #tpu.memory_space<hbm>>
      %dma_start3A_731 = tpu.memref_squeeze %dma_start3A_730 : memref<1x8x1x8x128xf32, #tpu.memory_space<hbm>> -> memref<8x8x128xf32, #tpu.memory_space<hbm>>
      %dma_start3A_732 = arith.constant 0 : i32
      %dma_start3A_733 = arith.constant 0 : i32
      %dma_start3A_734 = arith.constant 0 : i32
      %dma_start3A_735 = tpu.memref_slice %arg7[%dma_start3A_712, %dma_start3A_732, %dma_start3A_733, %dma_start3A_734] : memref<2x8x8x129xf32, #tpu.memory_space<vmem>> -> memref<1x8x8x129xf32, #tpu.memory_space<vmem>>
      %dma_start3A_736 = tpu.memref_squeeze %dma_start3A_735 : memref<1x8x8x129xf32, #tpu.memory_space<vmem>> -> memref<8x8x129xf32, #tpu.memory_space<vmem>>
      %dma_start3A_737 = arith.constant 0 : i32
      %dma_start3A_738 = arith.constant 0 : i32
      %dma_start3A_739 = arith.constant 0 : i32
      %dma_start3A_740 = tpu.memref_slice %dma_start3A_736[%dma_start3A_737, %dma_start3A_738, %dma_start3A_739] : memref<8x8x129xf32, #tpu.memory_space<vmem>> -> memref<8x8x128xf32, #tpu.memory_space<vmem>>
      tpu.enqueue_dma source(%dma_start3A_740 : memref<8x8x128xf32, #tpu.memory_space<vmem>>) target(%dma_start3A_731 : memref<8x8x128xf32, #tpu.memory_space<hbm>>) target_semaphore(%arg13 : memref<!tpu.dma_semaphore, #tpu.memory_space<semaphore_mem>>)
    }
    %scan3A_216 = arith.constant 50 : i32
    %add3A_217 = arith.constant 2 : i32
    %add3A_218 = arith.addi %mul3A_4, %add3A_217 : i32
    %dma_wait3A = arith.constant 0 : i32
    %dma_wait3A_219 = arith.constant 49 : i32
    %dma_wait3A_220 = arith.constant 0 : i32
    %dma_wait3A_221 = arith.constant 0 : i32
    %dma_wait3A_222 = arith.constant 0 : i32
    %dma_wait3A_223 = tpu.memref_slice %arg7[%dma_wait3A, %dma_wait3A_220, %dma_wait3A_221, %dma_wait3A_222] : memref<2x8x8x129xf32, #tpu.memory_space<vmem>> -> memref<1x8x8x129xf32, #tpu.memory_space<vmem>>
    %dma_wait3A_224 = tpu.memref_squeeze %dma_wait3A_223 : memref<1x8x8x129xf32, #tpu.memory_space<vmem>> -> memref<8x8x129xf32, #tpu.memory_space<vmem>>
    %dma_wait3A_225 = arith.constant 0 : i32
    %dma_wait3A_226 = arith.constant 0 : i32
    %dma_wait3A_227 = arith.constant 0 : i32
    %dma_wait3A_228 = tpu.memref_slice %dma_wait3A_224[%dma_wait3A_225, %dma_wait3A_226, %dma_wait3A_227] : memref<8x8x129xf32, #tpu.memory_space<vmem>> -> memref<8x8x128xf32, #tpu.memory_space<vmem>>
    %dma_wait3A_229 = arith.constant 0 : i32
    %dma_wait3A_230 = arith.constant 0 : i32
    %dma_wait3A_231 = arith.constant 0 : i32
    %dma_wait3A_232 = tpu.memref_slice %arg4[%dma_wait3A_219, %dma_wait3A_229, %add3A_218, %dma_wait3A_230, %dma_wait3A_231] : memref<50x8x128x8x128xf32, #tpu.memory_space<hbm>> -> memref<1x8x1x8x128xf32, #tpu.memory_space<hbm>>
    %dma_wait3A_233 = tpu.memref_squeeze %dma_wait3A_232 : memref<1x8x1x8x128xf32, #tpu.memory_space<hbm>> -> memref<8x8x128xf32, #tpu.memory_space<hbm>>
    %dma_wait3A_234 = arith.constant 0 : i32
    %dma_wait3A_235 = arith.constant 0 : i32
    %dma_wait3A_236 = arith.constant 0 : i32
    %dma_wait3A_237 = tpu.memref_slice %arg4[%dma_wait3A_219, %dma_wait3A_234, %add3A_218, %dma_wait3A_235, %dma_wait3A_236] : memref<50x8x128x8x128xf32, #tpu.memory_space<hbm>> -> memref<1x8x1x8x128xf32, #tpu.memory_space<hbm>>
    %dma_wait3A_238 = tpu.memref_squeeze %dma_wait3A_237 : memref<1x8x1x8x128xf32, #tpu.memory_space<hbm>> -> memref<8x8x128xf32, #tpu.memory_space<hbm>>
    %dma_wait3A_239 = arith.constant 0 : i32
    %dma_wait3A_240 = arith.constant 0 : i32
    %dma_wait3A_241 = arith.constant 0 : i32
    %dma_wait3A_242 = tpu.memref_slice %arg7[%dma_wait3A, %dma_wait3A_239, %dma_wait3A_240, %dma_wait3A_241] : memref<2x8x8x129xf32, #tpu.memory_space<vmem>> -> memref<1x8x8x129xf32, #tpu.memory_space<vmem>>
    %dma_wait3A_243 = tpu.memref_squeeze %dma_wait3A_242 : memref<1x8x8x129xf32, #tpu.memory_space<vmem>> -> memref<8x8x129xf32, #tpu.memory_space<vmem>>
    %dma_wait3A_244 = arith.constant 0 : i32
    %dma_wait3A_245 = arith.constant 0 : i32
    %dma_wait3A_246 = arith.constant 0 : i32
    %dma_wait3A_247 = tpu.memref_slice %dma_wait3A_243[%dma_wait3A_244, %dma_wait3A_245, %dma_wait3A_246] : memref<8x8x129xf32, #tpu.memory_space<vmem>> -> memref<8x8x128xf32, #tpu.memory_space<vmem>>
    tpu.wait_dma2 semaphore(%arg12 : memref<!tpu.dma_semaphore, #tpu.memory_space<semaphore_mem>>) src(%dma_wait3A_247 : memref<8x8x128xf32, #tpu.memory_space<vmem>>) dst(%dma_wait3A_238 : memref<8x8x128xf32, #tpu.memory_space<hbm>>)
    %add3A_248 = arith.constant 3 : i32
    %add3A_249 = arith.addi %mul3A_4, %add3A_248 : i32
    %dma_wait3A_250 = arith.constant 1 : i32
    %dma_wait3A_251 = arith.constant 49 : i32
    %dma_wait3A_252 = arith.constant 0 : i32
    %dma_wait3A_253 = arith.constant 0 : i32
    %dma_wait3A_254 = arith.constant 0 : i32
    %dma_wait3A_255 = tpu.memref_slice %arg7[%dma_wait3A_250, %dma_wait3A_252, %dma_wait3A_253, %dma_wait3A_254] : memref<2x8x8x129xf32, #tpu.memory_space<vmem>> -> memref<1x8x8x129xf32, #tpu.memory_space<vmem>>
    %dma_wait3A_256 = tpu.memref_squeeze %dma_wait3A_255 : memref<1x8x8x129xf32, #tpu.memory_space<vmem>> -> memref<8x8x129xf32, #tpu.memory_space<vmem>>
    %dma_wait3A_257 = arith.constant 0 : i32
    %dma_wait3A_258 = arith.constant 0 : i32
    %dma_wait3A_259 = arith.constant 0 : i32
    %dma_wait3A_260 = tpu.memref_slice %dma_wait3A_256[%dma_wait3A_257, %dma_wait3A_258, %dma_wait3A_259] : memref<8x8x129xf32, #tpu.memory_space<vmem>> -> memref<8x8x128xf32, #tpu.memory_space<vmem>>
    %dma_wait3A_261 = arith.constant 0 : i32
    %dma_wait3A_262 = arith.constant 0 : i32
    %dma_wait3A_263 = arith.constant 0 : i32
    %dma_wait3A_264 = tpu.memref_slice %arg4[%dma_wait3A_251, %dma_wait3A_261, %add3A_249, %dma_wait3A_262, %dma_wait3A_263] : memref<50x8x128x8x128xf32, #tpu.memory_space<hbm>> -> memref<1x8x1x8x128xf32, #tpu.memory_space<hbm>>
    %dma_wait3A_265 = tpu.memref_squeeze %dma_wait3A_264 : memref<1x8x1x8x128xf32, #tpu.memory_space<hbm>> -> memref<8x8x128xf32, #tpu.memory_space<hbm>>
    %dma_wait3A_266 = arith.constant 0 : i32
    %dma_wait3A_267 = arith.constant 0 : i32
    %dma_wait3A_268 = arith.constant 0 : i32
    %dma_wait3A_269 = tpu.memref_slice %arg4[%dma_wait3A_251, %dma_wait3A_266, %add3A_249, %dma_wait3A_267, %dma_wait3A_268] : memref<50x8x128x8x128xf32, #tpu.memory_space<hbm>> -> memref<1x8x1x8x128xf32, #tpu.memory_space<hbm>>
    %dma_wait3A_270 = tpu.memref_squeeze %dma_wait3A_269 : memref<1x8x1x8x128xf32, #tpu.memory_space<hbm>> -> memref<8x8x128xf32, #tpu.memory_space<hbm>>
    %dma_wait3A_271 = arith.constant 0 : i32
    %dma_wait3A_272 = arith.constant 0 : i32
    %dma_wait3A_273 = arith.constant 0 : i32
    %dma_wait3A_274 = tpu.memref_slice %arg7[%dma_wait3A_250, %dma_wait3A_271, %dma_wait3A_272, %dma_wait3A_273] : memref<2x8x8x129xf32, #tpu.memory_space<vmem>> -> memref<1x8x8x129xf32, #tpu.memory_space<vmem>>
    %dma_wait3A_275 = tpu.memref_squeeze %dma_wait3A_274 : memref<1x8x8x129xf32, #tpu.memory_space<vmem>> -> memref<8x8x129xf32, #tpu.memory_space<vmem>>
    %dma_wait3A_276 = arith.constant 0 : i32
    %dma_wait3A_277 = arith.constant 0 : i32
    %dma_wait3A_278 = arith.constant 0 : i32
    %dma_wait3A_279 = tpu.memref_slice %dma_wait3A_275[%dma_wait3A_276, %dma_wait3A_277, %dma_wait3A_278] : memref<8x8x129xf32, #tpu.memory_space<vmem>> -> memref<8x8x128xf32, #tpu.memory_space<vmem>>
    tpu.wait_dma2 semaphore(%arg13 : memref<!tpu.dma_semaphore, #tpu.memory_space<semaphore_mem>>) src(%dma_wait3A_279 : memref<8x8x128xf32, #tpu.memory_space<vmem>>) dst(%dma_wait3A_270 : memref<8x8x128xf32, #tpu.memory_space<hbm>>)
    return
  }
}

</mosaic_0001>

<sc_bundles>
// kernel: kernel.3.cloned.1.call-start
scs
__scs_entry_jumppad:
0x0: {  	(pc) =	sbr.rel $0x88, $3  }
0x1: {  	(tag) =	ssettag $0x0;
	lr =	simm.s32 $0x1  }
0x2: {  	[smem:$0x3F9F] =	sst lr;
	_ =	strace $0xD0000000  }
0x3: {  	_ = 	snop  }
0x4: {  	_ = 	snop  }
0x5: {  	_ = 	snop  }
0x6: {  	_ = 	snop  }
0x7: {  	_ = 	snop  }
__scs_overlays_trampoline_lowered:
0x8: {  	[smem:$0x3FAE] =	sst s0  }
0x9: {  	[smem:$0x3FAF] =	sst s1  }
0xa: {  	[smem:$0x3FB0] =	sst s2  }
0xb: {  	[smem:$0x3FB1] =	sst s3  }
0xc: {  	[smem:$0x3FB2] =	sst s4  }
0xd: {  	[smem:$0x3FB3] =	sst s5  }
0xe: {  	[smem:$0x3FB4] =	sst s6  }
0xf: {  	[smem:$0x3FB5] =	sst s7  }
0x10: {  	[smem:$0x3FB6] =	sst s8  }
0x11: {  	[smem:$0x3FB7] =	sst s9;
	s0 =	simm.s32 @!p0 $0x0  }
0x12: {  	s1 =	sld [smem:$0x3F9D];
	s0 =	simm.s32 @p0 $0x1  }
0x13: {  	[smem:$0x3FB8] =	sst s0;
	s0 =	simm.s32 @!p1 $0x0  }
0x14: {  	s2 =	sld [smem:$0x3F9C];
	s0 =	simm.s32 @p1 $0x1  }
0x15: {  	[smem:$0x3FB9] =	sst s0;
	s0 =	simm.s32 @!p2 $0x0  }
0x16: {  	s3 =	sld [smem:$0x3FDB];
	s0 =	simm.s32 @p2 $0x1  }
0x17: {  	s4 =	simm.s32 $0x1BF5;
	[smem:$0x3FBB] =	sst s0  }
0x18: {  	s0 =	sld [smem:$0x3F9E];
	_ =	swait.ge [sflag:s4], $0x0  }
0x19: {  	s7 =	sld [smem:$0x3F9F]  }
0x1a: {  	s8 =	sadd.s32 $0xFFFFE003, lr  }
0x1b: {  	s9 =	sadd.s32 $0xFFFFFEF7, lr;
	s5 =	simm.s32 $0xFFFFFFFF;
	p2 =	slt.u32 s8, $0xFFFFF086  }
0x1c: {  	p1 =	slt.u32 s9, $0xF7A;
	s5 =	simm.s32 @!p2 $0x0  }
0x1d: {  	s5 =	simm.s32 @p1 $0x1;
	p0 =	seq.s32 s7, s2  }
0x1e: {  	s7 =	smul.u32 @!p0 $0xF7A, s2;
	p2 =	seq.s32 @!p0 s5, $0x0  }
0x1f: {  	s9 =	smul.u32 $0xF7A, s1;
	s8 =	simm.s32 @!p0 $0x1BF5;
	p2 =	por !p2, p0  }
0x20: {  	[sflag:s8] =	ssyncset.s32 @!p0 $0xFFFFF086;
	s6 =	sadd.s32 @!p0 s3, s7;
	s7 =	simm.s32 @!p0 $0x108  }
0x21: {  	s3 =	sadd.s32 s3, s9;
	s6 =	sadd.s32 @!p0 $0x88, s6;
	s7 =	simm.s32 @p2 $0x1082  }
0x22: {  	[simem:s7], [sflag:s8] =	dma.local @!p0 [hbm:s6], $0xF7A  }
0x23: {  	s9 =	sor.u32 $0xD0000000, s2;
	s6 =	simm.s32 $0x108;
	_ =	swait.ge @!p0 [sflag:s8], $0x0  }
0x24: {  	s3 =	sadd.s32 $0x88, s3;
	s6 =	simm.s32 @!p1 $0x1082;
	[sflag:s4] =	ssyncset.s32 $0xFFFFF086  }
0x25: {  	[simem:s6], [sflag:s4] =	dma.local [hbm:s3], $0xF7A  }
0x26: {  	[smem:$0x3F9F] =	sst s1;
	(tag) =	ssettag s2;
	_ =	strace s9  }
0x27: {  	s1 =	sld [smem:$0x3FAF]  }
0x28: {  	s2 =	sld [smem:$0x3FB0]  }
0x29: {  	s4 =	sld [smem:$0x3FB2]  }
0x2a: {  	p0 =	seq.s32 s5, $0x0;
	s5 =	sld [smem:$0x3FB3]  }
0x2b: {  	s6 =	sld [smem:$0x3FB4]  }
0x2c: {  	s7 =	sld [smem:$0x3FB5]  }
0x2d: {  	s3 =	simm.s32 $0x108;
	s8 =	sld [smem:$0x3FB6]  }
0x2e: {  	s3 =	simm.s32 @!p0 $0x1082;
	s9 =	sld [smem:$0x3FB7]  }
0x2f: {  	lr =	sadd.s32 s0, s3;
	s0 =	sld [smem:$0x3FAE]  }
0x30: {  	s3 =	sld [smem:$0x3FB1]  }
0x31: {  	[smem:$0x3FBA] =	sst s10  }
0x32: {  	s10 =	sld [smem:$0x3FB8];
	_ =	sdelay $0x3  }
0x33: {  	p0 =	seq.s32 s10, $0x1;
	s10 =	sld [smem:$0x3FBA];
	_ =	sdelay $0x3  }
0x34: {  	[smem:$0x3FBA] =	sst s10  }
0x35: {  	s10 =	sld [smem:$0x3FB9];
	_ =	sdelay $0x3  }
0x36: {  	p1 =	seq.s32 s10, $0x1;
	s10 =	sld [smem:$0x3FBA];
	_ =	sdelay $0x3  }
0x37: {  	[smem:$0x3FBA] =	sst s10  }
0x38: {  	s10 =	sld [smem:$0x3FBB]  }
0x39: {  	_ = 	snop;
	(pc) =	sbr.ind lr, $3  }
0x3a: {  	_ = 	snop  }
0x3b: {  	_ = 	snop  }
0x3c: {  	p2 =	seq.s32 s10, $0x1;
	s10 =	sld [smem:$0x3FBA]  }
0x3d: {  	_ =	shalt  }
0x3e: {  	_ =	shalt  }
0x3f: {  	_ =	shalt  }
0x40: {  	_ =	shalt  }
0x41: {  	_ =	shalt  }
0x42: {  	_ =	shalt  }
0x43: {  	_ =	shalt  }
0x44: {  	_ =	shalt  }
0x45: {  	_ =	shalt  }
0x46: {  	_ =	shalt  }
0x47: {  	_ =	shalt  }
0x48: {  	_ =	shalt  }
0x49: {  	_ =	shalt  }
0x4a: {  	_ =	shalt  }
0x4b: {  	_ =	shalt  }
0x4c: {  	_ =	shalt  }
0x4d: {  	_ =	shalt  }
0x4e: {  	_ =	shalt  }
0x4f: {  	_ =	shalt  }
0x50: {  	_ =	shalt  }
0x51: {  	_ =	shalt  }
0x52: {  	_ =	shalt  }
0x53: {  	_ =	shalt  }
0x54: {  	_ =	shalt  }
0x55: {  	_ =	shalt  }
0x56: {  	_ =	shalt  }
0x57: {  	_ =	shalt  }
0x58: {  	_ =	shalt  }
0x59: {  	_ =	shalt  }
0x5a: {  	_ =	shalt  }
0x5b: {  	_ =	shalt  }
0x5c: {  	_ =	shalt  }
0x5d: {  	_ =	shalt  }
0x5e: {  	_ =	shalt  }
0x5f: {  	_ =	shalt  }
0x60: {  	_ =	shalt  }
0x61: {  	_ =	shalt  }
0x62: {  	_ =	shalt  }
0x63: {  	_ =	shalt  }
0x64: {  	_ =	shalt  }
0x65: {  	_ =	shalt  }
0x66: {  	_ =	shalt  }
0x67: {  	_ =	shalt  }
0x68: {  	_ =	shalt  }
0x69: {  	_ =	shalt  }
0x6a: {  	_ =	shalt  }
0x6b: {  	_ =	shalt  }
0x6c: {  	_ =	shalt  }
0x6d: {  	_ =	shalt  }
0x6e: {  	_ =	shalt  }
0x6f: {  	_ =	shalt  }
0x70: {  	_ =	shalt  }
0x71: {  	_ =	shalt  }
0x72: {  	_ =	shalt  }
0x73: {  	_ =	shalt  }
0x74: {  	_ =	shalt  }
0x75: {  	_ =	shalt  }
0x76: {  	_ =	shalt  }
0x77: {  	_ =	shalt  }
0x78: {  	_ =	shalt  }
0x79: {  	_ =	shalt  }
0x7a: {  	_ =	shalt  }
0x7b: {  	_ =	shalt  }
0x7c: {  	_ =	shalt  }
0x7d: {  	_ =	shalt  }
0x7e: {  	_ =	shalt  }
0x7f: {  	_ =	shalt  }
0x80: {  	_ =	shalt  }
0x81: {  	_ =	shalt  }
0x82: {  	_ =	shalt  }
0x83: {  	_ =	shalt  }
0x84: {  	_ =	shalt  }
0x85: {  	_ =	shalt  }
0x86: {  	_ =	shalt  }
0x87: {  	_ =	shalt  }
.Lfunc_end0:
.L_simem_size_0:
called_computation_lowered:
.L_overlay_start_0:
0x88: {  	s2 =	sld [smem:$0x3FD9]  }
0x89: {  	s3 =	sld [smem:$0x3FFE];
	_ =	sdelay $0x1  }
0x8a: {  	s1 =	srdreg.scid  }
0x8b: {  	s0 =	sand.u32 $0x1, s1  }
0x8c: {  	s17 =	sshll.u32 s0, $0xA;
	s2 =	sadd.s32 s3, s2  }
0x8d: {  	s2 =	sadd.s32 s2, s17  }
0x8e: {  	[smem:$0x3FC6] =	sst s2  }
0x8f: {  	_ = 	snop  }
0x90: {  	s2 =	sld [smem:$0x3FD0];
	(tm) =	ssettm $0x1  }
0x91: {  	s18 =	sld [smem:$0x3FFB];
	_ =	sdelay $0x3  }
0x92: {  	_ =	strace s18  }
0x93: {  	s3 =	sld [smem:$0x3FFC];
	_ =	sdelay $0x3  }
0x94: {  	_ =	strace s3  }
0x95: {  	s3 =	sld [smem:$0x3FFD];
	_ =	sdelay $0x3  }
0x96: {  	_ =	strace s3  }
0x97: {  	_ =	strace $0x8FFFFFFF  }
0x98: {  	s19 =	sld [smem:$0x3FDB];
	_ =	sdelay $0x1  }
0x99: {  	s4 =	simm.s32 $_scs_section_size  }
0x9a: {  	s5 =	simm.s32 $_size__tile_overlayer_lowered;
	s6 =	simm.s32 $_tile_overlayer_lowered  }
0x9b: {  	s22 =	simm.s32 $0x1BFF;
	s21 =	sshll.u32 s6, $0x1;
	s3 =	sadd.s32 s4, s19  }
0x9c: {  	s7 =	simm.s32 $0x0;
	s20 =	sshll.u32 s5, $0x1;
	s5 =	sadd.s32 s21, s3  }
0x9d: {  	[timem:s7], [sflag:s22] =	dma.local [hbm:s5], s20  }
0x9e: {  	_ =	swait.ge [sflag:s22], s20  }
0x9f: {  	s4 =	ssub.s32 $0x0, s20;
	[sflag:s22] =	ssyncset.done $0x0  }
0xa0: {  	[sflag:s22] =	ssyncadd.s32 s4;
	_ =	sdelay $0x1  }
0xa1: {  	s23 =	simm.s32 $0x1B8B  }
0xa2: {  	_ =	swait.ge [sflag:s23], $0x1  }
0xa3: {  	[sflag:s23] =	ssyncset.done $0x0  }
0xa4: {  	s25 =	simm.s32 $0x1B8E;
	s24 =	sld [smem:$0x3FFE];
	[sflag:s23] =	ssyncadd.s32 $0xFFFFFFFF  }
0xa5: {  	s26 =	simm.s32 $execute0_lowered;
	[smem:$0x3FD2] =	sst s25  }
0xa6: {  	s5 =	sshll.u32 s26, $0x1;
	_ =	strace $0x80000046;
	[dreg:$0x1] =	wrdreg $0xFFFFFFFF  }
0xa7: {  	s28 =	simm.s32 $_size_execute0_lowered;
	s3 =	sadd.s32 s3, s5;
	[dreg:$0x0] =	wrdreg $0x0  }
0xa8: {  	s5 =	sshll.u32 s28, $0x1;
	[dreg:$0x2] =	wrdreg s3  }
0xa9: {  	[dreg:$0x3] =	wrdreg s5  }
0xaa: {  	[dreg:$0x4] =	wrdreg $0xC0  }
0xab: {  	_ =	task [dreg:s7], $0x5FFFF  }
0xac: {  	[dreg:$0x1] =	wrdreg $0xFFFFFFFF  }
0xad: {  	[dreg:$0x0] =	wrdreg $0x60  }
0xae: {  	[dreg:$0x2] =	wrdreg s24  }
0xaf: {  	[dreg:$0x3] =	wrdreg s2  }
0xb0: {  	[dreg:$0x4] =	wrdreg $0x9  }
0xb1: {  	_ =	task.clear_ibuf [dreg:s7], $0x5FFFF;
	_ =	strace $0x90000046  }
0xb2: {  	s29 =	simm.s32 $0x9;
	_ =	strace $0x80000048  }
0xb3: {  	_ =	swait.ge [sflag:s29], $0x1  }
0xb4: {  	[sflag:s29] =	ssyncadd.s32 $0xFFFFFFFF  }
0xb5: {  	_ =	strace $0x90000048  }
0xb6: {  	_ =	sfence  }
0xb7: {  	s30 =	sld [smem:$0x0];
	_ =	sdelay $0x2  }
0xb8: {  	s31 =	sshll.u32 s1, $0xD;
	s1 =	sshrl.u32 s1, $0x2  }
0xb9: {  	s3 =	sand.u32 $0x4000, s31;
	s1 =	sadd.s32 s1, s30  }
0xba: {  	s0 =	sor.u32 s3, s0;
	s1 =	sshll.u32 s1, $0x11  }
0xbb: {  	s0 =	sor.u32 s1, s0  }
0xbc: {  	s0 =	sadd.s32 $0x8F2B, s0  }
0xbd: {  	[sflag:s0] =	ssyncadd.remote.s32 $0x1  }
0xbe: {  	_ =	sfence.sel $0xFFFF  }
0xbf: {  	[dreg:$0x0] =	wrdreg $0xFFFFFFFF;
	(pc) =	sbr.abs _section_cstart, $3  }
0xc0: {  	[dreg:$0x1] =	wrdreg $0xFFFFFFFF  }
0xc1: {  	_ =	task.clear_ibuf [dreg:s7], $0x2FFFF;
	_ =	strace $0x9FFFFFFF  }
0xc2: {  	(tm) =	ssettm $0x7FFFFFFF  }
0xc3: {  	_ =	shalt  }
tec
execute0_lowered:
.L_overlay_start_1:
0x0: {  	(tag) =	ssettag $0x1  }
0x1: {  	v0 =	vlaneseq.u32  }
0x2: {  	s0 =	rddreg [dreg:$0x0];
	v0 =	vmul.u32 $0x88, v0  }
0x3: {  	s1 =	rddreg [dreg:$0x1];
	s3 =	simm.s32 $0x0;
	v1 =	vimm.s32 $0x0;
	vm0 =	vcmask $0x300  }
0x4: {  	s2 =	srdreg.scid;
	s4 =	stileid.u32;
	s13 =	simm.s32 $0x7;
	v1 =	vsel vm0, $0x3, v1;
	v2 =	vadd.s32 $0x880, v0  }
0x5: {  	s14 =	simm.s32 $0x80;
	s15 =	simm.s32 $0x6400;
	s19 =	simm.s32 $0xC400;
	v3 =	vadd.s32 $0x1100, v0;
	v4 =	vadd.s32 $0x1980, v0;
	v5 =	vor.u32 $0x1, v0  }
0x6: {  	s20 =	simm.s32 $0x1;
	s21 =	simm.s32 $0xE400;
	s22 =	simm.s32 $0x2;
	v6 =	vadd.s32 $0x881, v0;
	v7 =	vadd.s32 $0x1101, v0;
	v8 =	vadd.s32 $0x1981, v0  }
0x7: {  	s23 =	simm.s32 $0x6;
	s24 =	simm.s32 $0x10600;
	s25 =	simm.s32 $0x3;
	v9 =	vor.u32 $0x2, v0;
	v10 =	vadd.s32 $0x882, v0;
	v11 =	vadd.s32 $0x1102, v0  }
0x8: {  	s26 =	simm.s32 $0x5;
	s28 =	simm.s32 $0x4;
	s29 =	simm.s32 $0x0;
	v12 =	vadd.s32 $0x1982, v0;
	v13 =	vor.u32 $0x3, v0;
	v14 =	vadd.s32 $0x883, v0  }
0x9: {  	[smem:$0x7FF] =	sst s3;
	s2 =	sand.u32 $0x1, s2;
	s4 =	sshll.u32 s4, $0x1;
	v15 =	vadd.s32 $0x1103, v0;
	v16 =	vadd.s32 $0x1983, v0;
	v17 =	vor.u32 $0x4, v0  }
0xa: {  	_ =	strace $0x80000047;
	s7 =	sor.u32 s2, s4;
	s2 =	ssub.s32 $0x2, s2;
	v18 =	vadd.s32 $0x884, v0;
	v19 =	vadd.s32 $0x1104, v0;
	v20 =	vadd.s32 $0x1984, v0  }
0xb: {  	s4 =	sadd.s32 $0xF42A00, s0;
	s5 =	sshll.u32 s7, $0x6;
	s6 =	sshrl.u32 s2, $0x1;
	v21 =	vor.u32 $0x5, v0;
	v22 =	vadd.s32 $0x885, v0;
	v23 =	vadd.s32 $0x1105, v0  }
0xc: {  	s31 =	sshll.u32 s7, $0x9;
	s7 =	sshll.u32 s7, $0xC;
	v24 =	vadd.s32 $0x1985, v0;
	v25 =	vor.u32 $0x6, v0;
	v26 =	vadd.s32 $0x886, v0;
	s0 =	sadd.s32 s5, s0  }
0xd: {  	v27 =	vadd.s32 $0x1106, v0;
	v28 =	vadd.s32 $0x1986, v0;
	v29 =	vor.u32 $0x7, v0;
	s2 =	ssub.s32 s2, s6;
	s6 =	sadd.s32 s1, s31;
	s8 =	sor.u32 $0x400, s7  }
0xe: {  	v30 =	vadd.s32 $0x887, v0;
	v31 =	vadd.s32 $0x1107, v0;
	v32 =	vadd.s32 $0x1987, v0;
	s9 =	sor.u32 $0x800, s7;
	s5 =	sadd.s32 $0x600, s0;
	s10 =	smax.u32 s2, $0x1  }
.LBB2_1:
0xf: {  	s0 =	simm.s32 $0x200;
	s2 =	simm.s32 $0x4000  }
0x10: {  	[tilespmem:s3], [sflag:$0x7] =	stream.strided.gather [hbm4b:s5+s0], $0x6400, s2, s0, $0x38;
	[tilespmem:$0x12800] =	vst v63  }
0x11: {  	_ =	swait.ge [sflag:s13], $0x6400  }
0x12: {  	[sflag:s13] =	ssyncset.done $0x0  }
0x13: {  	[sflag:s13] =	ssyncadd.s32 $0xFFFF9C00  }
0x14: {  	[tilespmem:s15], [sflag:$0x1] =	stream.indirect.gather [hbm4b:s4+s14], $0x40, s3, s14, $0xb8;
	[tilespmem:$0x12800] =	vst v63  }
0x15: {  	s17 =	simm.s32 $0x8400  }
0x16: {  	[tilespmem:s17], [sflag:$0x2] =	stream.indirect.gather [hbm4b:s4+s14], $0x40, s14, s14, $0xb8;
	[tilespmem:$0x12800] =	vst v63  }
0x17: {  	s18 =	simm.s32 $0x100;
	s31 =	simm.s32 $0xA400;
	s30 =	simm.s32 $0x0  }
0x18: {  	[tilespmem:s31], [sflag:$0x3] =	stream.indirect.gather [hbm4b:s4+s14], $0x40, s18, s14, $0xb8;
	[tilespmem:$0x12800] =	vst v63  }
.LBB2_2:
0x19: {  	s0 =	sshll.u32 s30, $0xB;
	s12 =	simm.s32 $0x0;
	s16 =	simm.s32 $0x1  }
0x1a: {  	s2 =	simm.s32 $0x2;
	s17 =	simm.s32 $0x3;
	s31 =	sshra.s32 s0, $0x2  }
0x1b: {  	s18 =	simm.s32 $0x4;
	s11 =	simm.s32 $0x7;
	v33 =	vmov s12;
	s0 =	sor.u32 $0x180, s31  }
0x1c: {  	v34 =	vmov s16;
	v35 =	vmov s2;
	[tilespmem:s19], [sflag:$0x4] =	stream.indirect.gather [hbm4b:s4+s14], $0x40, s0, s14, $0xb8;
	[tilespmem:$0x12800] =	vst v63  }
0x1d: {  	v36 =	vmov s17;
	s12 =	simm.s32 $0x5;
	v37 =	vmov s18;
	v38 =	vmov s11;
	_ =	swait.ge [sflag:s20], $0x2000  }
0x1e: {  	p0 =	seq.s32 s30, $0x0;
	s16 =	simm.s32 $0x6;
	v33 =	vshrl.u32 v33, $0x3;
	v39 =	vmov s12;
	v38 =	vshrl.u32 v38, $0x3;
	[sflag:s20] =	ssyncset.done $0x0  }
0x1f: {  	s2 =	simm.s32 @!p0 $0x5;
	v40 =	vmov s16;
	v34 =	vshrl.u32 v34, $0x3;
	v35 =	vshrl.u32 v35, $0x3;
	[sflag:s20] =	ssyncadd.s32 $0xFFFFE000  }
0x20: {  	v36 =	vshrl.u32 v36, $0x3;
	v37 =	vshrl.u32 v37, $0x3;
	v38 =	vshll.u32 v38, v1;
	_ =	swait.ge @!p0 [sflag:s2], $0x2000  }
0x21: {  	v33 =	vshll.u32 v33, v1;
	v34 =	vshll.u32 v34, v1;
	v38 =	vbroadcast v38, $0x0;
	[sflag:s2] =	ssyncset.done @!p0 $0x0  }
0x22: {  	s0 =	simm.s32 $0x6500;
	v52 =	vshll.u32 v35, v1;
	v53 =	vshll.u32 v36, v1;
	v33 =	vbroadcast v33, $0x0;
	[sflag:s2] =	ssyncadd.s32 @!p0 $0xFFFFE000  }
0x23: {  	v54 =	vshll.u32 v37, v1;
	v45 =	vbroadcast v34, $0x0;
	v42 =	vadd.s32 v29, v38;
	v41 =	vld [tilespmem:s0+$0xC0]  }
0x24: {  	v55 =	vshrl.u32 v39, $0x3;
	v52 =	vbroadcast v52, $0x0;
	v44 =	vadd.s32 v0, v33;
	v43 =	vld [tilespmem:s0+$0xFFFFFF00]  }
0x25: {  	v40 =	vshrl.u32 v40, $0x3;
	v35 =	vbroadcast v53, $0x0;
	v47 =	vadd.s32 v5, v45;
	v46 =	vld [tilespmem:s0+$0xFFFFFF40]  }
0x26: {  	v34 =	vbroadcast v54, $0x0;
	v36 =	vshll.u32 v55, v1;
	v49 =	vadd.s32 v9, v52;
	v48 =	vld [tilespmem:s0+$0xFFFFFF80]  }
0x27: {  	v56 =	vshll.u32 v40, v1;
	v37 =	vbroadcast v36, $0x0;
	v50 =	vadd.s32 v13, v35;
	v39 =	vld [tilespmem:s0+$0xFFFFFFC0]  }
0x28: {  	v36 =	vbroadcast v56, $0x0;
	v53 =	vadd.s32 v17, v34;
	v51 =	vld [tilespmem:s0+$0x0];
	[tilespmem:v42+s21+$0x0] =	vst.idx.msk $0xffff, v41  }
0x29: {  	v60 =	vadd.s32 v21, v37;
	v59 =	vld [tilespmem:s0+$0x40];
	[tilespmem:v44+s21+$0x0] =	vst.idx.msk $0xffff, v43  }
0x2a: {  	v62 =	vadd.s32 v25, v36;
	v61 =	vld [tilespmem:s0+$0x80];
	[tilespmem:v47+s21+$0x0] =	vst.idx.msk $0xffff, v46  }
0x2b: {  	v58 =	vadd.s32 v30, v38;
	[tilespmem:v49+s21+$0x0] =	vst.idx.msk $0xffff, v48;
	v57 =	vld [tilespmem:s0+$0xD0]  }
0x2c: {  	v63 =	vadd.s32 v6, v45;
	[tilespmem:v50+s21+$0x0] =	vst.idx.msk $0xffff, v39;
	v47 =	vld [tilespmem:s0+$0xFFFFFF50]  }
0x2d: {  	v55 =	vadd.s32 v10, v52;
	[tilespmem:v53+s21+$0x0] =	vst.idx.msk $0xffff, v51;
	v54 =	vld [tilespmem:s0+$0xFFFFFF90]  }
0x2e: {  	v56 =	vadd.s32 v14, v35;
	[tilespmem:v60+s21+$0x0] =	vst.idx.msk $0xffff, v59;
	v50 =	vld [tilespmem:s0+$0xFFFFFFD0]  }
0x2f: {  	[tilespmem:v62+s21+$0x0] =	vst.idx.msk $0xffff, v61;
	v46 =	vadd.s32 v22, v37;
	v44 =	vld [tilespmem:s0+$0x50]  }
0x30: {  	v59 =	vadd.s32 v18, v34;
	[tilespmem:v58+s21+$0x0] =	vst.idx.msk $0xffff, v57;
	v58 =	vld [tilespmem:s0+$0x10]  }
0x31: {  	v57 =	vadd.s32 v31, v38;
	[tilespmem:v63+s21+$0x0] =	vst.idx.msk $0xffff, v47;
	v40 =	vld [tilespmem:s0+$0xE0]  }
0x32: {  	v60 =	vadd.s32 v26, v36;
	[tilespmem:v55+s21+$0x0] =	vst.idx.msk $0xffff, v54;
	v63 =	vld [tilespmem:s0+$0x90]  }
0x33: {  	v62 =	vadd.s32 v2, v33;
	v61 =	vld [tilespmem:s0+$0xFFFFFF10];
	[tilespmem:v56+s21+$0x0] =	vst.idx.msk $0xffff, v50  }
0x34: {  	v51 =	vadd.s32 v7, v45;
	[tilespmem:v46+s21+$0x0] =	vst.idx.msk $0xffff, v44;
	v50 =	vld [tilespmem:s0+$0xFFFFFF60]  }
0x35: {  	v56 =	vadd.s32 v11, v52;
	v55 =	vld [tilespmem:s0+$0xFFFFFFA0];
	[tilespmem:v59+s21+$0x0] =	vst.idx.msk $0xffff, v58  }
0x36: {  	v58 =	vadd.s32 v15, v35;
	[tilespmem:v57+s21+$0x0] =	vst.idx.msk $0xffff, v40;
	v57 =	vld [tilespmem:s0+$0xFFFFFFE0]  }
0x37: {  	[tilespmem:v60+s21+$0x0] =	vst.idx.msk $0xffff, v63;
	v60 =	vadd.s32 v19, v34;
	v59 =	vld [tilespmem:s0+$0x20]  }
0x38: {  	s18 =	simm.s32 $0x9;
	v38 =	vadd.s32 v32, v38;
	[tilespmem:v62+s21+$0x0] =	vst.idx.msk $0xffff, v61;
	v54 =	vld [tilespmem:s0+$0xF0]  }
0x39: {  	s17 =	simm.s32 $0x8;
	v41 =	vadd.s32 v23, v37;
	v53 =	vmov s18;
	[tilespmem:v51+s21+$0x0] =	vst.idx.msk $0xffff, v50;
	v40 =	vld [tilespmem:s0+$0x60]  }
0x3a: {  	s12 =	simm.s32 $0xB;
	s16 =	simm.s32 $0xC;
	v43 =	vadd.s32 v27, v36;
	v48 =	vadd.s32 v3, v33;
	v63 =	vmov s17;
	v42 =	vld [tilespmem:s0+$0xA0];
	[tilespmem:v56+s21+$0x0] =	vst.idx.msk $0xffff, v55  }
0x3b: {  	s18 =	simm.s32 $0xE;
	v44 =	vmov s12;
	v47 =	vmov s16;
	v46 =	vld [tilespmem:s0+$0xFFFFFF20];
	v39 =	vshrl.u32 v63, $0x3;
	[tilespmem:v58+s21+$0x0] =	vst.idx.msk $0xffff, v57  }
0x3c: {  	s11 =	simm.s32 $0xA;
	s17 =	simm.s32 $0xD;
	v51 =	vadd.s32 v8, v45;
	v49 =	vld [tilespmem:s0+$0xFFFFFF70];
	v45 =	vshll.u32 v39, v1;
	v39 =	vmov s18;
	[tilespmem:v60+s21+$0x0] =	vst.idx.msk $0xffff, v59  }
0x3d: {  	s2 =	simm.s32 $0x10;
	v52 =	vadd.s32 v12, v52;
	v50 =	vld [tilespmem:s0+$0xFFFFFFB0];
	[tilespmem:v38+s21+$0x0] =	vst.idx.msk $0xffff, v54;
	v54 =	vmov s11;
	v38 =	vmov s17;
	s11 =	simm.s32 $0xF  }
.LBB2_3:
0x3e: {  	p1 =	slt.u32 s2, $0x78;
	v53 =	vshrl.u32 v53, $0x3;
	v55 =	vmov s11;
	v56 =	vld [tilespmem:s0+$0xFFFFFFF0];
	v35 =	vadd.s32 v16, v35;
	[tilespmem:v41+s21+$0x0] =	vst.idx.msk $0xffff, v40  }
0x3f: {  	v40 =	vshrl.u32 v54, $0x3;
	v34 =	vadd.s32 v20, v34;
	v41 =	vshrl.u32 v55, $0x3;
	v54 =	vld [tilespmem:s0+$0x30];
	[tilespmem:v43+s21+$0x0] =	vst.idx.msk $0xffff, v42  }
0x40: {  	v37 =	vadd.s32 v24, v37;
	v42 =	vshrl.u32 v44, $0x3;
	v41 =	vshll.u32 v41, v1;
	[tilespmem:v48+s21+$0x0] =	vst.idx.msk $0xffff, v46;
	v43 =	vld [tilespmem:s0+$0x70]  }
0x41: {  	v36 =	vadd.s32 v28, v36;
	v44 =	vshrl.u32 v47, $0x3;
	v41 =	vbroadcast v41, $0x0;
	[tilespmem:v51+s21+$0x0] =	vst.idx.msk $0xffff, v49;
	v46 =	vld [tilespmem:s0+$0xB0]  }
0x42: {  	v47 =	vshll.u32 v53, v1;
	v49 =	vadd.s32 v4, v33;
	v33 =	vbroadcast v45, $0x0;
	v48 =	vld [tilespmem:s0+$0xFFFFFF30];
	[tilespmem:v52+s21+$0x0] =	vst.idx.msk $0xffff, v50;
	s0 =	sadd.s32 $0x200, s0  }
0x43: {  	v40 =	vshll.u32 v40, v1;
	v45 =	vbroadcast v47, $0x0;
	v47 =	vld [tilespmem:s0+$0xC0];
	v50 =	vadd.s32 v29, v41;
	[tilespmem:v35+s21+$0x0] =	vst.idx.msk $0xffff, v56  }
0x44: {  	v55 =	vbroadcast v40, $0x0;
	v52 =	vadd.s32 v0, v33;
	v35 =	vshll.u32 v42, v1;
	v51 =	vld [tilespmem:s0+$0xFFFFFF00];
	[tilespmem:v34+s21+$0x0] =	vst.idx.msk $0xffff, v54  }
0x45: {  	v42 =	vadd.s32 v5, v45;
	v35 =	vbroadcast v35, $0x0;
	v34 =	vshll.u32 v44, v1;
	v40 =	vld [tilespmem:s0+$0xFFFFFF40];
	[tilespmem:v37+s21+$0x0] =	vst.idx.msk $0xffff, v43  }
0x46: {  	v44 =	vadd.s32 v9, v55;
	v34 =	vbroadcast v34, $0x0;
	v37 =	vshrl.u32 v38, $0x3;
	v43 =	vld [tilespmem:s0+$0xFFFFFF80];
	[tilespmem:v36+s21+$0x0] =	vst.idx.msk $0xffff, v46  }
0x47: {  	v39 =	vshrl.u32 v39, $0x3;
	v46 =	vadd.s32 v13, v35;
	v36 =	vshll.u32 v37, v1;
	v38 =	vld [tilespmem:s0+$0xFFFFFFC0];
	[tilespmem:v49+s21+$0x0] =	vst.idx.msk $0xffff, v48  }
0x48: {  	v49 =	vadd.s32 v17, v34;
	v37 =	vbroadcast v36, $0x0;
	v36 =	vshll.u32 v39, v1;
	v48 =	vld [tilespmem:s0+$0x0];
	[tilespmem:v50+s21+$0x0] =	vst.idx.msk $0xffff, v47  }
0x49: {  	v36 =	vbroadcast v36, $0x0;
	v47 =	vadd.s32 v30, v41;
	[tilespmem:v52+s21+$0x0] =	vst.idx.msk $0xffff, v51;
	v39 =	vld [tilespmem:s0+$0xD0]  }
0x4a: {  	[tilespmem:v42+s21+$0x0] =	vst.idx.msk $0xffff, v40;
	v40 =	vld [tilespmem:s0+$0x40];
	v42 =	vadd.s32 v21, v37  }
0x4b: {  	[tilespmem:v44+s21+$0x0] =	vst.idx.msk $0xffff, v43;
	v43 =	vld [tilespmem:s0+$0x80];
	v44 =	vadd.s32 v25, v36  }
0x4c: {  	v51 =	vadd.s32 v6, v45;
	v50 =	vld [tilespmem:s0+$0xFFFFFF50];
	[tilespmem:v46+s21+$0x0] =	vst.idx.msk $0xffff, v38  }
0x4d: {  	v46 =	vadd.s32 v10, v55;
	v38 =	vld [tilespmem:s0+$0xFFFFFF90];
	[tilespmem:v49+s21+$0x0] =	vst.idx.msk $0xffff, v48  }
0x4e: {  	v49 =	vadd.s32 v14, v35;
	v48 =	vld [tilespmem:s0+$0xFFFFFFD0];
	[tilespmem:v47+s21+$0x0] =	vst.idx.msk $0xffff, v39  }
0x4f: {  	[tilespmem:v42+s21+$0x0] =	vst.idx.msk $0xffff, v40;
	v39 =	vld [tilespmem:s0+$0xE0];
	v40 =	vadd.s32 v31, v41  }
0x50: {  	v47 =	vadd.s32 v18, v34;
	v42 =	vld [tilespmem:s0+$0x10];
	[tilespmem:v44+s21+$0x0] =	vst.idx.msk $0xffff, v43  }
0x51: {  	v44 =	vadd.s32 v22, v37;
	[tilespmem:v51+s21+$0x0] =	vst.idx.msk $0xffff, v50;
	v43 =	vld [tilespmem:s0+$0x50]  }
0x52: {  	[tilespmem:v46+s21+$0x0] =	vst.idx.msk $0xffff, v38;
	v38 =	vld [tilespmem:s0+$0x90];
	v46 =	vadd.s32 v26, v36  }
0x53: {  	v51 =	vadd.s32 v2, v33;
	v50 =	vld [tilespmem:s0+$0xFFFFFF10];
	[tilespmem:v49+s21+$0x0] =	vst.idx.msk $0xffff, v48  }
0x54: {  	v49 =	vadd.s32 v7, v45;
	v48 =	vld [tilespmem:s0+$0xFFFFFF60];
	[tilespmem:v40+s21+$0x0] =	vst.idx.msk $0xffff, v39  }
0x55: {  	[tilespmem:v47+s21+$0x0] =	vst.idx.msk $0xffff, v42;
	v39 =	vld [tilespmem:s0+$0xF0];
	v47 =	vadd.s32 v32, v41  }
0x56: {  	v56 =	vadd.s32 v11, v55;
	v52 =	vld [tilespmem:s0+$0xFFFFFFA0];
	[tilespmem:v44+s21+$0x0] =	vst.idx.msk $0xffff, v43  }
0x57: {  	v58 =	vadd.s32 v15, v35;
	v57 =	vld [tilespmem:s0+$0xFFFFFFE0];
	[tilespmem:v46+s21+$0x0] =	vst.idx.msk $0xffff, v38  }
0x58: {  	v60 =	vadd.s32 v19, v34;
	[tilespmem:v51+s21+$0x0] =	vst.idx.msk $0xffff, v50;
	v59 =	vld [tilespmem:s0+$0x20]  }
.Ltmp0:
0x59: {  	s11 =	sadd.s32 $0x1, s2;
	v41 =	vadd.s32 v23, v37;
	v38 =	vmov s2;
	[tilespmem:v49+s21+$0x0] =	vst.idx.msk $0xffff, v48;
	v40 =	vld [tilespmem:s0+$0x60];
	(pc) =	sbr.rel @p1 .LBB2_3-.Ltmp0, $4  }
0x5a: {  	s12 =	sadd.s32 $0x3, s2;
	v53 =	vmov s11;
	s11 =	sadd.s32 $0x2, s2;
	v43 =	vadd.s32 v27, v36;
	v50 =	vshrl.u32 v38, $0x3;
	v42 =	vld [tilespmem:s0+$0xA0];
	[tilespmem:v47+s21+$0x0] =	vst.idx.msk $0xffff, v39  }
0x5b: {  	v54 =	vmov s11;
	s11 =	sadd.s32 $0x4, s2;
	v44 =	vmov s12;
	s12 =	sadd.s32 $0x5, s2;
	v48 =	vadd.s32 v3, v33;
	v46 =	vld [tilespmem:s0+$0xFFFFFF20];
	[tilespmem:v56+s21+$0x0] =	vst.idx.msk $0xffff, v52  }
0x5c: {  	v38 =	vmov s12;
	v51 =	vadd.s32 v8, v45;
	v47 =	vmov s11;
	s11 =	sadd.s32 $0x6, s2;
	v49 =	vld [tilespmem:s0+$0xFFFFFF70];
	[tilespmem:v58+s21+$0x0] =	vst.idx.msk $0xffff, v57  }
0x5d: {  	v45 =	vshll.u32 v50, v1;
	v39 =	vmov s11;
	s11 =	sadd.s32 $0x7, s2;
	s2 =	sadd.s32 $0x8, s2;
	v52 =	vadd.s32 v12, v55;
	v50 =	vld [tilespmem:s0+$0xFFFFFFB0];
	[tilespmem:v60+s21+$0x0] =	vst.idx.msk $0xffff, v59  }
0x5e: {  	_ =	sdelay $0x2  }
0x5f: {  	v53 =	vshrl.u32 v53, $0x3  }
0x60: {  	v55 =	vmov s11;
	v56 =	vld [tilespmem:s0+$0xFFFFFFF0];
	v35 =	vadd.s32 v16, v35;
	[tilespmem:v41+s21+$0x0] =	vst.idx.msk $0xffff, v40;
	v57 =	vshrl.u32 v54, $0x3  }
0x61: {  	v59 =	vld [tilespmem:s0+$0x30];
	v34 =	vadd.s32 v20, v34;
	v60 =	vshrl.u32 v44, $0x3;
	v58 =	vshrl.u32 v55, $0x3;
	[tilespmem:v43+s21+$0x0] =	vst.idx.msk $0xffff, v42  }
0x62: {  	v37 =	vadd.s32 v24, v37;
	v62 =	vshrl.u32 v47, $0x3;
	v61 =	vld [tilespmem:s0+$0x70];
	v41 =	vshll.u32 v58, v1;
	[tilespmem:v48+s21+$0x0] =	vst.idx.msk $0xffff, v46  }
0x63: {  	v36 =	vadd.s32 v28, v36;
	v45 =	vbroadcast v45, $0x0;
	v63 =	vld [tilespmem:s0+$0xB0];
	v41 =	vbroadcast v41, $0x0;
	[tilespmem:v51+s21+$0x0] =	vst.idx.msk $0xffff, v49  }
0x64: {  	v33 =	vadd.s32 v4, v33;
	s18 =	sadd.s32 $0x200, s0;
	v38 =	vshrl.u32 v38, $0x3;
	v55 =	vshll.u32 v53, v1;
	v48 =	vld [tilespmem:s0+$0xFFFFFF30];
	[tilespmem:v52+s21+$0x0] =	vst.idx.msk $0xffff, v50  }
0x65: {  	v40 =	vshll.u32 v57, v1;
	v47 =	vbroadcast v55, $0x0;
	v49 =	vld [tilespmem:s18+$0xC0];
	v50 =	vadd.s32 v29, v41;
	[tilespmem:v35+s21+$0x0] =	vst.idx.msk $0xffff, v56  }
0x66: {  	v42 =	vshll.u32 v60, v1;
	v40 =	vbroadcast v40, $0x0;
	v35 =	vld [tilespmem:s18+$0xFFFFFF00];
	v56 =	vadd.s32 v0, v45;
	[tilespmem:v34+s21+$0x0] =	vst.idx.msk $0xffff, v59  }
0x67: {  	v57 =	vld [tilespmem:s18+$0xFFFFFF40];
	v44 =	vshll.u32 v62, v1;
	v42 =	vbroadcast v42, $0x0;
	v58 =	vadd.s32 v5, v47;
	[tilespmem:v37+s21+$0x0] =	vst.idx.msk $0xffff, v61  }
0x68: {  	v38 =	vshll.u32 v38, v1;
	v44 =	vbroadcast v44, $0x0;
	v60 =	vadd.s32 v9, v40;
	v59 =	vld [tilespmem:s18+$0xFFFFFF80];
	[tilespmem:v36+s21+$0x0] =	vst.idx.msk $0xffff, v63  }
0x69: {  	v38 =	vbroadcast v38, $0x0;
	v62 =	vadd.s32 v13, v42;
	v61 =	vld [tilespmem:s18+$0xFFFFFFC0];
	[tilespmem:v33+s21+$0x0] =	vst.idx.msk $0xffff, v48  }
0x6a: {  	v39 =	vshrl.u32 v39, $0x3;
	v63 =	vadd.s32 v17, v44;
	v33 =	vld [tilespmem:s18+$0x0];
	[tilespmem:v50+s21+$0x0] =	vst.idx.msk $0xffff, v49  }
0x6b: {  	v39 =	vshll.u32 v39, v1;
	v34 =	vld [tilespmem:s18+$0x40];
	[tilespmem:v56+s21+$0x0] =	vst.idx.msk $0xffff, v35;
	v56 =	vadd.s32 v21, v38  }
0x6c: {  	[tilespmem:v58+s21+$0x0] =	vst.idx.msk $0xffff, v57;
	v35 =	vbroadcast v39, $0x0;
	v49 =	vadd.s32 v30, v41;
	v39 =	vld [tilespmem:s18+$0xD0]  }
0x6d: {  	[tilespmem:v60+s21+$0x0] =	vst.idx.msk $0xffff, v59;
	v59 =	vld [tilespmem:s18+$0xFFFFFF50];
	v60 =	vadd.s32 v6, v47  }
0x6e: {  	v57 =	vld [tilespmem:s18+$0x80];
	[tilespmem:v62+s21+$0x0] =	vst.idx.msk $0xffff, v61;
	v58 =	vadd.s32 v25, v35  }
0x6f: {  	v61 =	vld [tilespmem:s18+$0xFFFFFF90];
	v62 =	vadd.s32 v10, v40;
	[tilespmem:v63+s21+$0x0] =	vst.idx.msk $0xffff, v33  }
0x70: {  	v33 =	vld [tilespmem:s18+$0xFFFFFFD0];
	v63 =	vadd.s32 v14, v42;
	[tilespmem:v56+s21+$0x0] =	vst.idx.msk $0xffff, v34  }
0x71: {  	v56 =	vadd.s32 v18, v44;
	[tilespmem:v49+s21+$0x0] =	vst.idx.msk $0xffff, v39;
	v49 =	vld [tilespmem:s18+$0x10]  }
0x72: {  	[tilespmem:v60+s21+$0x0] =	vst.idx.msk $0xffff, v59;
	v39 =	vadd.s32 v31, v41;
	v34 =	vld [tilespmem:s18+$0xE0]  }
0x73: {  	[tilespmem:v58+s21+$0x0] =	vst.idx.msk $0xffff, v57;
	v57 =	vld [tilespmem:s18+$0x50];
	v58 =	vadd.s32 v22, v38  }
0x74: {  	[tilespmem:v62+s21+$0x0] =	vst.idx.msk $0xffff, v61;
	v61 =	vld [tilespmem:s18+$0xFFFFFF10];
	v62 =	vadd.s32 v2, v45  }
0x75: {  	v60 =	vadd.s32 v26, v35;
	v59 =	vld [tilespmem:s18+$0x90];
	[tilespmem:v63+s21+$0x0] =	vst.idx.msk $0xffff, v33  }
0x76: {  	v55 =	vadd.s32 v11, v40;
	v54 =	vadd.s32 v32, v41;
	v41 =	vld [tilespmem:s18+$0xFFFFFFA0];
	[tilespmem:v56+s21+$0x0] =	vst.idx.msk $0xffff, v49  }
0x77: {  	v53 =	vadd.s32 v7, v47;
	v63 =	vld [tilespmem:s18+$0xFFFFFF60];
	[tilespmem:v39+s21+$0x0] =	vst.idx.msk $0xffff, v34  }
0x78: {  	v56 =	vld [tilespmem:s18+$0xFFFFFFE0];
	[tilespmem:v58+s21+$0x0] =	vst.idx.msk $0xffff, v57;
	v57 =	vadd.s32 v15, v42  }
0x79: {  	[tilespmem:v62+s21+$0x0] =	vst.idx.msk $0xffff, v61;
	v34 =	vld [tilespmem:s18+$0xF0]  }
0x7a: {  	v58 =	vld [tilespmem:s18+$0x20];
	[tilespmem:v60+s21+$0x0] =	vst.idx.msk $0xffff, v59;
	v59 =	vadd.s32 v19, v44  }
0x7b: {  	v61 =	vadd.s32 v23, v38;
	[tilespmem:v55+s21+$0x0] =	vst.idx.msk $0xffff, v41;
	v60 =	vld [tilespmem:s18+$0x60]  }
0x7c: {  	[tilespmem:v53+s21+$0x0] =	vst.idx.msk $0xffff, v63;
	v63 =	vadd.s32 v27, v35;
	v62 =	vld [tilespmem:s18+$0xA0]  }
0x7d: {  	v47 =	vadd.s32 v8, v47;
	v55 =	vld [tilespmem:s18+$0xFFFFFF70];
	[tilespmem:v57+s21+$0x0] =	vst.idx.msk $0xffff, v56  }
0x7e: {  	v53 =	vld [tilespmem:s18+$0xFFFFFF20];
	[tilespmem:v54+s21+$0x0] =	vst.idx.msk $0xffff, v34;
	v54 =	vadd.s32 v3, v45  }
0x7f: {  	v40 =	vadd.s32 v12, v40;
	v56 =	vld [tilespmem:s18+$0xFFFFFFB0];
	[tilespmem:v59+s21+$0x0] =	vst.idx.msk $0xffff, v58  }
0x80: {  	v42 =	vadd.s32 v16, v42;
	v57 =	vld [tilespmem:s18+$0xFFFFFFF0];
	[tilespmem:v61+s21+$0x0] =	vst.idx.msk $0xffff, v60  }
0x81: {  	v59 =	vadd.s32 v20, v44;
	v58 =	vld [tilespmem:s18+$0x30];
	[tilespmem:v63+s21+$0x0] =	vst.idx.msk $0xffff, v62  }
0x82: {  	v38 =	vadd.s32 v24, v38;
	v60 =	vld [tilespmem:s18+$0x70];
	[tilespmem:v47+s21+$0x0] =	vst.idx.msk $0xffff, v55  }
0x83: {  	v35 =	vadd.s32 v28, v35;
	v61 =	vld [tilespmem:s18+$0xB0];
	[tilespmem:v54+s21+$0x0] =	vst.idx.msk $0xffff, v53  }
0x84: {  	v63 =	vadd.s32 v4, v45;
	[tilespmem:v40+s21+$0x0] =	vst.idx.msk $0xffff, v56;
	v62 =	vld [tilespmem:s18+$0xFFFFFF30]  }
0x85: {  	[tilespmem:v42+s21+$0x0] =	vst.idx.msk $0xffff, v57  }
0x86: {  	[tilespmem:v59+s21+$0x0] =	vst.idx.msk $0xffff, v58  }
0x87: {  	[tilespmem:v38+s21+$0x0] =	vst.idx.msk $0xffff, v60  }
0x88: {  	s2 =	sshll.u32 s30, $0x11;
	[tilespmem:v35+s21+$0x0] =	vst.idx.msk $0xffff, v61  }
0x89: {  	s11 =	simm.s32 $0xE400;
	s2 =	sadd.s32 s2, s6;
	[tilespmem:v63+s21+$0x0] =	vst.idx.msk $0xffff, v62  }
0x8a: {  	[hbm4b:s2+s3] =	stream.linear.scatter [tilespmem:s11], [sflag:$0x5], $0x80, $0x38;
	[tilespmem:$0x12800] =	vst v63  }
0x8b: {  	s12 =	simm.s32 $0xE488;
	s16 =	sadd.s32 $0x10, s2  }
0x8c: {  	[hbm4b:s16+s3] =	stream.linear.scatter [tilespmem:s12], [sflag:$0x5], $0x80, $0x38;
	[tilespmem:$0x12800] =	vst v63  }
0x8d: {  	s17 =	simm.s32 $0xE510;
	s0 =	simm.s32 $0x440;
	s18 =	sadd.s32 $0x20, s2  }
0x8e: {  	[hbm4b:s18+s3] =	stream.linear.scatter [tilespmem:s17], [sflag:$0x5], $0x80, $0x38;
	[tilespmem:$0x12800] =	vst v63  }
0x8f: {  	s11 =	simm.s32 $0x2200;
	s12 =	simm.s32 $0xE598;
	s16 =	sadd.s32 $0x30, s2  }
0x90: {  	[hbm4b:s16+s3] =	stream.linear.scatter [tilespmem:s12], [sflag:$0x5], $0x80, $0x38;
	[tilespmem:$0x12800] =	vst v63  }
0x91: {  	s17 =	simm.s32 $0xE620;
	s18 =	sadd.s32 $0x40, s2;
	s12 =	simm.s32 $0xE6A8  }
0x92: {  	[hbm4b:s18+s3] =	stream.linear.scatter [tilespmem:s17], [sflag:$0x5], $0x80, $0x38;
	[tilespmem:$0x12800] =	vst v63  }
0x93: {  	s16 =	sadd.s32 $0x50, s2;
	s17 =	simm.s32 $0xE730;
	s18 =	sadd.s32 $0x60, s2  }
0x94: {  	[hbm4b:s16+s3] =	stream.linear.scatter [tilespmem:s12], [sflag:$0x5], $0x80, $0x38;
	[tilespmem:$0x12800] =	vst v63  }
0x95: {  	s12 =	simm.s32 $0xE7B8;
	s16 =	sadd.s32 $0x70, s2;
	s2 =	sadd.s32 $0x4000, s2  }
0x96: {  	[hbm4b:s18+s3] =	stream.linear.scatter [tilespmem:s17], [sflag:$0x5], $0x80, $0x38;
	[tilespmem:$0x12800] =	vst v63  }
.LBB2_5:
0x97: {  	[hbm4b:s16+s3] =	stream.linear.scatter [tilespmem:s12], [sflag:$0x5], $0x80, $0x38;
	[tilespmem:$0x12800] =	vst v63  }
0x98: {  	s12 =	smov.u32 s0;
	s0 =	smov.u32 s11  }
0x99: {  	s17 =	sadd.s32 $0x1100, s11;
	s0 =	sshra.s32 s0, $0x2;
	s16 =	sadd.s32 $0xE400, s12  }
0x9a: {  	[hbm4b:s2+s3] =	stream.linear.scatter [tilespmem:s16], [sflag:$0x5], $0x80, $0x38;
	[tilespmem:$0x12800] =	vst v63  }
0x9b: {  	p1 =	sne.s32 s11, $0x7700;
	s11 =	sadd.s32 $0xE488, s12;
	s16 =	sadd.s32 $0x10, s2  }
0x9c: {  	[hbm4b:s16+s3] =	stream.linear.scatter [tilespmem:s11], [sflag:$0x5], $0x80, $0x38;
	[tilespmem:$0x12800] =	vst v63  }
0x9d: {  	s11 =	sadd.s32 $0xE510, s12;
	s16 =	sadd.s32 $0x20, s2  }
0x9e: {  	[hbm4b:s16+s3] =	stream.linear.scatter [tilespmem:s11], [sflag:$0x5], $0x80, $0x38;
	[tilespmem:$0x12800] =	vst v63  }
0x9f: {  	s11 =	sadd.s32 $0xE598, s12;
	s16 =	sadd.s32 $0x30, s2  }
0xa0: {  	[hbm4b:s16+s3] =	stream.linear.scatter [tilespmem:s11], [sflag:$0x5], $0x80, $0x38;
	[tilespmem:$0x12800] =	vst v63  }
0xa1: {  	s11 =	sadd.s32 $0xE620, s12;
	s16 =	sadd.s32 $0x40, s2  }
0xa2: {  	[hbm4b:s16+s3] =	stream.linear.scatter [tilespmem:s11], [sflag:$0x5], $0x80, $0x38;
	[tilespmem:$0x12800] =	vst v63  }
.Ltmp1:
0xa3: {  	s11 =	sadd.s32 $0xE6A8, s12;
	s16 =	sadd.s32 $0x50, s2;
	(pc) =	sbr.rel @p1 .LBB2_5-.Ltmp1, $4  }
0xa4: {  	[hbm4b:s16+s3] =	stream.linear.scatter [tilespmem:s11], [sflag:$0x5], $0x80, $0x38;
	[tilespmem:$0x12800] =	vst v63  }
0xa5: {  	s11 =	sadd.s32 $0xE730, s12;
	s16 =	sadd.s32 $0x60, s2;
	s12 =	sadd.s32 $0xE7B8, s12  }
0xa6: {  	[hbm4b:s16+s3] =	stream.linear.scatter [tilespmem:s11], [sflag:$0x5], $0x80, $0x38;
	[tilespmem:$0x12800] =	vst v63  }
0xa7: {  	s16 =	sadd.s32 $0x70, s2;
	s2 =	sadd.s32 $0x4000, s2;
	s11 =	smov.u32 s17  }
0xa8: {  	[hbm4b:s16+s3] =	stream.linear.scatter [tilespmem:s12], [sflag:$0x5], $0x80, $0x38;
	[tilespmem:$0x12800] =	vst v63  }
0xa9: {  	s11 =	sadd.s32 $0xE400, s0  }
0xaa: {  	[hbm4b:s2+s3] =	stream.linear.scatter [tilespmem:s11], [sflag:$0x5], $0x80, $0x38;
	[tilespmem:$0x12800] =	vst v63  }
0xab: {  	s17 =	sadd.s32 $0xE488, s0;
	s18 =	sadd.s32 $0x10, s2  }
0xac: {  	[hbm4b:s18+s3] =	stream.linear.scatter [tilespmem:s17], [sflag:$0x5], $0x80, $0x38;
	[tilespmem:$0x12800] =	vst v63  }
0xad: {  	s12 =	sadd.s32 $0xE510, s0;
	s16 =	sadd.s32 $0x20, s2  }
0xae: {  	[hbm4b:s16+s3] =	stream.linear.scatter [tilespmem:s12], [sflag:$0x5], $0x80, $0x38;
	[tilespmem:$0x12800] =	vst v63  }
0xaf: {  	s17 =	sadd.s32 $0xE598, s0;
	s18 =	sadd.s32 $0x30, s2  }
0xb0: {  	[hbm4b:s18+s3] =	stream.linear.scatter [tilespmem:s17], [sflag:$0x5], $0x80, $0x38;
	[tilespmem:$0x12800] =	vst v63  }
0xb1: {  	s12 =	sadd.s32 $0xE620, s0;
	s16 =	sadd.s32 $0x40, s2  }
0xb2: {  	[hbm4b:s16+s3] =	stream.linear.scatter [tilespmem:s12], [sflag:$0x5], $0x80, $0x38;
	[tilespmem:$0x12800] =	vst v63  }
0xb3: {  	p1 =	sne.s32 s30, $0x31;
	s17 =	sadd.s32 $0xE6A8, s0;
	s18 =	sadd.s32 $0x50, s2  }
0xb4: {  	[hbm4b:s18+s3] =	stream.linear.scatter [tilespmem:s17], [sflag:$0x5], $0x80, $0x38;
	[tilespmem:$0x12800] =	vst v63  }
.Ltmp2:
0xb5: {  	_ = 	snop;
	(pc) =	sbr.rel @p1 .LBB2_8-.Ltmp2, $4  }
0xb6: {  	s12 =	sadd.s32 $0xE730, s0;
	s16 =	sadd.s32 $0x60, s2  }
0xb7: {  	[hbm4b:s16+s3] =	stream.linear.scatter [tilespmem:s12], [sflag:$0x5], $0x80, $0x38;
	[tilespmem:$0x12800] =	vst v63  }
0xb8: {  	s17 =	sadd.s32 $0xE7B8, s0;
	s18 =	sadd.s32 $0x70, s2  }
0xb9: {  	[hbm4b:s18+s3] =	stream.linear.scatter [tilespmem:s17], [sflag:$0x5], $0x80, $0x38;
	[tilespmem:$0x12800] =	vst v63  }
.Ltmp3:
0xba: {  	(pc) =	sbr.rel .LBB2_9-.Ltmp3, $4  }
0xbb: {  	_ = 	snop  }
0xbc: {  	_ =	swait.ge [sflag:s22], $0x2000  }
0xbd: {  	[sflag:s22] =	ssyncset.done $0x0  }
0xbe: {  	[sflag:s22] =	ssyncadd.s32 $0xFFFFE000  }
.LBB2_8:
.Ltmp4:
0xbf: {  	s0 =	sadd.s32 $0x200, s31;
	(pc) =	sbr.rel @p0 .LBB2_10-.Ltmp4, $4  }
0xc0: {  	[tilespmem:s15], [sflag:$0x1] =	stream.indirect.gather [hbm4b:s4+s14], $0x40, s0, s14, $0xb8;
	[tilespmem:$0x12800] =	vst v63  }
0xc1: {  	_ =	swait.ge [sflag:s22], $0x2000  }
0xc2: {  	[sflag:s22] =	ssyncset.done $0x0  }
0xc3: {  	[sflag:s22] =	ssyncadd.s32 $0xFFFFE000  }
.LBB2_9:
0xc4: {  	_ =	swait.ge [sflag:s23], $0x2000  }
0xc5: {  	[sflag:s23] =	ssyncset.done $0x0  }
0xc6: {  	[sflag:s23] =	ssyncadd.s32 $0xFFFFE000  }
.LBB2_10:
0xc7: {  	s0 =	simm.s32 $0x0;
	s16 =	simm.s32 $0x1;
	s2 =	simm.s32 $0x2  }
0xc8: {  	s17 =	simm.s32 $0x3;
	s18 =	simm.s32 $0x4;
	s11 =	simm.s32 $0x7;
	v33 =	vmov s0;
	v34 =	vmov s16;
	v35 =	vmov s2  }
0xc9: {  	s12 =	simm.s32 $0x5;
	v36 =	vmov s17;
	v37 =	vmov s18;
	v38 =	vmov s11  }
0xca: {  	v39 =	vmov s12;
	s16 =	simm.s32 $0x6;
	v33 =	vshrl.u32 v33, $0x3;
	v38 =	vshrl.u32 v38, $0x3  }
0xcb: {  	v40 =	vmov s16;
	v34 =	vshrl.u32 v34, $0x3;
	v35 =	vshrl.u32 v35, $0x3  }
0xcc: {  	v36 =	vshrl.u32 v36, $0x3;
	v37 =	vshrl.u32 v37, $0x3;
	v38 =	vshll.u32 v38, v1  }
0xcd: {  	v55 =	vshrl.u32 v39, $0x3;
	v33 =	vshll.u32 v33, v1;
	v38 =	vbroadcast v38, $0x0  }
0xce: {  	s0 =	simm.s32 $0x85F0;
	v34 =	vshll.u32 v34, v1;
	v52 =	vshll.u32 v35, v1;
	v33 =	vbroadcast v33, $0x0  }
0xcf: {  	v41 =	vld [tilespmem:s0+$0xFFFFFFD0];
	v53 =	vshll.u32 v36, v1;
	v45 =	vbroadcast v34, $0x0;
	v42 =	vadd.s32 v29, v38  }
0xd0: {  	v43 =	vld [tilespmem:s0+$0xFFFFFE10];
	v54 =	vshll.u32 v37, v1;
	v52 =	vbroadcast v52, $0x0;
	v44 =	vadd.s32 v0, v33  }
0xd1: {  	v46 =	vld [tilespmem:s0+$0xFFFFFE50];
	v36 =	vshll.u32 v55, v1;
	v35 =	vbroadcast v53, $0x0;
	v47 =	vadd.s32 v5, v45  }
0xd2: {  	v48 =	vld [tilespmem:s0+$0xFFFFFE90];
	v40 =	vshrl.u32 v40, $0x3;
	v34 =	vbroadcast v54, $0x0;
	v49 =	vadd.s32 v9, v52  }
0xd3: {  	v39 =	vld [tilespmem:s0+$0xFFFFFED0];
	v37 =	vbroadcast v36, $0x0;
	v56 =	vshll.u32 v40, v1;
	v50 =	vadd.s32 v13, v35  }
0xd4: {  	v51 =	vld [tilespmem:s0+$0xFFFFFF10];
	v36 =	vbroadcast v56, $0x0;
	v53 =	vadd.s32 v17, v34;
	[tilespmem:v42+s24+$0x0] =	vst.idx.msk $0xffff, v41  }
0xd5: {  	v59 =	vld [tilespmem:s0+$0xFFFFFF50];
	v60 =	vadd.s32 v21, v37;
	[tilespmem:v44+s24+$0x0] =	vst.idx.msk $0xffff, v43  }
0xd6: {  	v61 =	vld [tilespmem:s0+$0xFFFFFF90];
	v62 =	vadd.s32 v25, v36;
	[tilespmem:v47+s24+$0x0] =	vst.idx.msk $0xffff, v46  }
0xd7: {  	v58 =	vadd.s32 v30, v38;
	[tilespmem:v49+s24+$0x0] =	vst.idx.msk $0xffff, v48;
	v57 =	vld [tilespmem:s0+$0xFFFFFFE0]  }
0xd8: {  	v63 =	vadd.s32 v6, v45;
	[tilespmem:v50+s24+$0x0] =	vst.idx.msk $0xffff, v39;
	v47 =	vld [tilespmem:s0+$0xFFFFFE60]  }
0xd9: {  	v55 =	vadd.s32 v10, v52;
	[tilespmem:v53+s24+$0x0] =	vst.idx.msk $0xffff, v51;
	v54 =	vld [tilespmem:s0+$0xFFFFFEA0]  }
0xda: {  	v56 =	vadd.s32 v14, v35;
	[tilespmem:v60+s24+$0x0] =	vst.idx.msk $0xffff, v59;
	v50 =	vld [tilespmem:s0+$0xFFFFFEE0]  }
0xdb: {  	v46 =	vadd.s32 v22, v37;
	[tilespmem:v62+s24+$0x0] =	vst.idx.msk $0xffff, v61;
	v44 =	vld [tilespmem:s0+$0xFFFFFF60]  }
0xdc: {  	v59 =	vadd.s32 v18, v34;
	[tilespmem:v58+s24+$0x0] =	vst.idx.msk $0xffff, v57;
	v58 =	vld [tilespmem:s0+$0xFFFFFF20]  }
0xdd: {  	v57 =	vadd.s32 v31, v38;
	[tilespmem:v63+s24+$0x0] =	vst.idx.msk $0xffff, v47;
	v40 =	vld [tilespmem:s0+$0xFFFFFFF0]  }
0xde: {  	v60 =	vadd.s32 v26, v36;
	[tilespmem:v55+s24+$0x0] =	vst.idx.msk $0xffff, v54;
	v63 =	vld [tilespmem:s0+$0xFFFFFFA0]  }
0xdf: {  	v61 =	vld [tilespmem:s0+$0xFFFFFE20];
	v62 =	vadd.s32 v2, v33;
	[tilespmem:v56+s24+$0x0] =	vst.idx.msk $0xffff, v50  }
0xe0: {  	v51 =	vadd.s32 v7, v45;
	[tilespmem:v46+s24+$0x0] =	vst.idx.msk $0xffff, v44;
	v50 =	vld [tilespmem:s0+$0xFFFFFE70]  }
0xe1: {  	v56 =	vadd.s32 v11, v52;
	v55 =	vld [tilespmem:s0+$0xFFFFFEB0];
	[tilespmem:v59+s24+$0x0] =	vst.idx.msk $0xffff, v58  }
0xe2: {  	v58 =	vadd.s32 v15, v35;
	[tilespmem:v57+s24+$0x0] =	vst.idx.msk $0xffff, v40;
	v57 =	vld [tilespmem:s0+$0xFFFFFEF0]  }
0xe3: {  	[tilespmem:v60+s24+$0x0] =	vst.idx.msk $0xffff, v63;
	v60 =	vadd.s32 v19, v34;
	v59 =	vld [tilespmem:s0+$0xFFFFFF30]  }
0xe4: {  	s18 =	simm.s32 $0x9;
	v38 =	vadd.s32 v32, v38;
	[tilespmem:v62+s24+$0x0] =	vst.idx.msk $0xffff, v61;
	v54 =	vld [tilespmem:s0+$0x0]  }
0xe5: {  	s17 =	simm.s32 $0x8;
	v41 =	vadd.s32 v23, v37;
	v53 =	vmov s18;
	[tilespmem:v51+s24+$0x0] =	vst.idx.msk $0xffff, v50;
	v40 =	vld [tilespmem:s0+$0xFFFFFF70]  }
0xe6: {  	s12 =	simm.s32 $0xB;
	s16 =	simm.s32 $0xC;
	v43 =	vadd.s32 v27, v36;
	v48 =	vadd.s32 v3, v33;
	v63 =	vmov s17;
	v42 =	vld [tilespmem:s0+$0xFFFFFFB0];
	[tilespmem:v56+s24+$0x0] =	vst.idx.msk $0xffff, v55  }
0xe7: {  	s18 =	simm.s32 $0xE;
	v44 =	vmov s12;
	v47 =	vmov s16;
	v46 =	vld [tilespmem:s0+$0xFFFFFE30];
	v39 =	vshrl.u32 v63, $0x3;
	[tilespmem:v58+s24+$0x0] =	vst.idx.msk $0xffff, v57  }
0xe8: {  	s11 =	simm.s32 $0xA;
	s17 =	simm.s32 $0xD;
	v51 =	vadd.s32 v8, v45;
	v49 =	vld [tilespmem:s0+$0xFFFFFE80];
	v45 =	vshll.u32 v39, v1;
	v39 =	vmov s18;
	[tilespmem:v60+s24+$0x0] =	vst.idx.msk $0xffff, v59  }
0xe9: {  	s2 =	simm.s32 $0x10;
	v52 =	vadd.s32 v12, v52;
	v50 =	vld [tilespmem:s0+$0xFFFFFEC0];
	[tilespmem:v38+s24+$0x0] =	vst.idx.msk $0xffff, v54;
	v54 =	vmov s11;
	v38 =	vmov s17;
	s11 =	simm.s32 $0xF  }
.LBB2_11:
0xea: {  	p0 =	slt.u32 s2, $0x78;
	v53 =	vshrl.u32 v53, $0x3;
	v55 =	vmov s11;
	v56 =	vld [tilespmem:s0+$0xFFFFFF00];
	v35 =	vadd.s32 v16, v35;
	[tilespmem:v41+s24+$0x0] =	vst.idx.msk $0xffff, v40  }
0xeb: {  	v40 =	vshrl.u32 v54, $0x3;
	v34 =	vadd.s32 v20, v34;
	v41 =	vshrl.u32 v55, $0x3;
	v54 =	vld [tilespmem:s0+$0xFFFFFF40];
	[tilespmem:v43+s24+$0x0] =	vst.idx.msk $0xffff, v42  }
0xec: {  	v37 =	vadd.s32 v24, v37;
	v42 =	vshrl.u32 v44, $0x3;
	v41 =	vshll.u32 v41, v1;
	[tilespmem:v48+s24+$0x0] =	vst.idx.msk $0xffff, v46;
	v43 =	vld [tilespmem:s0+$0xFFFFFF80]  }
0xed: {  	v36 =	vadd.s32 v28, v36;
	v44 =	vshrl.u32 v47, $0x3;
	v41 =	vbroadcast v41, $0x0;
	[tilespmem:v51+s24+$0x0] =	vst.idx.msk $0xffff, v49;
	v46 =	vld [tilespmem:s0+$0xFFFFFFC0]  }
0xee: {  	v47 =	vshll.u32 v53, v1;
	v49 =	vadd.s32 v4, v33;
	v33 =	vbroadcast v45, $0x0;
	v48 =	vld [tilespmem:s0+$0xFFFFFE40];
	[tilespmem:v52+s24+$0x0] =	vst.idx.msk $0xffff, v50;
	s0 =	sadd.s32 $0x200, s0  }
0xef: {  	v40 =	vshll.u32 v40, v1;
	v45 =	vbroadcast v47, $0x0;
	v47 =	vld [tilespmem:s0+$0xFFFFFFD0];
	v50 =	vadd.s32 v29, v41;
	[tilespmem:v35+s24+$0x0] =	vst.idx.msk $0xffff, v56  }
0xf0: {  	v55 =	vbroadcast v40, $0x0;
	v52 =	vadd.s32 v0, v33;
	v35 =	vshll.u32 v42, v1;
	v51 =	vld [tilespmem:s0+$0xFFFFFE10];
	[tilespmem:v34+s24+$0x0] =	vst.idx.msk $0xffff, v54  }
0xf1: {  	v42 =	vadd.s32 v5, v45;
	v35 =	vbroadcast v35, $0x0;
	v34 =	vshll.u32 v44, v1;
	v40 =	vld [tilespmem:s0+$0xFFFFFE50];
	[tilespmem:v37+s24+$0x0] =	vst.idx.msk $0xffff, v43  }
0xf2: {  	v44 =	vadd.s32 v9, v55;
	v34 =	vbroadcast v34, $0x0;
	v37 =	vshrl.u32 v38, $0x3;
	v43 =	vld [tilespmem:s0+$0xFFFFFE90];
	[tilespmem:v36+s24+$0x0] =	vst.idx.msk $0xffff, v46  }
0xf3: {  	v39 =	vshrl.u32 v39, $0x3;
	v46 =	vadd.s32 v13, v35;
	v36 =	vshll.u32 v37, v1;
	v38 =	vld [tilespmem:s0+$0xFFFFFED0];
	[tilespmem:v49+s24+$0x0] =	vst.idx.msk $0xffff, v48  }
0xf4: {  	v49 =	vadd.s32 v17, v34;
	v37 =	vbroadcast v36, $0x0;
	v36 =	vshll.u32 v39, v1;
	v48 =	vld [tilespmem:s0+$0xFFFFFF10];
	[tilespmem:v50+s24+$0x0] =	vst.idx.msk $0xffff, v47  }
0xf5: {  	v36 =	vbroadcast v36, $0x0;
	v47 =	vadd.s32 v30, v41;
	[tilespmem:v52+s24+$0x0] =	vst.idx.msk $0xffff, v51;
	v39 =	vld [tilespmem:s0+$0xFFFFFFE0]  }
0xf6: {  	[tilespmem:v42+s24+$0x0] =	vst.idx.msk $0xffff, v40;
	v40 =	vld [tilespmem:s0+$0xFFFFFF50];
	v42 =	vadd.s32 v21, v37  }
0xf7: {  	[tilespmem:v44+s24+$0x0] =	vst.idx.msk $0xffff, v43;
	v43 =	vld [tilespmem:s0+$0xFFFFFF90];
	v44 =	vadd.s32 v25, v36  }
0xf8: {  	v51 =	vadd.s32 v6, v45;
	v50 =	vld [tilespmem:s0+$0xFFFFFE60];
	[tilespmem:v46+s24+$0x0] =	vst.idx.msk $0xffff, v38  }
0xf9: {  	v46 =	vadd.s32 v10, v55;
	v38 =	vld [tilespmem:s0+$0xFFFFFEA0];
	[tilespmem:v49+s24+$0x0] =	vst.idx.msk $0xffff, v48  }
0xfa: {  	v49 =	vadd.s32 v14, v35;
	v48 =	vld [tilespmem:s0+$0xFFFFFEE0];
	[tilespmem:v47+s24+$0x0] =	vst.idx.msk $0xffff, v39  }
0xfb: {  	[tilespmem:v42+s24+$0x0] =	vst.idx.msk $0xffff, v40;
	v39 =	vld [tilespmem:s0+$0xFFFFFFF0];
	v40 =	vadd.s32 v31, v41  }
0xfc: {  	v47 =	vadd.s32 v18, v34;
	v42 =	vld [tilespmem:s0+$0xFFFFFF20];
	[tilespmem:v44+s24+$0x0] =	vst.idx.msk $0xffff, v43  }
0xfd: {  	v44 =	vadd.s32 v22, v37;
	[tilespmem:v51+s24+$0x0] =	vst.idx.msk $0xffff, v50;
	v43 =	vld [tilespmem:s0+$0xFFFFFF60]  }
0xfe: {  	[tilespmem:v46+s24+$0x0] =	vst.idx.msk $0xffff, v38;
	v38 =	vld [tilespmem:s0+$0xFFFFFFA0];
	v46 =	vadd.s32 v26, v36  }
0xff: {  	v51 =	vadd.s32 v2, v33;
	v50 =	vld [tilespmem:s0+$0xFFFFFE20];
	[tilespmem:v49+s24+$0x0] =	vst.idx.msk $0xffff, v48  }
0x100: {  	v49 =	vadd.s32 v7, v45;
	v48 =	vld [tilespmem:s0+$0xFFFFFE70];
	[tilespmem:v40+s24+$0x0] =	vst.idx.msk $0xffff, v39  }
0x101: {  	[tilespmem:v47+s24+$0x0] =	vst.idx.msk $0xffff, v42;
	v39 =	vld [tilespmem:s0+$0x0];
	v47 =	vadd.s32 v32, v41  }
0x102: {  	v56 =	vadd.s32 v11, v55;
	v52 =	vld [tilespmem:s0+$0xFFFFFEB0];
	[tilespmem:v44+s24+$0x0] =	vst.idx.msk $0xffff, v43  }
0x103: {  	v58 =	vadd.s32 v15, v35;
	v57 =	vld [tilespmem:s0+$0xFFFFFEF0];
	[tilespmem:v46+s24+$0x0] =	vst.idx.msk $0xffff, v38  }
0x104: {  	v60 =	vadd.s32 v19, v34;
	[tilespmem:v51+s24+$0x0] =	vst.idx.msk $0xffff, v50;
	v59 =	vld [tilespmem:s0+$0xFFFFFF30]  }
.Ltmp5:
0x105: {  	s11 =	sadd.s32 $0x1, s2;
	v41 =	vadd.s32 v23, v37;
	v38 =	vmov s2;
	[tilespmem:v49+s24+$0x0] =	vst.idx.msk $0xffff, v48;
	v40 =	vld [tilespmem:s0+$0xFFFFFF70];
	(pc) =	sbr.rel @p0 .LBB2_11-.Ltmp5, $4  }
0x106: {  	s12 =	sadd.s32 $0x3, s2;
	v53 =	vmov s11;
	s11 =	sadd.s32 $0x2, s2;
	v43 =	vadd.s32 v27, v36;
	v50 =	vshrl.u32 v38, $0x3;
	v42 =	vld [tilespmem:s0+$0xFFFFFFB0];
	[tilespmem:v47+s24+$0x0] =	vst.idx.msk $0xffff, v39  }
0x107: {  	v54 =	vmov s11;
	s11 =	sadd.s32 $0x4, s2;
	v44 =	vmov s12;
	s12 =	sadd.s32 $0x5, s2;
	v48 =	vadd.s32 v3, v33;
	v46 =	vld [tilespmem:s0+$0xFFFFFE30];
	[tilespmem:v56+s24+$0x0] =	vst.idx.msk $0xffff, v52  }
0x108: {  	v38 =	vmov s12;
	v51 =	vadd.s32 v8, v45;
	v47 =	vmov s11;
	s11 =	sadd.s32 $0x6, s2;
	v49 =	vld [tilespmem:s0+$0xFFFFFE80];
	[tilespmem:v58+s24+$0x0] =	vst.idx.msk $0xffff, v57  }
0x109: {  	v45 =	vshll.u32 v50, v1;
	v39 =	vmov s11;
	s11 =	sadd.s32 $0x7, s2;
	s2 =	sadd.s32 $0x8, s2;
	v52 =	vadd.s32 v12, v55;
	v50 =	vld [tilespmem:s0+$0xFFFFFEC0];
	[tilespmem:v60+s24+$0x0] =	vst.idx.msk $0xffff, v59  }
0x10a: {  	_ =	sdelay $0x2  }
0x10b: {  	v53 =	vshrl.u32 v53, $0x3  }
0x10c: {  	v55 =	vmov s11;
	v56 =	vld [tilespmem:s0+$0xFFFFFF00];
	v35 =	vadd.s32 v16, v35;
	[tilespmem:v41+s24+$0x0] =	vst.idx.msk $0xffff, v40;
	v57 =	vshrl.u32 v54, $0x3  }
0x10d: {  	v59 =	vld [tilespmem:s0+$0xFFFFFF40];
	v34 =	vadd.s32 v20, v34;
	v60 =	vshrl.u32 v44, $0x3;
	v58 =	vshrl.u32 v55, $0x3;
	[tilespmem:v43+s24+$0x0] =	vst.idx.msk $0xffff, v42  }
0x10e: {  	v37 =	vadd.s32 v24, v37;
	v62 =	vshrl.u32 v47, $0x3;
	v61 =	vld [tilespmem:s0+$0xFFFFFF80];
	v41 =	vshll.u32 v58, v1;
	[tilespmem:v48+s24+$0x0] =	vst.idx.msk $0xffff, v46  }
0x10f: {  	v36 =	vadd.s32 v28, v36;
	v45 =	vbroadcast v45, $0x0;
	v63 =	vld [tilespmem:s0+$0xFFFFFFC0];
	v41 =	vbroadcast v41, $0x0;
	[tilespmem:v51+s24+$0x0] =	vst.idx.msk $0xffff, v49  }
0x110: {  	v33 =	vadd.s32 v4, v33;
	s11 =	sadd.s32 $0x200, s0;
	v38 =	vshrl.u32 v38, $0x3;
	v55 =	vshll.u32 v53, v1;
	v48 =	vld [tilespmem:s0+$0xFFFFFE40];
	[tilespmem:v52+s24+$0x0] =	vst.idx.msk $0xffff, v50  }
0x111: {  	v40 =	vshll.u32 v57, v1;
	v47 =	vbroadcast v55, $0x0;
	v49 =	vld [tilespmem:s11+$0xFFFFFFD0];
	v50 =	vadd.s32 v29, v41;
	[tilespmem:v35+s24+$0x0] =	vst.idx.msk $0xffff, v56  }
0x112: {  	v42 =	vshll.u32 v60, v1;
	v40 =	vbroadcast v40, $0x0;
	v35 =	vld [tilespmem:s11+$0xFFFFFE10];
	v56 =	vadd.s32 v0, v45;
	[tilespmem:v34+s24+$0x0] =	vst.idx.msk $0xffff, v59  }
0x113: {  	v57 =	vld [tilespmem:s11+$0xFFFFFE50];
	v44 =	vshll.u32 v62, v1;
	v42 =	vbroadcast v42, $0x0;
	v58 =	vadd.s32 v5, v47;
	[tilespmem:v37+s24+$0x0] =	vst.idx.msk $0xffff, v61  }
0x114: {  	v38 =	vshll.u32 v38, v1;
	v44 =	vbroadcast v44, $0x0;
	v60 =	vadd.s32 v9, v40;
	v59 =	vld [tilespmem:s11+$0xFFFFFE90];
	[tilespmem:v36+s24+$0x0] =	vst.idx.msk $0xffff, v63  }
0x115: {  	v38 =	vbroadcast v38, $0x0;
	v62 =	vadd.s32 v13, v42;
	v61 =	vld [tilespmem:s11+$0xFFFFFED0];
	[tilespmem:v33+s24+$0x0] =	vst.idx.msk $0xffff, v48  }
0x116: {  	v39 =	vshrl.u32 v39, $0x3;
	v63 =	vadd.s32 v17, v44;
	v33 =	vld [tilespmem:s11+$0xFFFFFF10];
	[tilespmem:v50+s24+$0x0] =	vst.idx.msk $0xffff, v49  }
0x117: {  	v39 =	vshll.u32 v39, v1;
	v34 =	vld [tilespmem:s11+$0xFFFFFF50];
	[tilespmem:v56+s24+$0x0] =	vst.idx.msk $0xffff, v35;
	v56 =	vadd.s32 v21, v38  }
0x118: {  	[tilespmem:v58+s24+$0x0] =	vst.idx.msk $0xffff, v57;
	v35 =	vbroadcast v39, $0x0;
	v49 =	vadd.s32 v30, v41;
	v39 =	vld [tilespmem:s11+$0xFFFFFFE0]  }
0x119: {  	[tilespmem:v60+s24+$0x0] =	vst.idx.msk $0xffff, v59;
	v59 =	vld [tilespmem:s11+$0xFFFFFE60];
	v60 =	vadd.s32 v6, v47  }
0x11a: {  	v57 =	vld [tilespmem:s11+$0xFFFFFF90];
	[tilespmem:v62+s24+$0x0] =	vst.idx.msk $0xffff, v61;
	v58 =	vadd.s32 v25, v35  }
0x11b: {  	v61 =	vld [tilespmem:s11+$0xFFFFFEA0];
	v62 =	vadd.s32 v10, v40;
	[tilespmem:v63+s24+$0x0] =	vst.idx.msk $0xffff, v33  }
0x11c: {  	v33 =	vld [tilespmem:s11+$0xFFFFFEE0];
	v63 =	vadd.s32 v14, v42;
	[tilespmem:v56+s24+$0x0] =	vst.idx.msk $0xffff, v34  }
0x11d: {  	v56 =	vadd.s32 v18, v44;
	[tilespmem:v49+s24+$0x0] =	vst.idx.msk $0xffff, v39;
	v49 =	vld [tilespmem:s11+$0xFFFFFF20]  }
0x11e: {  	[tilespmem:v60+s24+$0x0] =	vst.idx.msk $0xffff, v59;
	v39 =	vadd.s32 v31, v41;
	v34 =	vld [tilespmem:s11+$0xFFFFFFF0]  }
0x11f: {  	[tilespmem:v58+s24+$0x0] =	vst.idx.msk $0xffff, v57;
	v57 =	vld [tilespmem:s11+$0xFFFFFF60];
	v58 =	vadd.s32 v22, v38  }
0x120: {  	[tilespmem:v62+s24+$0x0] =	vst.idx.msk $0xffff, v61;
	v61 =	vld [tilespmem:s11+$0xFFFFFE20];
	v62 =	vadd.s32 v2, v45  }
0x121: {  	v60 =	vadd.s32 v26, v35;
	v59 =	vld [tilespmem:s11+$0xFFFFFFA0];
	[tilespmem:v63+s24+$0x0] =	vst.idx.msk $0xffff, v33  }
0x122: {  	v55 =	vadd.s32 v11, v40;
	v54 =	vadd.s32 v32, v41;
	v41 =	vld [tilespmem:s11+$0xFFFFFEB0];
	[tilespmem:v56+s24+$0x0] =	vst.idx.msk $0xffff, v49  }
0x123: {  	v53 =	vadd.s32 v7, v47;
	v63 =	vld [tilespmem:s11+$0xFFFFFE70];
	[tilespmem:v39+s24+$0x0] =	vst.idx.msk $0xffff, v34  }
0x124: {  	v56 =	vld [tilespmem:s11+$0xFFFFFEF0];
	[tilespmem:v58+s24+$0x0] =	vst.idx.msk $0xffff, v57;
	v57 =	vadd.s32 v15, v42  }
0x125: {  	[tilespmem:v62+s24+$0x0] =	vst.idx.msk $0xffff, v61;
	v34 =	vld [tilespmem:s11+$0x0]  }
0x126: {  	v58 =	vld [tilespmem:s11+$0xFFFFFF30];
	[tilespmem:v60+s24+$0x0] =	vst.idx.msk $0xffff, v59;
	v59 =	vadd.s32 v19, v44  }
0x127: {  	v61 =	vadd.s32 v23, v38;
	[tilespmem:v55+s24+$0x0] =	vst.idx.msk $0xffff, v41;
	v60 =	vld [tilespmem:s11+$0xFFFFFF70]  }
0x128: {  	[tilespmem:v53+s24+$0x0] =	vst.idx.msk $0xffff, v63;
	v63 =	vadd.s32 v27, v35;
	v62 =	vld [tilespmem:s11+$0xFFFFFFB0]  }
0x129: {  	v47 =	vadd.s32 v8, v47;
	v55 =	vld [tilespmem:s11+$0xFFFFFE80];
	[tilespmem:v57+s24+$0x0] =	vst.idx.msk $0xffff, v56  }
0x12a: {  	v53 =	vld [tilespmem:s11+$0xFFFFFE30];
	[tilespmem:v54+s24+$0x0] =	vst.idx.msk $0xffff, v34;
	v54 =	vadd.s32 v3, v45  }
0x12b: {  	v40 =	vadd.s32 v12, v40;
	v56 =	vld [tilespmem:s11+$0xFFFFFEC0];
	[tilespmem:v59+s24+$0x0] =	vst.idx.msk $0xffff, v58  }
0x12c: {  	v42 =	vadd.s32 v16, v42;
	v57 =	vld [tilespmem:s11+$0xFFFFFF00];
	[tilespmem:v61+s24+$0x0] =	vst.idx.msk $0xffff, v60  }
0x12d: {  	v59 =	vadd.s32 v20, v44;
	v58 =	vld [tilespmem:s11+$0xFFFFFF40];
	[tilespmem:v63+s24+$0x0] =	vst.idx.msk $0xffff, v62  }
0x12e: {  	v38 =	vadd.s32 v24, v38;
	v60 =	vld [tilespmem:s11+$0xFFFFFF80];
	[tilespmem:v47+s24+$0x0] =	vst.idx.msk $0xffff, v55  }
0x12f: {  	v35 =	vadd.s32 v28, v35;
	v61 =	vld [tilespmem:s11+$0xFFFFFFC0];
	[tilespmem:v54+s24+$0x0] =	vst.idx.msk $0xffff, v53  }
0x130: {  	v63 =	vadd.s32 v4, v45;
	[tilespmem:v40+s24+$0x0] =	vst.idx.msk $0xffff, v56;
	v62 =	vld [tilespmem:s11+$0xFFFFFE40]  }
0x131: {  	[tilespmem:v42+s24+$0x0] =	vst.idx.msk $0xffff, v57  }
0x132: {  	s0 =	sshll.u32 s30, $0x14;
	[tilespmem:v59+s24+$0x0] =	vst.idx.msk $0xffff, v58  }
0x133: {  	s2 =	sor.u32 s8, s0;
	[tilespmem:v38+s24+$0x0] =	vst.idx.msk $0xffff, v60  }
0x134: {  	s2 =	sshrl.u32 s2, $0x3;
	[tilespmem:v35+s24+$0x0] =	vst.idx.msk $0xffff, v61  }
0x135: {  	s12 =	simm.s32 $0x10600;
	s11 =	sadd.s32 s1, s2;
	[tilespmem:v63+s24+$0x0] =	vst.idx.msk $0xffff, v62  }
0x136: {  	[hbm4b:s11+s3] =	stream.linear.scatter [tilespmem:s12], [sflag:$0x6], $0x80, $0x38;
	[tilespmem:$0x12800] =	vst v63  }
0x137: {  	s16 =	simm.s32 $0x10688;
	s12 =	sadd.s32 $0x10, s11  }
0x138: {  	[hbm4b:s12+s3] =	stream.linear.scatter [tilespmem:s16], [sflag:$0x6], $0x80, $0x38;
	[tilespmem:$0x12800] =	vst v63  }
0x139: {  	s17 =	simm.s32 $0x10710;
	s18 =	sadd.s32 $0x20, s11  }
0x13a: {  	[hbm4b:s18+s3] =	stream.linear.scatter [tilespmem:s17], [sflag:$0x6], $0x80, $0x38;
	[tilespmem:$0x12800] =	vst v63  }
0x13b: {  	s12 =	simm.s32 $0x10798;
	s16 =	sadd.s32 $0x30, s11  }
0x13c: {  	[hbm4b:s16+s3] =	stream.linear.scatter [tilespmem:s12], [sflag:$0x6], $0x80, $0x38;
	[tilespmem:$0x12800] =	vst v63  }
0x13d: {  	s17 =	simm.s32 $0x10820;
	s18 =	sadd.s32 $0x40, s11  }
0x13e: {  	[hbm4b:s18+s3] =	stream.linear.scatter [tilespmem:s17], [sflag:$0x6], $0x80, $0x38;
	[tilespmem:$0x12800] =	vst v63  }
0x13f: {  	s2 =	simm.s32 $0x440;
	s12 =	simm.s32 $0x108A8;
	s16 =	sadd.s32 $0x50, s11  }
0x140: {  	[hbm4b:s16+s3] =	stream.linear.scatter [tilespmem:s12], [sflag:$0x6], $0x80, $0x38;
	[tilespmem:$0x12800] =	vst v63  }
0x141: {  	s17 =	simm.s32 $0x10930;
	s18 =	sadd.s32 $0x60, s11;
	s12 =	simm.s32 $0x2200  }
0x142: {  	[hbm4b:s18+s3] =	stream.linear.scatter [tilespmem:s17], [sflag:$0x6], $0x80, $0x38;
	[tilespmem:$0x12800] =	vst v63  }
0x143: {  	s16 =	simm.s32 $0x109B8;
	s17 =	sadd.s32 $0x70, s11;
	s11 =	sadd.s32 $0x4000, s11  }
.LBB2_13:
0x144: {  	[hbm4b:s17+s3] =	stream.linear.scatter [tilespmem:s16], [sflag:$0x6], $0x80, $0x38;
	[tilespmem:$0x12800] =	vst v63  }
0x145: {  	s16 =	smov.u32 s2;
	s2 =	smov.u32 s12  }
0x146: {  	s18 =	sadd.s32 $0x1100, s12;
	s2 =	sshra.s32 s2, $0x2;
	s17 =	sadd.s32 $0x10600, s16  }
0x147: {  	[hbm4b:s11+s3] =	stream.linear.scatter [tilespmem:s17], [sflag:$0x6], $0x80, $0x38;
	[tilespmem:$0x12800] =	vst v63  }
0x148: {  	p0 =	sne.s32 s12, $0x7700;
	s12 =	sadd.s32 $0x10688, s16;
	s17 =	sadd.s32 $0x10, s11  }
0x149: {  	[hbm4b:s17+s3] =	stream.linear.scatter [tilespmem:s12], [sflag:$0x6], $0x80, $0x38;
	[tilespmem:$0x12800] =	vst v63  }
0x14a: {  	s12 =	sadd.s32 $0x10710, s16;
	s17 =	sadd.s32 $0x20, s11  }
0x14b: {  	[hbm4b:s17+s3] =	stream.linear.scatter [tilespmem:s12], [sflag:$0x6], $0x80, $0x38;
	[tilespmem:$0x12800] =	vst v63  }
0x14c: {  	s12 =	sadd.s32 $0x10798, s16;
	s17 =	sadd.s32 $0x30, s11  }
0x14d: {  	[hbm4b:s17+s3] =	stream.linear.scatter [tilespmem:s12], [sflag:$0x6], $0x80, $0x38;
	[tilespmem:$0x12800] =	vst v63  }
0x14e: {  	s12 =	sadd.s32 $0x10820, s16;
	s17 =	sadd.s32 $0x40, s11  }
0x14f: {  	[hbm4b:s17+s3] =	stream.linear.scatter [tilespmem:s12], [sflag:$0x6], $0x80, $0x38;
	[tilespmem:$0x12800] =	vst v63  }
.Ltmp6:
0x150: {  	s12 =	sadd.s32 $0x108A8, s16;
	s17 =	sadd.s32 $0x50, s11;
	(pc) =	sbr.rel @p0 .LBB2_13-.Ltmp6, $4  }
0x151: {  	[hbm4b:s17+s3] =	stream.linear.scatter [tilespmem:s12], [sflag:$0x6], $0x80, $0x38;
	[tilespmem:$0x12800] =	vst v63  }
0x152: {  	s12 =	sadd.s32 $0x10930, s16;
	s17 =	sadd.s32 $0x60, s11;
	s16 =	sadd.s32 $0x109B8, s16  }
0x153: {  	[hbm4b:s17+s3] =	stream.linear.scatter [tilespmem:s12], [sflag:$0x6], $0x80, $0x38;
	[tilespmem:$0x12800] =	vst v63  }
0x154: {  	s17 =	sadd.s32 $0x70, s11;
	s11 =	sadd.s32 $0x4000, s11;
	s12 =	smov.u32 s18  }
0x155: {  	[hbm4b:s17+s3] =	stream.linear.scatter [tilespmem:s16], [sflag:$0x6], $0x80, $0x38;
	[tilespmem:$0x12800] =	vst v63  }
0x156: {  	s12 =	sadd.s32 $0x10600, s2  }
0x157: {  	[hbm4b:s11+s3] =	stream.linear.scatter [tilespmem:s12], [sflag:$0x6], $0x80, $0x38;
	[tilespmem:$0x12800] =	vst v63  }
0x158: {  	s17 =	sadd.s32 $0x10688, s2;
	s18 =	sadd.s32 $0x10, s11  }
0x159: {  	[hbm4b:s18+s3] =	stream.linear.scatter [tilespmem:s17], [sflag:$0x6], $0x80, $0x38;
	[tilespmem:$0x12800] =	vst v63  }
0x15a: {  	s17 =	sadd.s32 $0x10710, s2;
	s18 =	sadd.s32 $0x20, s11  }
0x15b: {  	[hbm4b:s18+s3] =	stream.linear.scatter [tilespmem:s17], [sflag:$0x6], $0x80, $0x38;
	[tilespmem:$0x12800] =	vst v63  }
0x15c: {  	s16 =	sadd.s32 $0x10930, s2;
	s17 =	sadd.s32 $0x10798, s2;
	s18 =	sadd.s32 $0x30, s11  }
0x15d: {  	[hbm4b:s18+s3] =	stream.linear.scatter [tilespmem:s17], [sflag:$0x6], $0x80, $0x38;
	[tilespmem:$0x12800] =	vst v63  }
0x15e: {  	p0 =	seq.s32 s30, $0x31;
	s17 =	sadd.s32 $0x10820, s2;
	s18 =	sadd.s32 $0x40, s11  }
0x15f: {  	[hbm4b:s18+s3] =	stream.linear.scatter [tilespmem:s17], [sflag:$0x6], $0x80, $0x38;
	[tilespmem:$0x12800] =	vst v63  }
0x160: {  	s12 =	sadd.s32 $0x70, s11;
	s17 =	sadd.s32 $0x108A8, s2;
	s18 =	sadd.s32 $0x50, s11  }
0x161: {  	[hbm4b:s18+s3] =	stream.linear.scatter [tilespmem:s17], [sflag:$0x6], $0x80, $0x38;
	[tilespmem:$0x12800] =	vst v63  }
0x162: {  	s17 =	sadd.s32 $0x60, s11;
	s18 =	sadd.s32 $0x109B8, s2;
	s2 =	sadd.s32 @!p0 $0x280, s31  }
0x163: {  	[hbm4b:s17+s3] =	stream.linear.scatter [tilespmem:s16], [sflag:$0x6], $0x80, $0x38;
	[tilespmem:$0x12800] =	vst v63  }
0x164: {  	s11 =	simm.s32 @!p0 $0x80;
	s16 =	simm.s32 $0x0;
	s17 =	simm.s32 $0x1  }
0x165: {  	[hbm4b:s12+s3] =	stream.linear.scatter [tilespmem:s18], [sflag:$0x6], $0x80, $0x38;
	[tilespmem:$0x12800] =	vst v63  }
0x166: {  	v33 =	vmov s16;
	v34 =	vmov s17;
	s16 =	simm.s32 $0x4;
	s17 =	simm.s32 $0x7;
	s12 =	simm.s32 @!p0 $0x8400  }
0x167: {  	v33 =	vshrl.u32 v33, $0x3;
	[tilespmem:s12], [sflag:$0x2] =	stream.indirect.gather @!p0 [hbm4b:s4+s11], $0x40, s2, s11, $0xb8;
	[tilespmem:$0x12800] =	vst v63  }
0x168: {  	s18 =	simm.s32 $0x2;
	v37 =	vmov s16;
	v38 =	vmov s17;
	v34 =	vshrl.u32 v34, $0x3;
	_ =	swait.ge [sflag:s25], $0x2000  }
0x169: {  	v35 =	vmov s18;
	s18 =	simm.s32 $0x5;
	v33 =	vshll.u32 v33, v1;
	v38 =	vshrl.u32 v38, $0x3;
	[sflag:s25] =	ssyncset.done $0x0  }
0x16a: {  	v37 =	vshrl.u32 v37, $0x3;
	v34 =	vshll.u32 v34, v1;
	v39 =	vmov s18;
	[sflag:s25] =	ssyncadd.s32 $0xFFFFE000  }
0x16b: {  	v38 =	vshll.u32 v38, v1;
	v35 =	vshrl.u32 v35, $0x3;
	v33 =	vbroadcast v33, $0x0;
	_ =	swait.ge [sflag:s26], $0x2000  }
0x16c: {  	s12 =	simm.s32 $0x3;
	s11 =	simm.s32 $0x6;
	v45 =	vbroadcast v34, $0x0;
	v54 =	vshll.u32 v37, v1;
	v38 =	vbroadcast v38, $0x0;
	[sflag:s26] =	ssyncset.done $0x0  }
0x16d: {  	s2 =	simm.s32 $0xA5F0;
	v36 =	vmov s12;
	v40 =	vmov s11;
	v52 =	vshll.u32 v35, v1;
	[sflag:s26] =	ssyncadd.s32 $0xFFFFE000  }
0x16e: {  	v34 =	vbroadcast v54, $0x0;
	v36 =	vshrl.u32 v36, $0x3;
	v42 =	vadd.s32 v29, v38;
	v41 =	vld [tilespmem:s2+$0xFFFFFFD0]  }
0x16f: {  	v44 =	vadd.s32 v0, v33;
	v52 =	vbroadcast v52, $0x0;
	v53 =	vshll.u32 v36, v1;
	v43 =	vld [tilespmem:s2+$0xFFFFFE10]  }
0x170: {  	v55 =	vshrl.u32 v39, $0x3;
	v47 =	vadd.s32 v5, v45;
	v35 =	vbroadcast v53, $0x0;
	v46 =	vld [tilespmem:s2+$0xFFFFFE50]  }
0x171: {  	v40 =	vshrl.u32 v40, $0x3;
	v36 =	vshll.u32 v55, v1;
	v49 =	vadd.s32 v9, v52;
	v48 =	vld [tilespmem:s2+$0xFFFFFE90]  }
0x172: {  	v56 =	vshll.u32 v40, v1;
	v37 =	vbroadcast v36, $0x0;
	v50 =	vadd.s32 v13, v35;
	v39 =	vld [tilespmem:s2+$0xFFFFFED0]  }
0x173: {  	v53 =	vadd.s32 v17, v34;
	v36 =	vbroadcast v56, $0x0;
	v51 =	vld [tilespmem:s2+$0xFFFFFF10];
	[tilespmem:v42+s21+$0x0] =	vst.idx.msk $0xffff, v41  }
0x174: {  	v60 =	vadd.s32 v21, v37;
	v59 =	vld [tilespmem:s2+$0xFFFFFF50];
	[tilespmem:v44+s21+$0x0] =	vst.idx.msk $0xffff, v43  }
0x175: {  	v62 =	vadd.s32 v25, v36;
	v61 =	vld [tilespmem:s2+$0xFFFFFF90];
	[tilespmem:v47+s21+$0x0] =	vst.idx.msk $0xffff, v46  }
0x176: {  	v58 =	vadd.s32 v30, v38;
	[tilespmem:v49+s21+$0x0] =	vst.idx.msk $0xffff, v48;
	v57 =	vld [tilespmem:s2+$0xFFFFFFE0]  }
0x177: {  	v63 =	vadd.s32 v6, v45;
	[tilespmem:v50+s21+$0x0] =	vst.idx.msk $0xffff, v39;
	v47 =	vld [tilespmem:s2+$0xFFFFFE60]  }
0x178: {  	v55 =	vadd.s32 v10, v52;
	[tilespmem:v53+s21+$0x0] =	vst.idx.msk $0xffff, v51;
	v54 =	vld [tilespmem:s2+$0xFFFFFEA0]  }
0x179: {  	v56 =	vadd.s32 v14, v35;
	[tilespmem:v60+s21+$0x0] =	vst.idx.msk $0xffff, v59;
	v50 =	vld [tilespmem:s2+$0xFFFFFEE0]  }
0x17a: {  	[tilespmem:v62+s21+$0x0] =	vst.idx.msk $0xffff, v61;
	v46 =	vadd.s32 v22, v37;
	v44 =	vld [tilespmem:s2+$0xFFFFFF60]  }
0x17b: {  	v59 =	vadd.s32 v18, v34;
	[tilespmem:v58+s21+$0x0] =	vst.idx.msk $0xffff, v57;
	v58 =	vld [tilespmem:s2+$0xFFFFFF20]  }
0x17c: {  	v57 =	vadd.s32 v31, v38;
	[tilespmem:v63+s21+$0x0] =	vst.idx.msk $0xffff, v47;
	v40 =	vld [tilespmem:s2+$0xFFFFFFF0]  }
0x17d: {  	v62 =	vadd.s32 v2, v33;
	v61 =	vld [tilespmem:s2+$0xFFFFFE20];
	[tilespmem:v55+s21+$0x0] =	vst.idx.msk $0xffff, v54  }
0x17e: {  	v60 =	vadd.s32 v26, v36;
	v63 =	vld [tilespmem:s2+$0xFFFFFFA0];
	[tilespmem:v56+s21+$0x0] =	vst.idx.msk $0xffff, v50  }
0x17f: {  	v51 =	vadd.s32 v7, v45;
	[tilespmem:v46+s21+$0x0] =	vst.idx.msk $0xffff, v44;
	v50 =	vld [tilespmem:s2+$0xFFFFFE70]  }
0x180: {  	v56 =	vadd.s32 v11, v52;
	v55 =	vld [tilespmem:s2+$0xFFFFFEB0];
	[tilespmem:v59+s21+$0x0] =	vst.idx.msk $0xffff, v58  }
0x181: {  	v58 =	vadd.s32 v15, v35;
	[tilespmem:v57+s21+$0x0] =	vst.idx.msk $0xffff, v40;
	v57 =	vld [tilespmem:s2+$0xFFFFFEF0]  }
0x182: {  	v38 =	vadd.s32 v32, v38;
	[tilespmem:v62+s21+$0x0] =	vst.idx.msk $0xffff, v61;
	v54 =	vld [tilespmem:s2+$0x0]  }
0x183: {  	s16 =	simm.s32 $0x9;
	[tilespmem:v60+s21+$0x0] =	vst.idx.msk $0xffff, v63;
	v60 =	vadd.s32 v19, v34;
	v59 =	vld [tilespmem:s2+$0xFFFFFF30]  }
0x184: {  	s18 =	simm.s32 $0xB;
	v41 =	vadd.s32 v23, v37;
	v53 =	vmov s16;
	[tilespmem:v51+s21+$0x0] =	vst.idx.msk $0xffff, v50;
	v40 =	vld [tilespmem:s2+$0xFFFFFF70]  }
0x185: {  	s12 =	simm.s32 $0x8;
	v43 =	vadd.s32 v27, v36;
	s16 =	simm.s32 $0xC;
	v48 =	vadd.s32 v3, v33;
	v44 =	vmov s18;
	v42 =	vld [tilespmem:s2+$0xFFFFFFB0];
	[tilespmem:v56+s21+$0x0] =	vst.idx.msk $0xffff, v55  }
0x186: {  	s17 =	simm.s32 $0xA;
	v47 =	vmov s16;
	v52 =	vadd.s32 v12, v52;
	v46 =	vld [tilespmem:s2+$0xFFFFFE30];
	v63 =	vmov s12;
	[tilespmem:v58+s21+$0x0] =	vst.idx.msk $0xffff, v57  }
0x187: {  	s18 =	simm.s32 $0xE;
	v39 =	vshrl.u32 v63, $0x3;
	v51 =	vadd.s32 v8, v45;
	v49 =	vld [tilespmem:s2+$0xFFFFFE80];
	[tilespmem:v38+s21+$0x0] =	vst.idx.msk $0xffff, v54;
	v54 =	vmov s17;
	s17 =	simm.s32 $0xD  }
0x188: {  	s11 =	simm.s32 $0x10;
	s12 =	simm.s32 $0xF;
	v45 =	vshll.u32 v39, v1;
	v39 =	vmov s18;
	v50 =	vld [tilespmem:s2+$0xFFFFFEC0];
	[tilespmem:v60+s21+$0x0] =	vst.idx.msk $0xffff, v59;
	v38 =	vmov s17  }
.LBB2_15:
0x189: {  	p1 =	slt.u32 s11, $0x78;
	v53 =	vshrl.u32 v53, $0x3;
	v55 =	vmov s12;
	v56 =	vld [tilespmem:s2+$0xFFFFFF00];
	v35 =	vadd.s32 v16, v35;
	[tilespmem:v41+s21+$0x0] =	vst.idx.msk $0xffff, v40  }
0x18a: {  	v40 =	vshrl.u32 v54, $0x3;
	v34 =	vadd.s32 v20, v34;
	v41 =	vshrl.u32 v55, $0x3;
	v54 =	vld [tilespmem:s2+$0xFFFFFF40];
	[tilespmem:v43+s21+$0x0] =	vst.idx.msk $0xffff, v42  }
0x18b: {  	v37 =	vadd.s32 v24, v37;
	v42 =	vshrl.u32 v44, $0x3;
	v41 =	vshll.u32 v41, v1;
	[tilespmem:v48+s21+$0x0] =	vst.idx.msk $0xffff, v46;
	v43 =	vld [tilespmem:s2+$0xFFFFFF80]  }
0x18c: {  	v36 =	vadd.s32 v28, v36;
	v44 =	vshrl.u32 v47, $0x3;
	v41 =	vbroadcast v41, $0x0;
	[tilespmem:v51+s21+$0x0] =	vst.idx.msk $0xffff, v49;
	v46 =	vld [tilespmem:s2+$0xFFFFFFC0]  }
0x18d: {  	v47 =	vshll.u32 v53, v1;
	v49 =	vadd.s32 v4, v33;
	v33 =	vbroadcast v45, $0x0;
	v48 =	vld [tilespmem:s2+$0xFFFFFE40];
	[tilespmem:v52+s21+$0x0] =	vst.idx.msk $0xffff, v50;
	s2 =	sadd.s32 $0x200, s2  }
0x18e: {  	v40 =	vshll.u32 v40, v1;
	v45 =	vbroadcast v47, $0x0;
	v47 =	vld [tilespmem:s2+$0xFFFFFFD0];
	v50 =	vadd.s32 v29, v41;
	[tilespmem:v35+s21+$0x0] =	vst.idx.msk $0xffff, v56  }
0x18f: {  	v55 =	vbroadcast v40, $0x0;
	v52 =	vadd.s32 v0, v33;
	v35 =	vshll.u32 v42, v1;
	v51 =	vld [tilespmem:s2+$0xFFFFFE10];
	[tilespmem:v34+s21+$0x0] =	vst.idx.msk $0xffff, v54  }
0x190: {  	v42 =	vadd.s32 v5, v45;
	v35 =	vbroadcast v35, $0x0;
	v34 =	vshll.u32 v44, v1;
	v40 =	vld [tilespmem:s2+$0xFFFFFE50];
	[tilespmem:v37+s21+$0x0] =	vst.idx.msk $0xffff, v43  }
0x191: {  	v44 =	vadd.s32 v9, v55;
	v34 =	vbroadcast v34, $0x0;
	v37 =	vshrl.u32 v38, $0x3;
	v43 =	vld [tilespmem:s2+$0xFFFFFE90];
	[tilespmem:v36+s21+$0x0] =	vst.idx.msk $0xffff, v46  }
0x192: {  	v39 =	vshrl.u32 v39, $0x3;
	v46 =	vadd.s32 v13, v35;
	v36 =	vshll.u32 v37, v1;
	v38 =	vld [tilespmem:s2+$0xFFFFFED0];
	[tilespmem:v49+s21+$0x0] =	vst.idx.msk $0xffff, v48  }
0x193: {  	v49 =	vadd.s32 v17, v34;
	v37 =	vbroadcast v36, $0x0;
	v36 =	vshll.u32 v39, v1;
	v48 =	vld [tilespmem:s2+$0xFFFFFF10];
	[tilespmem:v50+s21+$0x0] =	vst.idx.msk $0xffff, v47  }
0x194: {  	v36 =	vbroadcast v36, $0x0;
	v47 =	vadd.s32 v30, v41;
	[tilespmem:v52+s21+$0x0] =	vst.idx.msk $0xffff, v51;
	v39 =	vld [tilespmem:s2+$0xFFFFFFE0]  }
0x195: {  	[tilespmem:v42+s21+$0x0] =	vst.idx.msk $0xffff, v40;
	v40 =	vld [tilespmem:s2+$0xFFFFFF50];
	v42 =	vadd.s32 v21, v37  }
0x196: {  	[tilespmem:v44+s21+$0x0] =	vst.idx.msk $0xffff, v43;
	v43 =	vld [tilespmem:s2+$0xFFFFFF90];
	v44 =	vadd.s32 v25, v36  }
0x197: {  	v51 =	vadd.s32 v6, v45;
	v50 =	vld [tilespmem:s2+$0xFFFFFE60];
	[tilespmem:v46+s21+$0x0] =	vst.idx.msk $0xffff, v38  }
0x198: {  	v46 =	vadd.s32 v10, v55;
	v38 =	vld [tilespmem:s2+$0xFFFFFEA0];
	[tilespmem:v49+s21+$0x0] =	vst.idx.msk $0xffff, v48  }
0x199: {  	v49 =	vadd.s32 v14, v35;
	v48 =	vld [tilespmem:s2+$0xFFFFFEE0];
	[tilespmem:v47+s21+$0x0] =	vst.idx.msk $0xffff, v39  }
0x19a: {  	[tilespmem:v42+s21+$0x0] =	vst.idx.msk $0xffff, v40;
	v39 =	vld [tilespmem:s2+$0xFFFFFFF0];
	v40 =	vadd.s32 v31, v41  }
0x19b: {  	v47 =	vadd.s32 v18, v34;
	v42 =	vld [tilespmem:s2+$0xFFFFFF20];
	[tilespmem:v44+s21+$0x0] =	vst.idx.msk $0xffff, v43  }
0x19c: {  	v44 =	vadd.s32 v22, v37;
	[tilespmem:v51+s21+$0x0] =	vst.idx.msk $0xffff, v50;
	v43 =	vld [tilespmem:s2+$0xFFFFFF60]  }
0x19d: {  	[tilespmem:v46+s21+$0x0] =	vst.idx.msk $0xffff, v38;
	v38 =	vld [tilespmem:s2+$0xFFFFFFA0];
	v46 =	vadd.s32 v26, v36  }
0x19e: {  	v51 =	vadd.s32 v2, v33;
	v50 =	vld [tilespmem:s2+$0xFFFFFE20];
	[tilespmem:v49+s21+$0x0] =	vst.idx.msk $0xffff, v48  }
0x19f: {  	v49 =	vadd.s32 v7, v45;
	v48 =	vld [tilespmem:s2+$0xFFFFFE70];
	[tilespmem:v40+s21+$0x0] =	vst.idx.msk $0xffff, v39  }
0x1a0: {  	[tilespmem:v47+s21+$0x0] =	vst.idx.msk $0xffff, v42;
	v39 =	vld [tilespmem:s2+$0x0];
	v47 =	vadd.s32 v32, v41  }
0x1a1: {  	v56 =	vadd.s32 v11, v55;
	v52 =	vld [tilespmem:s2+$0xFFFFFEB0];
	[tilespmem:v44+s21+$0x0] =	vst.idx.msk $0xffff, v43  }
0x1a2: {  	v58 =	vadd.s32 v15, v35;
	v57 =	vld [tilespmem:s2+$0xFFFFFEF0];
	[tilespmem:v46+s21+$0x0] =	vst.idx.msk $0xffff, v38  }
0x1a3: {  	v60 =	vadd.s32 v19, v34;
	[tilespmem:v51+s21+$0x0] =	vst.idx.msk $0xffff, v50;
	v59 =	vld [tilespmem:s2+$0xFFFFFF30]  }
.Ltmp7:
0x1a4: {  	s12 =	sadd.s32 $0x1, s11;
	v41 =	vadd.s32 v23, v37;
	v38 =	vmov s11;
	[tilespmem:v49+s21+$0x0] =	vst.idx.msk $0xffff, v48;
	v40 =	vld [tilespmem:s2+$0xFFFFFF70];
	(pc) =	sbr.rel @p1 .LBB2_15-.Ltmp7, $4  }
0x1a5: {  	s16 =	sadd.s32 $0x3, s11;
	v53 =	vmov s12;
	s12 =	sadd.s32 $0x2, s11;
	v43 =	vadd.s32 v27, v36;
	v50 =	vshrl.u32 v38, $0x3;
	v42 =	vld [tilespmem:s2+$0xFFFFFFB0];
	[tilespmem:v47+s21+$0x0] =	vst.idx.msk $0xffff, v39  }
0x1a6: {  	v54 =	vmov s12;
	s12 =	sadd.s32 $0x4, s11;
	v44 =	vmov s16;
	s16 =	sadd.s32 $0x5, s11;
	v48 =	vadd.s32 v3, v33;
	v46 =	vld [tilespmem:s2+$0xFFFFFE30];
	[tilespmem:v56+s21+$0x0] =	vst.idx.msk $0xffff, v52  }
0x1a7: {  	v38 =	vmov s16;
	v51 =	vadd.s32 v8, v45;
	v47 =	vmov s12;
	s12 =	sadd.s32 $0x6, s11;
	v49 =	vld [tilespmem:s2+$0xFFFFFE80];
	[tilespmem:v58+s21+$0x0] =	vst.idx.msk $0xffff, v57  }
0x1a8: {  	v45 =	vshll.u32 v50, v1;
	v39 =	vmov s12;
	s12 =	sadd.s32 $0x7, s11;
	s11 =	sadd.s32 $0x8, s11;
	v52 =	vadd.s32 v12, v55;
	v50 =	vld [tilespmem:s2+$0xFFFFFEC0];
	[tilespmem:v60+s21+$0x0] =	vst.idx.msk $0xffff, v59  }
0x1a9: {  	_ =	sdelay $0x2  }
0x1aa: {  	v53 =	vshrl.u32 v53, $0x3  }
0x1ab: {  	v55 =	vmov s12;
	v56 =	vld [tilespmem:s2+$0xFFFFFF00];
	v35 =	vadd.s32 v16, v35;
	[tilespmem:v41+s21+$0x0] =	vst.idx.msk $0xffff, v40;
	v57 =	vshrl.u32 v54, $0x3  }
0x1ac: {  	v59 =	vld [tilespmem:s2+$0xFFFFFF40];
	v34 =	vadd.s32 v20, v34;
	v60 =	vshrl.u32 v44, $0x3;
	v58 =	vshrl.u32 v55, $0x3;
	[tilespmem:v43+s21+$0x0] =	vst.idx.msk $0xffff, v42  }
0x1ad: {  	v37 =	vadd.s32 v24, v37;
	v62 =	vshrl.u32 v47, $0x3;
	v61 =	vld [tilespmem:s2+$0xFFFFFF80];
	v41 =	vshll.u32 v58, v1;
	[tilespmem:v48+s21+$0x0] =	vst.idx.msk $0xffff, v46  }
0x1ae: {  	v36 =	vadd.s32 v28, v36;
	v45 =	vbroadcast v45, $0x0;
	v63 =	vld [tilespmem:s2+$0xFFFFFFC0];
	v41 =	vbroadcast v41, $0x0;
	[tilespmem:v51+s21+$0x0] =	vst.idx.msk $0xffff, v49  }
0x1af: {  	v33 =	vadd.s32 v4, v33;
	s16 =	sadd.s32 $0x200, s2;
	v38 =	vshrl.u32 v38, $0x3;
	v55 =	vshll.u32 v53, v1;
	v48 =	vld [tilespmem:s2+$0xFFFFFE40];
	[tilespmem:v52+s21+$0x0] =	vst.idx.msk $0xffff, v50  }
0x1b0: {  	v40 =	vshll.u32 v57, v1;
	v47 =	vbroadcast v55, $0x0;
	v49 =	vld [tilespmem:s16+$0xFFFFFFD0];
	v50 =	vadd.s32 v29, v41;
	[tilespmem:v35+s21+$0x0] =	vst.idx.msk $0xffff, v56  }
0x1b1: {  	v42 =	vshll.u32 v60, v1;
	v40 =	vbroadcast v40, $0x0;
	v35 =	vld [tilespmem:s16+$0xFFFFFE10];
	v56 =	vadd.s32 v0, v45;
	[tilespmem:v34+s21+$0x0] =	vst.idx.msk $0xffff, v59  }
0x1b2: {  	v57 =	vld [tilespmem:s16+$0xFFFFFE50];
	v44 =	vshll.u32 v62, v1;
	v42 =	vbroadcast v42, $0x0;
	v58 =	vadd.s32 v5, v47;
	[tilespmem:v37+s21+$0x0] =	vst.idx.msk $0xffff, v61  }
0x1b3: {  	v38 =	vshll.u32 v38, v1;
	v44 =	vbroadcast v44, $0x0;
	v60 =	vadd.s32 v9, v40;
	v59 =	vld [tilespmem:s16+$0xFFFFFE90];
	[tilespmem:v36+s21+$0x0] =	vst.idx.msk $0xffff, v63  }
0x1b4: {  	v38 =	vbroadcast v38, $0x0;
	v62 =	vadd.s32 v13, v42;
	v61 =	vld [tilespmem:s16+$0xFFFFFED0];
	[tilespmem:v33+s21+$0x0] =	vst.idx.msk $0xffff, v48  }
0x1b5: {  	v39 =	vshrl.u32 v39, $0x3;
	v63 =	vadd.s32 v17, v44;
	v33 =	vld [tilespmem:s16+$0xFFFFFF10];
	[tilespmem:v50+s21+$0x0] =	vst.idx.msk $0xffff, v49  }
0x1b6: {  	v39 =	vshll.u32 v39, v1;
	v34 =	vld [tilespmem:s16+$0xFFFFFF50];
	[tilespmem:v56+s21+$0x0] =	vst.idx.msk $0xffff, v35;
	v56 =	vadd.s32 v21, v38  }
0x1b7: {  	[tilespmem:v58+s21+$0x0] =	vst.idx.msk $0xffff, v57;
	v35 =	vbroadcast v39, $0x0;
	v49 =	vadd.s32 v30, v41;
	v39 =	vld [tilespmem:s16+$0xFFFFFFE0]  }
0x1b8: {  	[tilespmem:v60+s21+$0x0] =	vst.idx.msk $0xffff, v59;
	v59 =	vld [tilespmem:s16+$0xFFFFFE60];
	v60 =	vadd.s32 v6, v47  }
0x1b9: {  	v57 =	vld [tilespmem:s16+$0xFFFFFF90];
	[tilespmem:v62+s21+$0x0] =	vst.idx.msk $0xffff, v61;
	v58 =	vadd.s32 v25, v35  }
0x1ba: {  	v61 =	vld [tilespmem:s16+$0xFFFFFEA0];
	v62 =	vadd.s32 v10, v40;
	[tilespmem:v63+s21+$0x0] =	vst.idx.msk $0xffff, v33  }
0x1bb: {  	v33 =	vld [tilespmem:s16+$0xFFFFFEE0];
	v63 =	vadd.s32 v14, v42;
	[tilespmem:v56+s21+$0x0] =	vst.idx.msk $0xffff, v34  }
0x1bc: {  	v56 =	vadd.s32 v18, v44;
	[tilespmem:v49+s21+$0x0] =	vst.idx.msk $0xffff, v39;
	v49 =	vld [tilespmem:s16+$0xFFFFFF20]  }
0x1bd: {  	[tilespmem:v60+s21+$0x0] =	vst.idx.msk $0xffff, v59;
	v39 =	vadd.s32 v31, v41;
	v34 =	vld [tilespmem:s16+$0xFFFFFFF0]  }
0x1be: {  	[tilespmem:v58+s21+$0x0] =	vst.idx.msk $0xffff, v57;
	v57 =	vld [tilespmem:s16+$0xFFFFFF60];
	v58 =	vadd.s32 v22, v38  }
0x1bf: {  	[tilespmem:v62+s21+$0x0] =	vst.idx.msk $0xffff, v61;
	v61 =	vld [tilespmem:s16+$0xFFFFFE20];
	v62 =	vadd.s32 v2, v45  }
0x1c0: {  	v60 =	vadd.s32 v26, v35;
	v59 =	vld [tilespmem:s16+$0xFFFFFFA0];
	[tilespmem:v63+s21+$0x0] =	vst.idx.msk $0xffff, v33  }
0x1c1: {  	v55 =	vadd.s32 v11, v40;
	v54 =	vadd.s32 v32, v41;
	v41 =	vld [tilespmem:s16+$0xFFFFFEB0];
	[tilespmem:v56+s21+$0x0] =	vst.idx.msk $0xffff, v49  }
0x1c2: {  	v53 =	vadd.s32 v7, v47;
	v63 =	vld [tilespmem:s16+$0xFFFFFE70];
	[tilespmem:v39+s21+$0x0] =	vst.idx.msk $0xffff, v34  }
0x1c3: {  	v56 =	vld [tilespmem:s16+$0xFFFFFEF0];
	[tilespmem:v58+s21+$0x0] =	vst.idx.msk $0xffff, v57;
	v57 =	vadd.s32 v15, v42  }
0x1c4: {  	[tilespmem:v62+s21+$0x0] =	vst.idx.msk $0xffff, v61;
	v34 =	vld [tilespmem:s16+$0x0]  }
0x1c5: {  	v58 =	vld [tilespmem:s16+$0xFFFFFF30];
	[tilespmem:v60+s21+$0x0] =	vst.idx.msk $0xffff, v59;
	v59 =	vadd.s32 v19, v44  }
0x1c6: {  	v61 =	vadd.s32 v23, v38;
	[tilespmem:v55+s21+$0x0] =	vst.idx.msk $0xffff, v41;
	v60 =	vld [tilespmem:s16+$0xFFFFFF70]  }
0x1c7: {  	[tilespmem:v53+s21+$0x0] =	vst.idx.msk $0xffff, v63;
	v63 =	vadd.s32 v27, v35;
	v62 =	vld [tilespmem:s16+$0xFFFFFFB0]  }
0x1c8: {  	v47 =	vadd.s32 v8, v47;
	v55 =	vld [tilespmem:s16+$0xFFFFFE80];
	[tilespmem:v57+s21+$0x0] =	vst.idx.msk $0xffff, v56  }
0x1c9: {  	v53 =	vld [tilespmem:s16+$0xFFFFFE30];
	[tilespmem:v54+s21+$0x0] =	vst.idx.msk $0xffff, v34;
	v54 =	vadd.s32 v3, v45  }
0x1ca: {  	v40 =	vadd.s32 v12, v40;
	v56 =	vld [tilespmem:s16+$0xFFFFFEC0];
	[tilespmem:v59+s21+$0x0] =	vst.idx.msk $0xffff, v58  }
0x1cb: {  	v42 =	vadd.s32 v16, v42;
	v57 =	vld [tilespmem:s16+$0xFFFFFF00];
	[tilespmem:v61+s21+$0x0] =	vst.idx.msk $0xffff, v60  }
0x1cc: {  	v59 =	vadd.s32 v20, v44;
	v58 =	vld [tilespmem:s16+$0xFFFFFF40];
	[tilespmem:v63+s21+$0x0] =	vst.idx.msk $0xffff, v62  }
0x1cd: {  	v38 =	vadd.s32 v24, v38;
	v60 =	vld [tilespmem:s16+$0xFFFFFF80];
	[tilespmem:v47+s21+$0x0] =	vst.idx.msk $0xffff, v55  }
0x1ce: {  	v35 =	vadd.s32 v28, v35;
	v61 =	vld [tilespmem:s16+$0xFFFFFFC0];
	[tilespmem:v54+s21+$0x0] =	vst.idx.msk $0xffff, v53  }
0x1cf: {  	v63 =	vadd.s32 v4, v45;
	[tilespmem:v40+s21+$0x0] =	vst.idx.msk $0xffff, v56;
	v62 =	vld [tilespmem:s16+$0xFFFFFE40]  }
0x1d0: {  	[tilespmem:v42+s21+$0x0] =	vst.idx.msk $0xffff, v57  }
0x1d1: {  	[tilespmem:v59+s21+$0x0] =	vst.idx.msk $0xffff, v58  }
0x1d2: {  	s17 =	sor.u32 s9, s0;
	[tilespmem:v38+s21+$0x0] =	vst.idx.msk $0xffff, v60  }
0x1d3: {  	s2 =	sshrl.u32 s17, $0x3;
	[tilespmem:v35+s21+$0x0] =	vst.idx.msk $0xffff, v61  }
0x1d4: {  	s18 =	simm.s32 $0xE400;
	s11 =	sadd.s32 s1, s2;
	[tilespmem:v63+s21+$0x0] =	vst.idx.msk $0xffff, v62  }
0x1d5: {  	[hbm4b:s11+s3] =	stream.linear.scatter [tilespmem:s18], [sflag:$0x5], $0x80, $0x38;
	[tilespmem:$0x12800] =	vst v63  }
0x1d6: {  	s12 =	simm.s32 $0xE488;
	s16 =	sadd.s32 $0x10, s11  }
0x1d7: {  	[hbm4b:s16+s3] =	stream.linear.scatter [tilespmem:s12], [sflag:$0x5], $0x80, $0x38;
	[tilespmem:$0x12800] =	vst v63  }
0x1d8: {  	s17 =	simm.s32 $0xE510;
	s18 =	sadd.s32 $0x20, s11  }
0x1d9: {  	[hbm4b:s18+s3] =	stream.linear.scatter [tilespmem:s17], [sflag:$0x5], $0x80, $0x38;
	[tilespmem:$0x12800] =	vst v63  }
0x1da: {  	s12 =	simm.s32 $0xE598;
	s16 =	sadd.s32 $0x30, s11  }
0x1db: {  	[hbm4b:s16+s3] =	stream.linear.scatter [tilespmem:s12], [sflag:$0x5], $0x80, $0x38;
	[tilespmem:$0x12800] =	vst v63  }
0x1dc: {  	s17 =	simm.s32 $0xE620;
	s18 =	sadd.s32 $0x40, s11  }
0x1dd: {  	[hbm4b:s18+s3] =	stream.linear.scatter [tilespmem:s17], [sflag:$0x5], $0x80, $0x38;
	[tilespmem:$0x12800] =	vst v63  }
0x1de: {  	s2 =	simm.s32 $0x440;
	s12 =	simm.s32 $0xE6A8;
	s16 =	sadd.s32 $0x50, s11  }
0x1df: {  	[hbm4b:s16+s3] =	stream.linear.scatter [tilespmem:s12], [sflag:$0x5], $0x80, $0x38;
	[tilespmem:$0x12800] =	vst v63  }
0x1e0: {  	s17 =	simm.s32 $0xE730;
	s18 =	sadd.s32 $0x60, s11;
	s12 =	simm.s32 $0x2200  }
0x1e1: {  	[hbm4b:s18+s3] =	stream.linear.scatter [tilespmem:s17], [sflag:$0x5], $0x80, $0x38;
	[tilespmem:$0x12800] =	vst v63  }
0x1e2: {  	s16 =	simm.s32 $0xE7B8;
	s17 =	sadd.s32 $0x70, s11;
	s11 =	sadd.s32 $0x4000, s11  }
.LBB2_17:
0x1e3: {  	[hbm4b:s17+s3] =	stream.linear.scatter [tilespmem:s16], [sflag:$0x5], $0x80, $0x38;
	[tilespmem:$0x12800] =	vst v63  }
0x1e4: {  	s16 =	smov.u32 s2;
	s2 =	smov.u32 s12  }
0x1e5: {  	s18 =	sadd.s32 $0x1100, s12;
	s2 =	sshra.s32 s2, $0x2;
	s17 =	sadd.s32 $0xE400, s16  }
0x1e6: {  	[hbm4b:s11+s3] =	stream.linear.scatter [tilespmem:s17], [sflag:$0x5], $0x80, $0x38;
	[tilespmem:$0x12800] =	vst v63  }
0x1e7: {  	p1 =	sne.s32 s12, $0x7700;
	s12 =	sadd.s32 $0xE488, s16;
	s17 =	sadd.s32 $0x10, s11  }
0x1e8: {  	[hbm4b:s17+s3] =	stream.linear.scatter [tilespmem:s12], [sflag:$0x5], $0x80, $0x38;
	[tilespmem:$0x12800] =	vst v63  }
0x1e9: {  	s12 =	sadd.s32 $0xE510, s16;
	s17 =	sadd.s32 $0x20, s11  }
0x1ea: {  	[hbm4b:s17+s3] =	stream.linear.scatter [tilespmem:s12], [sflag:$0x5], $0x80, $0x38;
	[tilespmem:$0x12800] =	vst v63  }
0x1eb: {  	s12 =	sadd.s32 $0xE598, s16;
	s17 =	sadd.s32 $0x30, s11  }
0x1ec: {  	[hbm4b:s17+s3] =	stream.linear.scatter [tilespmem:s12], [sflag:$0x5], $0x80, $0x38;
	[tilespmem:$0x12800] =	vst v63  }
0x1ed: {  	s12 =	sadd.s32 $0xE620, s16;
	s17 =	sadd.s32 $0x40, s11  }
0x1ee: {  	[hbm4b:s17+s3] =	stream.linear.scatter [tilespmem:s12], [sflag:$0x5], $0x80, $0x38;
	[tilespmem:$0x12800] =	vst v63  }
.Ltmp8:
0x1ef: {  	s12 =	sadd.s32 $0xE6A8, s16;
	s17 =	sadd.s32 $0x50, s11;
	(pc) =	sbr.rel @p1 .LBB2_17-.Ltmp8, $4  }
0x1f0: {  	[hbm4b:s17+s3] =	stream.linear.scatter [tilespmem:s12], [sflag:$0x5], $0x80, $0x38;
	[tilespmem:$0x12800] =	vst v63  }
0x1f1: {  	s12 =	sadd.s32 $0xE730, s16;
	s17 =	sadd.s32 $0x60, s11;
	s16 =	sadd.s32 $0xE7B8, s16  }
0x1f2: {  	[hbm4b:s17+s3] =	stream.linear.scatter [tilespmem:s12], [sflag:$0x5], $0x80, $0x38;
	[tilespmem:$0x12800] =	vst v63  }
0x1f3: {  	s17 =	sadd.s32 $0x70, s11;
	s11 =	sadd.s32 $0x4000, s11;
	s12 =	smov.u32 s18  }
0x1f4: {  	[hbm4b:s17+s3] =	stream.linear.scatter [tilespmem:s16], [sflag:$0x5], $0x80, $0x38;
	[tilespmem:$0x12800] =	vst v63  }
0x1f5: {  	s12 =	sadd.s32 $0xE400, s2  }
0x1f6: {  	[hbm4b:s11+s3] =	stream.linear.scatter [tilespmem:s12], [sflag:$0x5], $0x80, $0x38;
	[tilespmem:$0x12800] =	vst v63  }
0x1f7: {  	s17 =	sadd.s32 $0xE488, s2;
	s18 =	sadd.s32 $0x10, s11  }
0x1f8: {  	[hbm4b:s18+s3] =	stream.linear.scatter [tilespmem:s17], [sflag:$0x5], $0x80, $0x38;
	[tilespmem:$0x12800] =	vst v63  }
0x1f9: {  	s17 =	sadd.s32 $0xE510, s2;
	s18 =	sadd.s32 $0x20, s11  }
0x1fa: {  	[hbm4b:s18+s3] =	stream.linear.scatter [tilespmem:s17], [sflag:$0x5], $0x80, $0x38;
	[tilespmem:$0x12800] =	vst v63  }
0x1fb: {  	s17 =	sadd.s32 $0xE598, s2;
	s18 =	sadd.s32 $0x30, s11  }
0x1fc: {  	[hbm4b:s18+s3] =	stream.linear.scatter [tilespmem:s17], [sflag:$0x5], $0x80, $0x38;
	[tilespmem:$0x12800] =	vst v63  }
0x1fd: {  	s17 =	sadd.s32 $0xE620, s2;
	s18 =	sadd.s32 $0x40, s11  }
0x1fe: {  	[hbm4b:s18+s3] =	stream.linear.scatter [tilespmem:s17], [sflag:$0x5], $0x80, $0x38;
	[tilespmem:$0x12800] =	vst v63  }
0x1ff: {  	s16 =	simm.s32 $0x2;
	s17 =	sadd.s32 $0xE6A8, s2;
	s18 =	sadd.s32 $0x50, s11  }
0x200: {  	[hbm4b:s18+s3] =	stream.linear.scatter [tilespmem:s17], [sflag:$0x5], $0x80, $0x38;
	[tilespmem:$0x12800] =	vst v63  }
0x201: {  	v35 =	vmov s16;
	s16 =	simm.s32 $0x5;
	s17 =	sadd.s32 $0xE730, s2;
	s18 =	sadd.s32 $0x60, s11  }
0x202: {  	[hbm4b:s18+s3] =	stream.linear.scatter [tilespmem:s17], [sflag:$0x5], $0x80, $0x38;
	[tilespmem:$0x12800] =	vst v63  }
0x203: {  	s12 =	simm.s32 @!p0 $0xA400;
	s17 =	sadd.s32 $0xE7B8, s2;
	s18 =	sadd.s32 $0x70, s11  }
0x204: {  	v35 =	vshrl.u32 v35, $0x3;
	[hbm4b:s18+s3] =	stream.linear.scatter [tilespmem:s17], [sflag:$0x5], $0x80, $0x38;
	[tilespmem:$0x12800] =	vst v63  }
0x205: {  	v52 =	vshll.u32 v35, v1;
	s2 =	sadd.s32 @!p0 $0x300, s31;
	s11 =	simm.s32 @!p0 $0x80;
	s31 =	simm.s32 $0x7  }
0x206: {  	v52 =	vbroadcast v52, $0x0;
	[tilespmem:s12], [sflag:$0x3] =	stream.indirect.gather @!p0 [hbm4b:s4+s11], $0x40, s2, s11, $0xb8;
	[tilespmem:$0x12800] =	vst v63  }
0x207: {  	v39 =	vmov s16;
	v38 =	vmov s31;
	s17 =	simm.s32 $0x3;
	_ =	swait.ge [sflag:s28], $0x2000  }
0x208: {  	v55 =	vshrl.u32 v39, $0x3;
	v49 =	vadd.s32 v9, v52;
	s18 =	simm.s32 $0x4;
	v38 =	vshrl.u32 v38, $0x3;
	s11 =	simm.s32 $0x0;
	[sflag:s28] =	ssyncset.done $0x0  }
0x209: {  	v36 =	vmov s17;
	v37 =	vmov s18;
	s12 =	simm.s32 $0x1;
	v33 =	vmov s11;
	[sflag:s28] =	ssyncadd.s32 $0xFFFFE000  }
0x20a: {  	v38 =	vshll.u32 v38, v1;
	v34 =	vmov s12;
	v33 =	vshrl.u32 v33, $0x3;
	_ =	swait.ge [sflag:s23], $0x2000  }
0x20b: {  	s17 =	simm.s32 $0x6;
	v38 =	vbroadcast v38, $0x0;
	v34 =	vshrl.u32 v34, $0x3;
	v33 =	vshll.u32 v33, v1;
	[sflag:s23] =	ssyncset.done $0x0  }
0x20c: {  	v40 =	vmov s17;
	s2 =	simm.s32 $0xC5F0;
	v34 =	vshll.u32 v34, v1;
	v33 =	vbroadcast v33, $0x0;
	[sflag:s23] =	ssyncadd.s32 $0xFFFFE000  }
0x20d: {  	v36 =	vshrl.u32 v36, $0x3;
	v42 =	vadd.s32 v29, v38;
	v45 =	vbroadcast v34, $0x0;
	v41 =	vld [tilespmem:s2+$0xFFFFFFD0]  }
0x20e: {  	v37 =	vshrl.u32 v37, $0x3;
	v53 =	vshll.u32 v36, v1;
	v44 =	vadd.s32 v0, v33;
	v43 =	vld [tilespmem:s2+$0xFFFFFE10]  }
0x20f: {  	v54 =	vshll.u32 v37, v1;
	v35 =	vbroadcast v53, $0x0;
	v47 =	vadd.s32 v5, v45;
	v46 =	vld [tilespmem:s2+$0xFFFFFE50]  }
0x210: {  	v36 =	vshll.u32 v55, v1;
	v40 =	vshrl.u32 v40, $0x3;
	v34 =	vbroadcast v54, $0x0;
	v48 =	vld [tilespmem:s2+$0xFFFFFE90]  }
0x211: {  	v37 =	vbroadcast v36, $0x0;
	v56 =	vshll.u32 v40, v1;
	v50 =	vadd.s32 v13, v35;
	v39 =	vld [tilespmem:s2+$0xFFFFFED0]  }
0x212: {  	v36 =	vbroadcast v56, $0x0;
	v53 =	vadd.s32 v17, v34;
	v51 =	vld [tilespmem:s2+$0xFFFFFF10];
	[tilespmem:v42+s24+$0x0] =	vst.idx.msk $0xffff, v41  }
0x213: {  	v60 =	vadd.s32 v21, v37;
	v59 =	vld [tilespmem:s2+$0xFFFFFF50];
	[tilespmem:v44+s24+$0x0] =	vst.idx.msk $0xffff, v43  }
0x214: {  	v62 =	vadd.s32 v25, v36;
	v61 =	vld [tilespmem:s2+$0xFFFFFF90];
	[tilespmem:v47+s24+$0x0] =	vst.idx.msk $0xffff, v46  }
0x215: {  	v58 =	vadd.s32 v30, v38;
	[tilespmem:v49+s24+$0x0] =	vst.idx.msk $0xffff, v48;
	v57 =	vld [tilespmem:s2+$0xFFFFFFE0]  }
0x216: {  	v63 =	vadd.s32 v6, v45;
	[tilespmem:v50+s24+$0x0] =	vst.idx.msk $0xffff, v39;
	v47 =	vld [tilespmem:s2+$0xFFFFFE60]  }
0x217: {  	v55 =	vadd.s32 v10, v52;
	[tilespmem:v53+s24+$0x0] =	vst.idx.msk $0xffff, v51;
	v54 =	vld [tilespmem:s2+$0xFFFFFEA0]  }
0x218: {  	v56 =	vadd.s32 v14, v35;
	[tilespmem:v60+s24+$0x0] =	vst.idx.msk $0xffff, v59;
	v50 =	vld [tilespmem:s2+$0xFFFFFEE0]  }
0x219: {  	[tilespmem:v62+s24+$0x0] =	vst.idx.msk $0xffff, v61;
	v46 =	vadd.s32 v22, v37;
	v44 =	vld [tilespmem:s2+$0xFFFFFF60]  }
0x21a: {  	v59 =	vadd.s32 v18, v34;
	[tilespmem:v58+s24+$0x0] =	vst.idx.msk $0xffff, v57;
	v58 =	vld [tilespmem:s2+$0xFFFFFF20]  }
0x21b: {  	v57 =	vadd.s32 v31, v38;
	[tilespmem:v63+s24+$0x0] =	vst.idx.msk $0xffff, v47;
	v40 =	vld [tilespmem:s2+$0xFFFFFFF0]  }
0x21c: {  	v60 =	vadd.s32 v26, v36;
	[tilespmem:v55+s24+$0x0] =	vst.idx.msk $0xffff, v54;
	v63 =	vld [tilespmem:s2+$0xFFFFFFA0]  }
0x21d: {  	v62 =	vadd.s32 v2, v33;
	v61 =	vld [tilespmem:s2+$0xFFFFFE20];
	[tilespmem:v56+s24+$0x0] =	vst.idx.msk $0xffff, v50  }
0x21e: {  	v51 =	vadd.s32 v7, v45;
	[tilespmem:v46+s24+$0x0] =	vst.idx.msk $0xffff, v44;
	v50 =	vld [tilespmem:s2+$0xFFFFFE70]  }
0x21f: {  	v56 =	vadd.s32 v11, v52;
	v55 =	vld [tilespmem:s2+$0xFFFFFEB0];
	[tilespmem:v59+s24+$0x0] =	vst.idx.msk $0xffff, v58  }
0x220: {  	v58 =	vadd.s32 v15, v35;
	[tilespmem:v57+s24+$0x0] =	vst.idx.msk $0xffff, v40;
	v57 =	vld [tilespmem:s2+$0xFFFFFEF0]  }
0x221: {  	[tilespmem:v60+s24+$0x0] =	vst.idx.msk $0xffff, v63;
	v60 =	vadd.s32 v19, v34;
	v59 =	vld [tilespmem:s2+$0xFFFFFF30]  }
0x222: {  	s31 =	simm.s32 $0x9;
	v38 =	vadd.s32 v32, v38;
	[tilespmem:v62+s24+$0x0] =	vst.idx.msk $0xffff, v61;
	v54 =	vld [tilespmem:s2+$0x0]  }
0x223: {  	s18 =	simm.s32 $0x8;
	v41 =	vadd.s32 v23, v37;
	v53 =	vmov s31;
	[tilespmem:v51+s24+$0x0] =	vst.idx.msk $0xffff, v50;
	v40 =	vld [tilespmem:s2+$0xFFFFFF70]  }
0x224: {  	s16 =	simm.s32 $0xB;
	s17 =	simm.s32 $0xC;
	v43 =	vadd.s32 v27, v36;
	v48 =	vadd.s32 v3, v33;
	v63 =	vmov s18;
	v42 =	vld [tilespmem:s2+$0xFFFFFFB0];
	[tilespmem:v56+s24+$0x0] =	vst.idx.msk $0xffff, v55  }
0x225: {  	s31 =	simm.s32 $0xE;
	v44 =	vmov s16;
	v47 =	vmov s17;
	v46 =	vld [tilespmem:s2+$0xFFFFFE30];
	v39 =	vshrl.u32 v63, $0x3;
	[tilespmem:v58+s24+$0x0] =	vst.idx.msk $0xffff, v57  }
0x226: {  	s12 =	simm.s32 $0xA;
	s18 =	simm.s32 $0xD;
	v51 =	vadd.s32 v8, v45;
	v49 =	vld [tilespmem:s2+$0xFFFFFE80];
	v45 =	vshll.u32 v39, v1;
	v39 =	vmov s31;
	[tilespmem:v60+s24+$0x0] =	vst.idx.msk $0xffff, v59  }
0x227: {  	s11 =	simm.s32 $0x10;
	v52 =	vadd.s32 v12, v52;
	v50 =	vld [tilespmem:s2+$0xFFFFFEC0];
	[tilespmem:v38+s24+$0x0] =	vst.idx.msk $0xffff, v54;
	v54 =	vmov s12;
	v38 =	vmov s18;
	s12 =	simm.s32 $0xF  }
.LBB2_19:
0x228: {  	p0 =	slt.u32 s11, $0x78;
	v53 =	vshrl.u32 v53, $0x3;
	v55 =	vmov s12;
	v56 =	vld [tilespmem:s2+$0xFFFFFF00];
	v35 =	vadd.s32 v16, v35;
	[tilespmem:v41+s24+$0x0] =	vst.idx.msk $0xffff, v40  }
0x229: {  	v40 =	vshrl.u32 v54, $0x3;
	v34 =	vadd.s32 v20, v34;
	v41 =	vshrl.u32 v55, $0x3;
	v54 =	vld [tilespmem:s2+$0xFFFFFF40];
	[tilespmem:v43+s24+$0x0] =	vst.idx.msk $0xffff, v42  }
0x22a: {  	v37 =	vadd.s32 v24, v37;
	v42 =	vshrl.u32 v44, $0x3;
	v41 =	vshll.u32 v41, v1;
	[tilespmem:v48+s24+$0x0] =	vst.idx.msk $0xffff, v46;
	v43 =	vld [tilespmem:s2+$0xFFFFFF80]  }
0x22b: {  	v36 =	vadd.s32 v28, v36;
	v44 =	vshrl.u32 v47, $0x3;
	v41 =	vbroadcast v41, $0x0;
	[tilespmem:v51+s24+$0x0] =	vst.idx.msk $0xffff, v49;
	v46 =	vld [tilespmem:s2+$0xFFFFFFC0]  }
0x22c: {  	v47 =	vshll.u32 v53, v1;
	v49 =	vadd.s32 v4, v33;
	v33 =	vbroadcast v45, $0x0;
	v48 =	vld [tilespmem:s2+$0xFFFFFE40];
	[tilespmem:v52+s24+$0x0] =	vst.idx.msk $0xffff, v50;
	s2 =	sadd.s32 $0x200, s2  }
0x22d: {  	v40 =	vshll.u32 v40, v1;
	v45 =	vbroadcast v47, $0x0;
	v47 =	vld [tilespmem:s2+$0xFFFFFFD0];
	v50 =	vadd.s32 v29, v41;
	[tilespmem:v35+s24+$0x0] =	vst.idx.msk $0xffff, v56  }
0x22e: {  	v55 =	vbroadcast v40, $0x0;
	v52 =	vadd.s32 v0, v33;
	v35 =	vshll.u32 v42, v1;
	v51 =	vld [tilespmem:s2+$0xFFFFFE10];
	[tilespmem:v34+s24+$0x0] =	vst.idx.msk $0xffff, v54  }
0x22f: {  	v42 =	vadd.s32 v5, v45;
	v35 =	vbroadcast v35, $0x0;
	v34 =	vshll.u32 v44, v1;
	v40 =	vld [tilespmem:s2+$0xFFFFFE50];
	[tilespmem:v37+s24+$0x0] =	vst.idx.msk $0xffff, v43  }
0x230: {  	v44 =	vadd.s32 v9, v55;
	v34 =	vbroadcast v34, $0x0;
	v37 =	vshrl.u32 v38, $0x3;
	v43 =	vld [tilespmem:s2+$0xFFFFFE90];
	[tilespmem:v36+s24+$0x0] =	vst.idx.msk $0xffff, v46  }
0x231: {  	v39 =	vshrl.u32 v39, $0x3;
	v46 =	vadd.s32 v13, v35;
	v36 =	vshll.u32 v37, v1;
	v38 =	vld [tilespmem:s2+$0xFFFFFED0];
	[tilespmem:v49+s24+$0x0] =	vst.idx.msk $0xffff, v48  }
0x232: {  	v49 =	vadd.s32 v17, v34;
	v37 =	vbroadcast v36, $0x0;
	v36 =	vshll.u32 v39, v1;
	v48 =	vld [tilespmem:s2+$0xFFFFFF10];
	[tilespmem:v50+s24+$0x0] =	vst.idx.msk $0xffff, v47  }
0x233: {  	v36 =	vbroadcast v36, $0x0;
	v47 =	vadd.s32 v30, v41;
	[tilespmem:v52+s24+$0x0] =	vst.idx.msk $0xffff, v51;
	v39 =	vld [tilespmem:s2+$0xFFFFFFE0]  }
0x234: {  	[tilespmem:v42+s24+$0x0] =	vst.idx.msk $0xffff, v40;
	v40 =	vld [tilespmem:s2+$0xFFFFFF50];
	v42 =	vadd.s32 v21, v37  }
0x235: {  	[tilespmem:v44+s24+$0x0] =	vst.idx.msk $0xffff, v43;
	v43 =	vld [tilespmem:s2+$0xFFFFFF90];
	v44 =	vadd.s32 v25, v36  }
0x236: {  	v51 =	vadd.s32 v6, v45;
	v50 =	vld [tilespmem:s2+$0xFFFFFE60];
	[tilespmem:v46+s24+$0x0] =	vst.idx.msk $0xffff, v38  }
0x237: {  	v46 =	vadd.s32 v10, v55;
	v38 =	vld [tilespmem:s2+$0xFFFFFEA0];
	[tilespmem:v49+s24+$0x0] =	vst.idx.msk $0xffff, v48  }
0x238: {  	v49 =	vadd.s32 v14, v35;
	v48 =	vld [tilespmem:s2+$0xFFFFFEE0];
	[tilespmem:v47+s24+$0x0] =	vst.idx.msk $0xffff, v39  }
0x239: {  	[tilespmem:v42+s24+$0x0] =	vst.idx.msk $0xffff, v40;
	v39 =	vld [tilespmem:s2+$0xFFFFFFF0];
	v40 =	vadd.s32 v31, v41  }
0x23a: {  	v47 =	vadd.s32 v18, v34;
	v42 =	vld [tilespmem:s2+$0xFFFFFF20];
	[tilespmem:v44+s24+$0x0] =	vst.idx.msk $0xffff, v43  }
0x23b: {  	v44 =	vadd.s32 v22, v37;
	[tilespmem:v51+s24+$0x0] =	vst.idx.msk $0xffff, v50;
	v43 =	vld [tilespmem:s2+$0xFFFFFF60]  }
0x23c: {  	[tilespmem:v46+s24+$0x0] =	vst.idx.msk $0xffff, v38;
	v38 =	vld [tilespmem:s2+$0xFFFFFFA0];
	v46 =	vadd.s32 v26, v36  }
0x23d: {  	v51 =	vadd.s32 v2, v33;
	v50 =	vld [tilespmem:s2+$0xFFFFFE20];
	[tilespmem:v49+s24+$0x0] =	vst.idx.msk $0xffff, v48  }
0x23e: {  	v49 =	vadd.s32 v7, v45;
	v48 =	vld [tilespmem:s2+$0xFFFFFE70];
	[tilespmem:v40+s24+$0x0] =	vst.idx.msk $0xffff, v39  }
0x23f: {  	[tilespmem:v47+s24+$0x0] =	vst.idx.msk $0xffff, v42;
	v39 =	vld [tilespmem:s2+$0x0];
	v47 =	vadd.s32 v32, v41  }
0x240: {  	v56 =	vadd.s32 v11, v55;
	v52 =	vld [tilespmem:s2+$0xFFFFFEB0];
	[tilespmem:v44+s24+$0x0] =	vst.idx.msk $0xffff, v43  }
0x241: {  	v58 =	vadd.s32 v15, v35;
	v57 =	vld [tilespmem:s2+$0xFFFFFEF0];
	[tilespmem:v46+s24+$0x0] =	vst.idx.msk $0xffff, v38  }
0x242: {  	v60 =	vadd.s32 v19, v34;
	[tilespmem:v51+s24+$0x0] =	vst.idx.msk $0xffff, v50;
	v59 =	vld [tilespmem:s2+$0xFFFFFF30]  }
.Ltmp9:
0x243: {  	s12 =	sadd.s32 $0x1, s11;
	v41 =	vadd.s32 v23, v37;
	v38 =	vmov s11;
	[tilespmem:v49+s24+$0x0] =	vst.idx.msk $0xffff, v48;
	v40 =	vld [tilespmem:s2+$0xFFFFFF70];
	(pc) =	sbr.rel @p0 .LBB2_19-.Ltmp9, $4  }
0x244: {  	s16 =	sadd.s32 $0x3, s11;
	v53 =	vmov s12;
	s12 =	sadd.s32 $0x2, s11;
	v43 =	vadd.s32 v27, v36;
	v50 =	vshrl.u32 v38, $0x3;
	v42 =	vld [tilespmem:s2+$0xFFFFFFB0];
	[tilespmem:v47+s24+$0x0] =	vst.idx.msk $0xffff, v39  }
0x245: {  	v54 =	vmov s12;
	s12 =	sadd.s32 $0x4, s11;
	v44 =	vmov s16;
	s16 =	sadd.s32 $0x5, s11;
	v48 =	vadd.s32 v3, v33;
	v46 =	vld [tilespmem:s2+$0xFFFFFE30];
	[tilespmem:v56+s24+$0x0] =	vst.idx.msk $0xffff, v52  }
0x246: {  	v38 =	vmov s16;
	v51 =	vadd.s32 v8, v45;
	v47 =	vmov s12;
	s12 =	sadd.s32 $0x6, s11;
	v49 =	vld [tilespmem:s2+$0xFFFFFE80];
	[tilespmem:v58+s24+$0x0] =	vst.idx.msk $0xffff, v57  }
0x247: {  	v45 =	vshll.u32 v50, v1;
	v39 =	vmov s12;
	s12 =	sadd.s32 $0x7, s11;
	s11 =	sadd.s32 $0x8, s11;
	v52 =	vadd.s32 v12, v55;
	v50 =	vld [tilespmem:s2+$0xFFFFFEC0];
	[tilespmem:v60+s24+$0x0] =	vst.idx.msk $0xffff, v59  }
0x248: {  	_ =	sdelay $0x2  }
0x249: {  	v53 =	vshrl.u32 v53, $0x3  }
0x24a: {  	v55 =	vmov s12;
	v56 =	vld [tilespmem:s2+$0xFFFFFF00];
	v35 =	vadd.s32 v16, v35;
	[tilespmem:v41+s24+$0x0] =	vst.idx.msk $0xffff, v40;
	v57 =	vshrl.u32 v54, $0x3  }
0x24b: {  	v59 =	vld [tilespmem:s2+$0xFFFFFF40];
	v34 =	vadd.s32 v20, v34;
	v60 =	vshrl.u32 v44, $0x3;
	v58 =	vshrl.u32 v55, $0x3;
	[tilespmem:v43+s24+$0x0] =	vst.idx.msk $0xffff, v42  }
0x24c: {  	v37 =	vadd.s32 v24, v37;
	v62 =	vshrl.u32 v47, $0x3;
	v61 =	vld [tilespmem:s2+$0xFFFFFF80];
	v41 =	vshll.u32 v58, v1;
	[tilespmem:v48+s24+$0x0] =	vst.idx.msk $0xffff, v46  }
0x24d: {  	v36 =	vadd.s32 v28, v36;
	v45 =	vbroadcast v45, $0x0;
	v63 =	vld [tilespmem:s2+$0xFFFFFFC0];
	v41 =	vbroadcast v41, $0x0;
	[tilespmem:v51+s24+$0x0] =	vst.idx.msk $0xffff, v49  }
0x24e: {  	v33 =	vadd.s32 v4, v33;
	s31 =	sadd.s32 $0x200, s2;
	v38 =	vshrl.u32 v38, $0x3;
	v55 =	vshll.u32 v53, v1;
	v48 =	vld [tilespmem:s2+$0xFFFFFE40];
	[tilespmem:v52+s24+$0x0] =	vst.idx.msk $0xffff, v50  }
0x24f: {  	v40 =	vshll.u32 v57, v1;
	v47 =	vbroadcast v55, $0x0;
	v49 =	vld [tilespmem:s31+$0xFFFFFFD0];
	v50 =	vadd.s32 v29, v41;
	[tilespmem:v35+s24+$0x0] =	vst.idx.msk $0xffff, v56  }
0x250: {  	v42 =	vshll.u32 v60, v1;
	v40 =	vbroadcast v40, $0x0;
	v35 =	vld [tilespmem:s31+$0xFFFFFE10];
	v56 =	vadd.s32 v0, v45;
	[tilespmem:v34+s24+$0x0] =	vst.idx.msk $0xffff, v59  }
0x251: {  	v57 =	vld [tilespmem:s31+$0xFFFFFE50];
	v44 =	vshll.u32 v62, v1;
	v42 =	vbroadcast v42, $0x0;
	v58 =	vadd.s32 v5, v47;
	[tilespmem:v37+s24+$0x0] =	vst.idx.msk $0xffff, v61  }
0x252: {  	v38 =	vshll.u32 v38, v1;
	v44 =	vbroadcast v44, $0x0;
	v60 =	vadd.s32 v9, v40;
	v59 =	vld [tilespmem:s31+$0xFFFFFE90];
	[tilespmem:v36+s24+$0x0] =	vst.idx.msk $0xffff, v63  }
0x253: {  	v38 =	vbroadcast v38, $0x0;
	v62 =	vadd.s32 v13, v42;
	v61 =	vld [tilespmem:s31+$0xFFFFFED0];
	[tilespmem:v33+s24+$0x0] =	vst.idx.msk $0xffff, v48  }
0x254: {  	v39 =	vshrl.u32 v39, $0x3;
	v63 =	vadd.s32 v17, v44;
	v33 =	vld [tilespmem:s31+$0xFFFFFF10];
	[tilespmem:v50+s24+$0x0] =	vst.idx.msk $0xffff, v49  }
0x255: {  	v39 =	vshll.u32 v39, v1;
	v34 =	vld [tilespmem:s31+$0xFFFFFF50];
	[tilespmem:v56+s24+$0x0] =	vst.idx.msk $0xffff, v35;
	v56 =	vadd.s32 v21, v38  }
0x256: {  	[tilespmem:v58+s24+$0x0] =	vst.idx.msk $0xffff, v57;
	v35 =	vbroadcast v39, $0x0;
	v49 =	vadd.s32 v30, v41;
	v39 =	vld [tilespmem:s31+$0xFFFFFFE0]  }
0x257: {  	[tilespmem:v60+s24+$0x0] =	vst.idx.msk $0xffff, v59;
	v59 =	vld [tilespmem:s31+$0xFFFFFE60];
	v60 =	vadd.s32 v6, v47  }
0x258: {  	v57 =	vld [tilespmem:s31+$0xFFFFFF90];
	[tilespmem:v62+s24+$0x0] =	vst.idx.msk $0xffff, v61;
	v58 =	vadd.s32 v25, v35  }
0x259: {  	v61 =	vld [tilespmem:s31+$0xFFFFFEA0];
	v62 =	vadd.s32 v10, v40;
	[tilespmem:v63+s24+$0x0] =	vst.idx.msk $0xffff, v33  }
0x25a: {  	v33 =	vld [tilespmem:s31+$0xFFFFFEE0];
	v63 =	vadd.s32 v14, v42;
	[tilespmem:v56+s24+$0x0] =	vst.idx.msk $0xffff, v34  }
0x25b: {  	v56 =	vadd.s32 v18, v44;
	[tilespmem:v49+s24+$0x0] =	vst.idx.msk $0xffff, v39;
	v49 =	vld [tilespmem:s31+$0xFFFFFF20]  }
0x25c: {  	[tilespmem:v60+s24+$0x0] =	vst.idx.msk $0xffff, v59;
	v39 =	vadd.s32 v31, v41;
	v34 =	vld [tilespmem:s31+$0xFFFFFFF0]  }
0x25d: {  	[tilespmem:v58+s24+$0x0] =	vst.idx.msk $0xffff, v57;
	v57 =	vld [tilespmem:s31+$0xFFFFFF60];
	v58 =	vadd.s32 v22, v38  }
0x25e: {  	[tilespmem:v62+s24+$0x0] =	vst.idx.msk $0xffff, v61;
	v61 =	vld [tilespmem:s31+$0xFFFFFE20];
	v62 =	vadd.s32 v2, v45  }
0x25f: {  	v60 =	vadd.s32 v26, v35;
	v59 =	vld [tilespmem:s31+$0xFFFFFFA0];
	[tilespmem:v63+s24+$0x0] =	vst.idx.msk $0xffff, v33  }
0x260: {  	v55 =	vadd.s32 v11, v40;
	v54 =	vadd.s32 v32, v41;
	v41 =	vld [tilespmem:s31+$0xFFFFFEB0];
	[tilespmem:v56+s24+$0x0] =	vst.idx.msk $0xffff, v49  }
0x261: {  	v53 =	vadd.s32 v7, v47;
	v63 =	vld [tilespmem:s31+$0xFFFFFE70];
	[tilespmem:v39+s24+$0x0] =	vst.idx.msk $0xffff, v34  }
0x262: {  	v56 =	vld [tilespmem:s31+$0xFFFFFEF0];
	[tilespmem:v58+s24+$0x0] =	vst.idx.msk $0xffff, v57;
	v57 =	vadd.s32 v15, v42  }
0x263: {  	[tilespmem:v62+s24+$0x0] =	vst.idx.msk $0xffff, v61;
	v34 =	vld [tilespmem:s31+$0x0]  }
0x264: {  	v58 =	vld [tilespmem:s31+$0xFFFFFF30];
	[tilespmem:v60+s24+$0x0] =	vst.idx.msk $0xffff, v59;
	v59 =	vadd.s32 v19, v44  }
0x265: {  	v61 =	vadd.s32 v23, v38;
	[tilespmem:v55+s24+$0x0] =	vst.idx.msk $0xffff, v41;
	v60 =	vld [tilespmem:s31+$0xFFFFFF70]  }
0x266: {  	[tilespmem:v53+s24+$0x0] =	vst.idx.msk $0xffff, v63;
	v63 =	vadd.s32 v27, v35;
	v62 =	vld [tilespmem:s31+$0xFFFFFFB0]  }
0x267: {  	v47 =	vadd.s32 v8, v47;
	v55 =	vld [tilespmem:s31+$0xFFFFFE80];
	[tilespmem:v57+s24+$0x0] =	vst.idx.msk $0xffff, v56  }
0x268: {  	v53 =	vld [tilespmem:s31+$0xFFFFFE30];
	[tilespmem:v54+s24+$0x0] =	vst.idx.msk $0xffff, v34;
	v54 =	vadd.s32 v3, v45  }
0x269: {  	v40 =	vadd.s32 v12, v40;
	v56 =	vld [tilespmem:s31+$0xFFFFFEC0];
	[tilespmem:v59+s24+$0x0] =	vst.idx.msk $0xffff, v58  }
0x26a: {  	v42 =	vadd.s32 v16, v42;
	v57 =	vld [tilespmem:s31+$0xFFFFFF00];
	[tilespmem:v61+s24+$0x0] =	vst.idx.msk $0xffff, v60  }
0x26b: {  	v59 =	vadd.s32 v20, v44;
	v58 =	vld [tilespmem:s31+$0xFFFFFF40];
	[tilespmem:v63+s24+$0x0] =	vst.idx.msk $0xffff, v62  }
0x26c: {  	v38 =	vadd.s32 v24, v38;
	v60 =	vld [tilespmem:s31+$0xFFFFFF80];
	[tilespmem:v47+s24+$0x0] =	vst.idx.msk $0xffff, v55  }
0x26d: {  	v35 =	vadd.s32 v28, v35;
	v61 =	vld [tilespmem:s31+$0xFFFFFFC0];
	[tilespmem:v54+s24+$0x0] =	vst.idx.msk $0xffff, v53  }
0x26e: {  	v63 =	vadd.s32 v4, v45;
	[tilespmem:v40+s24+$0x0] =	vst.idx.msk $0xffff, v56;
	v62 =	vld [tilespmem:s31+$0xFFFFFE40]  }
0x26f: {  	[tilespmem:v42+s24+$0x0] =	vst.idx.msk $0xffff, v57  }
0x270: {  	s0 =	sor.u32 s7, s0;
	[tilespmem:v59+s24+$0x0] =	vst.idx.msk $0xffff, v58  }
0x271: {  	s0 =	sshrl.u32 s0, $0x3;
	[tilespmem:v38+s24+$0x0] =	vst.idx.msk $0xffff, v60  }
0x272: {  	s0 =	sadd.s32 s0, s1;
	[tilespmem:v35+s24+$0x0] =	vst.idx.msk $0xffff, v61  }
0x273: {  	s11 =	simm.s32 $0x10600;
	s2 =	sadd.s32 $0x180, s0;
	[tilespmem:v63+s24+$0x0] =	vst.idx.msk $0xffff, v62  }
0x274: {  	[hbm4b:s2+s3] =	stream.linear.scatter [tilespmem:s11], [sflag:$0x6], $0x80, $0x38;
	[tilespmem:$0x12800] =	vst v63  }
0x275: {  	s12 =	simm.s32 $0x10688;
	s11 =	sadd.s32 $0x10, s2  }
0x276: {  	[hbm4b:s11+s3] =	stream.linear.scatter [tilespmem:s12], [sflag:$0x6], $0x80, $0x38;
	[tilespmem:$0x12800] =	vst v63  }
0x277: {  	s16 =	simm.s32 $0x10710;
	s18 =	simm.s32 $0x10798;
	s17 =	sadd.s32 $0x20, s2  }
0x278: {  	[hbm4b:s17+s3] =	stream.linear.scatter [tilespmem:s16], [sflag:$0x6], $0x80, $0x38;
	[tilespmem:$0x12800] =	vst v63  }
0x279: {  	s0 =	simm.s32 $0x440;
	s31 =	sadd.s32 $0x30, s2;
	s11 =	simm.s32 $0x10820  }
0x27a: {  	[hbm4b:s31+s3] =	stream.linear.scatter [tilespmem:s18], [sflag:$0x6], $0x80, $0x38;
	[tilespmem:$0x12800] =	vst v63  }
0x27b: {  	s12 =	sadd.s32 $0x40, s2;
	s16 =	simm.s32 $0x108A8;
	s17 =	sadd.s32 $0x50, s2  }
0x27c: {  	[hbm4b:s12+s3] =	stream.linear.scatter [tilespmem:s11], [sflag:$0x6], $0x80, $0x38;
	[tilespmem:$0x12800] =	vst v63  }
0x27d: {  	s18 =	simm.s32 $0x10930;
	s31 =	sadd.s32 $0x60, s2;
	s11 =	simm.s32 $0x2200  }
0x27e: {  	[hbm4b:s17+s3] =	stream.linear.scatter [tilespmem:s16], [sflag:$0x6], $0x80, $0x38;
	[tilespmem:$0x12800] =	vst v63  }
0x27f: {  	s12 =	simm.s32 $0x109B8;
	s16 =	sadd.s32 $0x70, s2;
	s2 =	sadd.s32 $0x4000, s2  }
0x280: {  	[hbm4b:s31+s3] =	stream.linear.scatter [tilespmem:s18], [sflag:$0x6], $0x80, $0x38;
	[tilespmem:$0x12800] =	vst v63  }
.LBB2_21:
0x281: {  	[hbm4b:s16+s3] =	stream.linear.scatter [tilespmem:s12], [sflag:$0x6], $0x80, $0x38;
	[tilespmem:$0x12800] =	vst v63  }
0x282: {  	s12 =	smov.u32 s0;
	s0 =	smov.u32 s11  }
0x283: {  	s17 =	sadd.s32 $0x1100, s11;
	s0 =	sshra.s32 s0, $0x2;
	s16 =	sadd.s32 $0x10600, s12  }
0x284: {  	[hbm4b:s2+s3] =	stream.linear.scatter [tilespmem:s16], [sflag:$0x6], $0x80, $0x38;
	[tilespmem:$0x12800] =	vst v63  }
0x285: {  	p0 =	sne.s32 s11, $0x7700;
	s11 =	sadd.s32 $0x10688, s12;
	s16 =	sadd.s32 $0x10, s2  }
0x286: {  	[hbm4b:s16+s3] =	stream.linear.scatter [tilespmem:s11], [sflag:$0x6], $0x80, $0x38;
	[tilespmem:$0x12800] =	vst v63  }
0x287: {  	s11 =	sadd.s32 $0x10710, s12;
	s16 =	sadd.s32 $0x20, s2  }
0x288: {  	[hbm4b:s16+s3] =	stream.linear.scatter [tilespmem:s11], [sflag:$0x6], $0x80, $0x38;
	[tilespmem:$0x12800] =	vst v63  }
0x289: {  	s11 =	sadd.s32 $0x10798, s12;
	s16 =	sadd.s32 $0x30, s2  }
0x28a: {  	[hbm4b:s16+s3] =	stream.linear.scatter [tilespmem:s11], [sflag:$0x6], $0x80, $0x38;
	[tilespmem:$0x12800] =	vst v63  }
0x28b: {  	s11 =	sadd.s32 $0x10820, s12;
	s16 =	sadd.s32 $0x40, s2  }
0x28c: {  	[hbm4b:s16+s3] =	stream.linear.scatter [tilespmem:s11], [sflag:$0x6], $0x80, $0x38;
	[tilespmem:$0x12800] =	vst v63  }
.Ltmp10:
0x28d: {  	s11 =	sadd.s32 $0x108A8, s12;
	s16 =	sadd.s32 $0x50, s2;
	(pc) =	sbr.rel @p0 .LBB2_21-.Ltmp10, $4  }
0x28e: {  	[hbm4b:s16+s3] =	stream.linear.scatter [tilespmem:s11], [sflag:$0x6], $0x80, $0x38;
	[tilespmem:$0x12800] =	vst v63  }
0x28f: {  	s11 =	sadd.s32 $0x10930, s12;
	s16 =	sadd.s32 $0x60, s2;
	s12 =	sadd.s32 $0x109B8, s12  }
0x290: {  	[hbm4b:s16+s3] =	stream.linear.scatter [tilespmem:s11], [sflag:$0x6], $0x80, $0x38;
	[tilespmem:$0x12800] =	vst v63  }
0x291: {  	s16 =	sadd.s32 $0x70, s2;
	s2 =	sadd.s32 $0x4000, s2;
	s11 =	smov.u32 s17  }
0x292: {  	[hbm4b:s16+s3] =	stream.linear.scatter [tilespmem:s12], [sflag:$0x6], $0x80, $0x38;
	[tilespmem:$0x12800] =	vst v63  }
0x293: {  	s11 =	sadd.s32 $0x10600, s0  }
0x294: {  	[hbm4b:s2+s3] =	stream.linear.scatter [tilespmem:s11], [sflag:$0x6], $0x80, $0x38;
	[tilespmem:$0x12800] =	vst v63  }
0x295: {  	s18 =	sadd.s32 $0x10688, s0;
	s31 =	sadd.s32 $0x10, s2  }
0x296: {  	[hbm4b:s31+s3] =	stream.linear.scatter [tilespmem:s18], [sflag:$0x6], $0x80, $0x38;
	[tilespmem:$0x12800] =	vst v63  }
0x297: {  	s16 =	sadd.s32 $0x10710, s0;
	s17 =	sadd.s32 $0x20, s2  }
0x298: {  	[hbm4b:s17+s3] =	stream.linear.scatter [tilespmem:s16], [sflag:$0x6], $0x80, $0x38;
	[tilespmem:$0x12800] =	vst v63  }
0x299: {  	s18 =	sadd.s32 $0x10798, s0;
	s31 =	sadd.s32 $0x30, s2  }
0x29a: {  	[hbm4b:s31+s3] =	stream.linear.scatter [tilespmem:s18], [sflag:$0x6], $0x80, $0x38;
	[tilespmem:$0x12800] =	vst v63  }
0x29b: {  	s30 =	sadd.s32 $0x1, s30;
	s16 =	sadd.s32 $0x10820, s0;
	s17 =	sadd.s32 $0x40, s2  }
0x29c: {  	[hbm4b:s17+s3] =	stream.linear.scatter [tilespmem:s16], [sflag:$0x6], $0x80, $0x38;
	[tilespmem:$0x12800] =	vst v63  }
0x29d: {  	p0 =	sne.s32 s30, $0x32;
	s18 =	sadd.s32 $0x108A8, s0;
	s31 =	sadd.s32 $0x50, s2  }
0x29e: {  	[hbm4b:s31+s3] =	stream.linear.scatter [tilespmem:s18], [sflag:$0x6], $0x80, $0x38;
	[tilespmem:$0x12800] =	vst v63  }
.Ltmp11:
0x29f: {  	_ = 	snop;
	(pc) =	sbr.rel @p0 .LBB2_2-.Ltmp11, $4  }
0x2a0: {  	s16 =	sadd.s32 $0x10930, s0;
	s17 =	sadd.s32 $0x60, s2  }
0x2a1: {  	[hbm4b:s17+s3] =	stream.linear.scatter [tilespmem:s16], [sflag:$0x6], $0x80, $0x38;
	[tilespmem:$0x12800] =	vst v63  }
0x2a2: {  	s18 =	sadd.s32 $0x109B8, s0;
	s31 =	sadd.s32 $0x70, s2  }
0x2a3: {  	[hbm4b:s31+s3] =	stream.linear.scatter [tilespmem:s18], [sflag:$0x6], $0x80, $0x38;
	[tilespmem:$0x12800] =	vst v63  }
0x2a4: {  	s29 =	sadd.s32 $0x1, s29  }
0x2a5: {  	_ =	swait.ge [sflag:s26], $0x2000;
	p0 =	sne.s32 s29, s10  }
.Ltmp12:
0x2a6: {  	[sflag:s26] =	ssyncset.done $0x0;
	(pc) =	sbr.rel @p0 .LBB2_1-.Ltmp12, $4  }
0x2a7: {  	[sflag:s26] =	ssyncadd.s32 $0xFFFFE000  }
0x2a8: {  	_ =	swait.ge [sflag:s23], $0x2000  }
0x2a9: {  	[sflag:s23] =	ssyncset.done $0x0  }
0x2aa: {  	[sflag:s23] =	ssyncadd.s32 $0xFFFFE000  }
0x2ab: {  	_ =	sfence.sel $0x180000  }
0x2ac: {  	[bflag:$0x0] =	sbarrier.arrive $0xFFFF  }
0x2ad: {  	_ =	strace $0x90000047  }
0x2ae: {  	s0 =	stileid.u32;
	[bflag:$0x2] =	sbarrier.arrive $0xFFFF  }
0x2af: {  	p0 =	sne.s32 s0, $0x0;
	s0 =	rddreg [dreg:$0x2]  }
0x2b0: {  	s0 =	sadd.s32 @!p0 $0x100000, s0  }
0x2b1: {  	[sflag:s0] =	ssyncadd.tile.s32 @!p0 $0x1;
	_ =	shalt  }
.Lfunc_end2:
_tile_overlayer_lowered:
.L_overlay_start_2:
0x2b2: {  	(tag) =	ssettag $0x2  }
0x2b3: {  	s0 =	rddreg [dreg:$0x0];
	s2 =	stileid.u32  }
0x2b4: {  	s1 =	rddreg [dreg:$0x1];
	p0 =	sne.s32 s2, $0x0  }
0x2b5: {  	s3 =	rddreg [dreg:$0x2];
	[bflag:$0x3] =	sbarrier.arrive $0xFFFF;
	s2 =	simm.s32 @!p0 $0x1C07  }
0x2b6: {  	[timem:s3], [sflag:s2] =	dma.local @!p0 [hbm:s0], s1  }
0x2b7: {  	s0 =	simm.s32 @!p0 $0x7  }
0x2b8: {  	_ =	swait.ge @!p0 [sflag:s0], s1  }
0x2b9: {  	s1 =	ssub.s32 @!p0 $0x0, s1;
	[sflag:s0] =	ssyncset.done @!p0 $0x0  }
0x2ba: {  	[sflag:s0] =	ssyncadd.s32 @!p0 s1  }
0x2bb: {  	[bflag:$0x3] =	sbarrier.arrive $0xFFFF  }
0x2bc: {  	_ =	shalt  }

</sc_bundles>
